<compile_context>
chip_gen: v7x
topology: tpu7x:2x2x1
jax: 0.10.2.dev20260603
libtpu: 0.0.44.dev20260713+nightly
codegen_flags: <defaults>
</compile_context>

<pallas_src>
import functools

import jax
import jax.numpy as jnp
from jax import lax
from jax.experimental import pallas as pl
from jax.experimental.pallas import tpu as pltpu
from jax.experimental.pallas import tpu_sc as plsc

_NT = 8
_TW = 32
_CR = 128
_L = 16


@functools.lru_cache(maxsize=None)
def _build(total, nseg):
    n_chunks = total // _CR
    assert n_chunks * _CR == total
    info = plsc.get_sparse_core_info()
    nc, ns = info.num_cores, info.num_subcores
    nw = nc * ns
    ch_per_w = -(-n_chunks // nw)
    assert ch_per_w % 2 == 0
    npad = (-(-(nseg + 1) // _L) + 1) * _L
    w0 = 1 << (nseg.bit_length() - 2)

    mesh = plsc.VectorSubcoreMesh(core_axis_name="c", subcore_axis_name="s")

    @functools.partial(
        pl.kernel,
        mesh=mesh,
        compiler_params=pltpu.CompilerParams(
            needs_layout_passes=False, use_tc_tiling_on_sc=False
        ),
        out_type=jax.ShapeDtypeStruct((n_chunks, _NT * _CR, _TW), jnp.float32),
        scratch_types=[
            pltpu.VMEM((npad,), jnp.int32),
            pltpu.VMEM((2, _NT * _CR), jnp.int32),
            pltpu.VMEM((2, _NT * _CR, _TW), jnp.float32),
            pltpu.SemaphoreType.DMA,
            pltpu.SemaphoreType.DMA,
            pltpu.SemaphoreType.DMA,
            pltpu.SemaphoreType.DMA,
        ],
    )
    def _k(flat_hbm, starts_hbm, out_hbm, starts_v, idx_v, buf_v,
           sg0, sg1, ss0, ss1):
        wid = lax.axis_index("s") * nc + lax.axis_index("c")

        pltpu.sync_copy(starts_hbm, starts_v)

        lane = lax.iota(jnp.int32, _L)
        pos_base = ((lane >> 3) << 6) + ((lane & 7) << 2)

        def compute_idx(p, c):
            base = c * _CR
            pv = jnp.full((_L,), p, jnp.int32)

            def vbody(v, carry):
                rowv = base + v * _L + lane
                vpos = v * (_L * _NT) + pos_base
                lo = jnp.zeros((_L,), jnp.int32)
                w = w0
                while w >= 1:
                    cand = lo + w
                    sv = plsc.load_gather(starts_v, [cand])
                    lo = jnp.where(sv <= rowv, cand, lo)
                    w >>= 1
                sstart = plsc.load_gather(starts_v, [lo])
                slen = plsc.load_gather(starts_v, [lo + 1]) - sstart
                local = rowv - sstart
                for i in range(_NT):
                    if i == 0:
                        src = rowv
                    else:
                        sh = 1 << (i - 1)
                        src = sstart + lax.rem(local + sh, slen)
                    const_i = ((i >> 2) << 5) + (i & 3)
                    g = ((src >> 3) << 6) + ((src & 7) << 2) + const_i
                    plsc.store_scatter(idx_v, [pv, vpos + const_i], g)
                return carry

            lax.fori_loop(0, _CR // _L, vbody, jnp.int32(0))

        def fire_gathers(p, sem):
            pltpu.async_copy(flat_hbm.at[idx_v.at[p]], buf_v.at[p], sem)

        def drain(p, sem):
            pltpu.make_async_copy(out_hbm.at[0], buf_v.at[p], sem).wait()

        def chunk_id(k):
            return jnp.minimum(wid * ch_per_w + k, n_chunks - 1)

        def pair_body(kk, carry):
            c_a = chunk_id(2 * kk)
            c_b = chunk_id(2 * kk + 1)
            not_first = kk > 0

            @pl.when(not_first)
            def _():
                drain(0, ss0)

            compute_idx(0, c_a)
            fire_gathers(0, sg0)

            @pl.when(not_first)
            def _():
                drain(1, sg1)
                pltpu.async_copy(buf_v.at[1], out_hbm.at[chunk_id(2 * kk - 1)],
                                 ss1)

            compute_idx(1, c_b)

            @pl.when(not_first)
            def _():
                drain(1, ss1)

            fire_gathers(1, sg1)
            drain(0, sg0)
            pltpu.async_copy(buf_v.at[0], out_hbm.at[c_a], ss0)
            return carry

        lax.fori_loop(0, ch_per_w // 2, pair_body, jnp.int32(0))

        drain(1, sg1)
        last_b = chunk_id(ch_per_w - 1)
        scp = pltpu.async_copy(buf_v.at[1], out_hbm.at[last_b], ss1)
        drain(0, ss0)
        scp.wait()

    return _k


def kernel(data, lengths):
    total, emb = data.shape
    assert emb == _NT * _TW
    nseg = lengths.shape[0]
    npad = (-(-(nseg + 1) // _L) + 1) * _L
    flat = (data.reshape(total // 8, 8, 2, 128)
            .transpose(0, 2, 1, 3)
            .reshape(total * _NT, _TW))
    lens = lengths.astype(jnp.int32)
    starts = jnp.concatenate([
        jnp.zeros((1,), jnp.int32),
        jnp.cumsum(lens),
        jnp.full((npad - nseg - 1,), jnp.int32(total)),
    ])
    out = _build(total, nseg)(flat, starts)
    return (out.reshape(total // 8, 2, 8, 128)
            .transpose(0, 2, 1, 3)
            .reshape(total, emb))

# --- scband reference (transcript-rebuilt; emitter-appended) ---
"""Pipeline reference for scband-split-and-mix-24086176596208 (READ-ONLY COPY).

The authoritative reference and input builder live on the scoring server;
editing this copy changes nothing except your own understanding.
"""

import jax, jax.numpy as jnp
import numpy as np

N_TRACKS = 8
ONE_TRACK = 32
EMB = N_TRACKS * ONE_TRACK
B = 256
TOTAL = 32640  # sum(arange(256))


def setup_inputs(seed: int = 0) -> dict:
    key = jax.random.key(seed)
    data = jax.random.normal(jax.random.fold_in(key, 0), (TOTAL, EMB), dtype=jnp.float32)
    lengths = jnp.arange(B, dtype=jnp.int32)  # sum == TOTAL; torch side uses int64
    return {"data": data, "lengths": lengths}


def reference(data, lengths):
    lens = lengths.astype(jnp.int32)
    starts = jnp.concatenate([jnp.zeros((1,), dtype=jnp.int32), jnp.cumsum(lens)])
    rows = jnp.arange(data.shape[0], dtype=jnp.int32)
    seg = jnp.searchsorted(starts, rows, side='right') - 1
    seg_start = starts[seg]
    local = rows - seg_start
    seg_len = lens[seg]
    parts = [data[:, 0:ONE_TRACK]]
    for i in range(1, N_TRACKS):
        shift = 2 ** (i - 1)
        src = seg_start + (local + shift) % seg_len
        parts.append(data[src, i * ONE_TRACK:(i + 1) * ONE_TRACK])
    out = jnp.concatenate(parts, axis=-1)
    assert out.shape == data.shape
    return out

if __name__ == "__main__":
    import jax
    _d = setup_inputs()
    print(jax.jit(kernel)(*tuple(_d.values())))

</pallas_src>

<mosaic_0001>
#map = affine_map<(d0, d1) -> (0, 0)>
#map1 = affine_map<(d0, d1) -> (0)>
#map2 = affine_map<(d0, d1) -> (0, 0, 0)>
module attributes {stable_mosaic.version = 14 : i64} {
  func.func @_k(%arg0: i32, %arg1: i32, %arg2: memref<261120x32xf32, #tpu.memory_space<hbm>>, %arg3: memref<288xi32, #tpu.memory_space<hbm>>, %arg4: memref<255x1024x32xf32, #tpu.memory_space<hbm>>, %arg5: memref<288xi32, #tpu.memory_space<vmem>>, %arg6: memref<2x1024xi32, #tpu.memory_space<vmem>>, %arg7: memref<2x1024x32xf32, #tpu.memory_space<vmem>>, %arg8: memref<!tpu.dma_semaphore, #tpu.memory_space<semaphore_mem>>, %arg9: memref<!tpu.dma_semaphore, #tpu.memory_space<semaphore_mem>>, %arg10: memref<!tpu.dma_semaphore, #tpu.memory_space<semaphore_mem>>, %arg11: memref<!tpu.dma_semaphore, #tpu.memory_space<semaphore_mem>>) attributes {dimension_semantics = [#tpu.dimension_semantics<core_parallel>, #tpu.dimension_semantics<subcore_parallel>], iteration_bounds = array<i64: 2, 16>, scalar_prefetch = 0 : i64, scratch_operands = 7 : i64, tpu.core_type = #tpu.core_type<sc_vector_subcore>, window_params = [{transform_indices = #map}, {transform_indices = #map1}, {transform_indices = #map2}]} {
    %mul3A = arith.constant 2 : i32
    %mul3A_0 = arith.muli %arg1, %mul3A : i32
    %add3A = arith.addi %mul3A_0, %arg0 : i32
    "tpu.region"() ({
      %run_scoped3A = tpu.sem_alloc : memref<!tpu.dma_semaphore, #tpu.memory_space<semaphore_mem>>
      tpu.enqueue_dma source(%arg3 : memref<288xi32, #tpu.memory_space<hbm>>) target(%arg5 : memref<288xi32, #tpu.memory_space<vmem>>) target_semaphore(%run_scoped3A : memref<!tpu.dma_semaphore, #tpu.memory_space<semaphore_mem>>)
      tpu.wait_dma2 semaphore(%run_scoped3A : memref<!tpu.dma_semaphore, #tpu.memory_space<semaphore_mem>>) src(%arg3 : memref<288xi32, #tpu.memory_space<hbm>>) dst(%arg5 : memref<288xi32, #tpu.memory_space<vmem>>)
      tpu.yield
    }) : () -> ()
    %iota3A = tpu.iota {dimensions = array<i32: 0>} : vector<16xi32>
    %shift_right_arithmetic3A = arith.constant 3 : i32
    %shift_right_arithmetic3A_1 = vector.broadcast %shift_right_arithmetic3A : i32 to vector<16xi32>
    %shift_right_arithmetic3A_2 = arith.shrsi %iota3A, %shift_right_arithmetic3A_1 : vector<16xi32>
    %shift_left3A = arith.constant 6 : i32
    %shift_left3A_3 = vector.broadcast %shift_left3A : i32 to vector<16xi32>
    %shift_left3A_4 = arith.shli %shift_right_arithmetic3A_2, %shift_left3A_3 : vector<16xi32>
    %and3A = arith.constant 7 : i32
    %and3A_5 = vector.broadcast %and3A : i32 to vector<16xi32>
    %and3A_6 = arith.andi %iota3A, %and3A_5 : vector<16xi32>
    %shift_left3A_7 = arith.constant 2 : i32
    %shift_left3A_8 = vector.broadcast %shift_left3A_7 : i32 to vector<16xi32>
    %shift_left3A_9 = arith.shli %and3A_6, %shift_left3A_8 : vector<16xi32>
    %add3A_10 = arith.addi %shift_left3A_4, %shift_left3A_9 : vector<16xi32>
    %scan3A = arith.constant 0 : i32
    %scan3A_11 = arith.constant 0 : i32
    %scan3A_12 = arith.constant 4 : i32
    %scan3A_13 = arith.addi %scan3A_11, %scan3A_12 : i32
    %scan3A_14 = arith.constant 1 : i32
    scf.for %scan3A_89 = %scan3A_11 to %scan3A_13 step %scan3A_14  : i32 {
      %mul3A_90 = arith.constant 2 : i32
      %mul3A_91 = arith.muli %mul3A_90, %scan3A_89 : i32
      %mul3A_92 = arith.constant 8 : i32
      %mul3A_93 = arith.muli %add3A, %mul3A_92 : i32
      %add3A_94 = arith.addi %mul3A_93, %mul3A_91 : i32
      %min3A_95 = arith.constant 254 : i32
      %min3A_96 = arith.minsi %add3A_94, %min3A_95 : i32
      %mul3A_97 = arith.constant 2 : i32
      %mul3A_98 = arith.muli %mul3A_97, %scan3A_89 : i32
      %add3A_99 = arith.constant 1 : i32
      %add3A_100 = arith.addi %mul3A_98, %add3A_99 : i32
      %mul3A_101 = arith.constant 8 : i32
      %mul3A_102 = arith.muli %add3A, %mul3A_101 : i32
      %add3A_103 = arith.addi %mul3A_102, %add3A_100 : i32
      %min3A_104 = arith.constant 254 : i32
      %min3A_105 = arith.minsi %add3A_103, %min3A_104 : i32
      %gt3A = arith.constant 0 : i32
      %gt3A_106 = arith.cmpi sgt, %scan3A_89, %gt3A : i32
      %convert_element_type3A = arith.extui %gt3A_106 : i1 to i32
      %cond3A = arith.constant 0 : i32
      %cond3A_107 = arith.cmpi ne, %convert_element_type3A, %cond3A : i32
      scf.if %cond3A_107 {
        %dma_wait3A_192 = arith.constant 0 : i32
        %dma_wait3A_193 = arith.constant 0 : i32
        %dma_wait3A_194 = arith.constant 0 : i32
        %dma_wait3A_195 = arith.constant 0 : i32
        %dma_wait3A_196 = tpu.memref_slice %arg7[%dma_wait3A_193, %dma_wait3A_194, %dma_wait3A_195] : memref<2x1024x32xf32, #tpu.memory_space<vmem>> -> memref<1x1024x32xf32, #tpu.memory_space<vmem>>
        %dma_wait3A_197 = tpu.memref_squeeze %dma_wait3A_196 : memref<1x1024x32xf32, #tpu.memory_space<vmem>> -> memref<1024x32xf32, #tpu.memory_space<vmem>>
        %dma_wait3A_198 = arith.constant 0 : i32
        %dma_wait3A_199 = arith.constant 0 : i32
        %dma_wait3A_200 = tpu.memref_slice %arg4[%dma_wait3A_192, %dma_wait3A_198, %dma_wait3A_199] : memref<255x1024x32xf32, #tpu.memory_space<hbm>> -> memref<1x1024x32xf32, #tpu.memory_space<hbm>>
        %dma_wait3A_201 = tpu.memref_squeeze %dma_wait3A_200 : memref<1x1024x32xf32, #tpu.memory_space<hbm>> -> memref<1024x32xf32, #tpu.memory_space<hbm>>
        %dma_wait3A_202 = arith.constant 0 : i32
        %dma_wait3A_203 = arith.constant 0 : i32
        %dma_wait3A_204 = tpu.memref_slice %arg7[%dma_wait3A_193, %dma_wait3A_202, %dma_wait3A_203] : memref<2x1024x32xf32, #tpu.memory_space<vmem>> -> memref<1x1024x32xf32, #tpu.memory_space<vmem>>
        %dma_wait3A_205 = tpu.memref_squeeze %dma_wait3A_204 : memref<1x1024x32xf32, #tpu.memory_space<vmem>> -> memref<1024x32xf32, #tpu.memory_space<vmem>>
        %dma_wait3A_206 = arith.constant 0 : i32
        %dma_wait3A_207 = arith.constant 0 : i32
        %dma_wait3A_208 = tpu.memref_slice %arg4[%dma_wait3A_192, %dma_wait3A_206, %dma_wait3A_207] : memref<255x1024x32xf32, #tpu.memory_space<hbm>> -> memref<1x1024x32xf32, #tpu.memory_space<hbm>>
        %dma_wait3A_209 = tpu.memref_squeeze %dma_wait3A_208 : memref<1x1024x32xf32, #tpu.memory_space<hbm>> -> memref<1024x32xf32, #tpu.memory_space<hbm>>
        tpu.wait_dma2 semaphore(%arg10 : memref<!tpu.dma_semaphore, #tpu.memory_space<semaphore_mem>>) src(%dma_wait3A_209 : memref<1024x32xf32, #tpu.memory_space<hbm>>) dst(%dma_wait3A_205 : memref<1024x32xf32, #tpu.memory_space<vmem>>)
      } else {
      }
      %mul3A_108 = arith.constant 128 : i32
      %mul3A_109 = arith.muli %min3A_96, %mul3A_108 : i32
      %broadcast_in_dim3A = arith.constant 0 : i32
      %broadcast_in_dim3A_110 = vector.broadcast %broadcast_in_dim3A : i32 to vector<16xi32>
      %scan3A_111 = arith.constant 0 : i32
      %scan3A_112 = arith.constant 0 : i32
      %scan3A_113 = arith.constant 8 : i32
      %scan3A_114 = arith.addi %scan3A_112, %scan3A_113 : i32
      %scan3A_115 = arith.constant 1 : i32
      scf.for %scan3A_192 = %scan3A_112 to %scan3A_114 step %scan3A_115  : i32 {
        %mul3A_193 = arith.constant 16 : i32
        %mul3A_194 = arith.muli %scan3A_192, %mul3A_193 : i32
        %add3A_195 = arith.addi %mul3A_109, %mul3A_194 : i32
        %add3A_196 = vector.broadcast %add3A_195 : i32 to vector<16xi32>
        %add3A_197 = arith.addi %add3A_196, %iota3A : vector<16xi32>
        %mul3A_198 = arith.constant 128 : i32
        %mul3A_199 = arith.muli %scan3A_192, %mul3A_198 : i32
        %add3A_200 = vector.broadcast %mul3A_199 : i32 to vector<16xi32>
        %add3A_201 = arith.addi %add3A_200, %add3A_10 : vector<16xi32>
        %broadcast_in_dim3A_202 = arith.constant 0 : i32
        %broadcast_in_dim3A_203 = vector.broadcast %broadcast_in_dim3A_202 : i32 to vector<16xi32>
        %add3A_204 = arith.constant 128 : i32
        %add3A_205 = vector.broadcast %add3A_204 : i32 to vector<16xi32>
        %add3A_206 = arith.addi %broadcast_in_dim3A_203, %add3A_205 : vector<16xi32>
        %gather3A = tpu.vector_load_idx %arg5[%add3A_206] : memref<288xi32, #tpu.memory_space<vmem>>[vector<16xi32>], vector<16xi32>,
        %le3A = arith.cmpi sle, %gather3A, %add3A_197 : vector<16xi32>
        %select_n3A = arith.select %le3A, %add3A_206, %broadcast_in_dim3A_203 : vector<16xi1>, vector<16xi32>
        %add3A_207 = arith.constant 64 : i32
        %add3A_208 = vector.broadcast %add3A_207 : i32 to vector<16xi32>
        %add3A_209 = arith.addi %select_n3A, %add3A_208 : vector<16xi32>
        %gather3A_210 = tpu.vector_load_idx %arg5[%add3A_209] : memref<288xi32, #tpu.memory_space<vmem>>[vector<16xi32>], vector<16xi32>,
        %le3A_211 = arith.cmpi sle, %gather3A_210, %add3A_197 : vector<16xi32>
        %select_n3A_212 = arith.select %le3A_211, %add3A_209, %select_n3A : vector<16xi1>, vector<16xi32>
        %add3A_213 = arith.constant 32 : i32
        %add3A_214 = vector.broadcast %add3A_213 : i32 to vector<16xi32>
        %add3A_215 = arith.addi %select_n3A_212, %add3A_214 : vector<16xi32>
        %gather3A_216 = tpu.vector_load_idx %arg5[%add3A_215] : memref<288xi32, #tpu.memory_space<vmem>>[vector<16xi32>], vector<16xi32>,
        %le3A_217 = arith.cmpi sle, %gather3A_216, %add3A_197 : vector<16xi32>
        %select_n3A_218 = arith.select %le3A_217, %add3A_215, %select_n3A_212 : vector<16xi1>, vector<16xi32>
        %add3A_219 = arith.constant 16 : i32
        %add3A_220 = vector.broadcast %add3A_219 : i32 to vector<16xi32>
        %add3A_221 = arith.addi %select_n3A_218, %add3A_220 : vector<16xi32>
        %gather3A_222 = tpu.vector_load_idx %arg5[%add3A_221] : memref<288xi32, #tpu.memory_space<vmem>>[vector<16xi32>], vector<16xi32>,
        %le3A_223 = arith.cmpi sle, %gather3A_222, %add3A_197 : vector<16xi32>
        %select_n3A_224 = arith.select %le3A_223, %add3A_221, %select_n3A_218 : vector<16xi1>, vector<16xi32>
        %add3A_225 = arith.constant 8 : i32
        %add3A_226 = vector.broadcast %add3A_225 : i32 to vector<16xi32>
        %add3A_227 = arith.addi %select_n3A_224, %add3A_226 : vector<16xi32>
        %gather3A_228 = tpu.vector_load_idx %arg5[%add3A_227] : memref<288xi32, #tpu.memory_space<vmem>>[vector<16xi32>], vector<16xi32>,
        %le3A_229 = arith.cmpi sle, %gather3A_228, %add3A_197 : vector<16xi32>
        %select_n3A_230 = arith.select %le3A_229, %add3A_227, %select_n3A_224 : vector<16xi1>, vector<16xi32>
        %add3A_231 = arith.constant 4 : i32
        %add3A_232 = vector.broadcast %add3A_231 : i32 to vector<16xi32>
        %add3A_233 = arith.addi %select_n3A_230, %add3A_232 : vector<16xi32>
        %gather3A_234 = tpu.vector_load_idx %arg5[%add3A_233] : memref<288xi32, #tpu.memory_space<vmem>>[vector<16xi32>], vector<16xi32>,
        %le3A_235 = arith.cmpi sle, %gather3A_234, %add3A_197 : vector<16xi32>
        %select_n3A_236 = arith.select %le3A_235, %add3A_233, %select_n3A_230 : vector<16xi1>, vector<16xi32>
        %add3A_237 = arith.constant 2 : i32
        %add3A_238 = vector.broadcast %add3A_237 : i32 to vector<16xi32>
        %add3A_239 = arith.addi %select_n3A_236, %add3A_238 : vector<16xi32>
        %gather3A_240 = tpu.vector_load_idx %arg5[%add3A_239] : memref<288xi32, #tpu.memory_space<vmem>>[vector<16xi32>], vector<16xi32>,
        %le3A_241 = arith.cmpi sle, %gather3A_240, %add3A_197 : vector<16xi32>
        %select_n3A_242 = arith.select %le3A_241, %add3A_239, %select_n3A_236 : vector<16xi1>, vector<16xi32>
        %add3A_243 = arith.constant 1 : i32
        %add3A_244 = vector.broadcast %add3A_243 : i32 to vector<16xi32>
        %add3A_245 = arith.addi %select_n3A_242, %add3A_244 : vector<16xi32>
        %gather3A_246 = tpu.vector_load_idx %arg5[%add3A_245] : memref<288xi32, #tpu.memory_space<vmem>>[vector<16xi32>], vector<16xi32>,
        %le3A_247 = arith.cmpi sle, %gather3A_246, %add3A_197 : vector<16xi32>
        %select_n3A_248 = arith.select %le3A_247, %add3A_245, %select_n3A_242 : vector<16xi1>, vector<16xi32>
        %gather3A_249 = tpu.vector_load_idx %arg5[%select_n3A_248] : memref<288xi32, #tpu.memory_space<vmem>>[vector<16xi32>], vector<16xi32>,
        %add3A_250 = arith.constant 1 : i32
        %add3A_251 = vector.broadcast %add3A_250 : i32 to vector<16xi32>
        %add3A_252 = arith.addi %select_n3A_248, %add3A_251 : vector<16xi32>
        %gather3A_253 = tpu.vector_load_idx %arg5[%add3A_252] : memref<288xi32, #tpu.memory_space<vmem>>[vector<16xi32>], vector<16xi32>,
        %sub3A = arith.subi %gather3A_253, %gather3A_249 : vector<16xi32>
        %sub3A_254 = arith.subi %add3A_197, %gather3A_249 : vector<16xi32>
        %shift_right_arithmetic3A_255 = arith.constant 3 : i32
        %shift_right_arithmetic3A_256 = vector.broadcast %shift_right_arithmetic3A_255 : i32 to vector<16xi32>
        %shift_right_arithmetic3A_257 = arith.shrsi %add3A_197, %shift_right_arithmetic3A_256 : vector<16xi32>
        %shift_left3A_258 = arith.constant 6 : i32
        %shift_left3A_259 = vector.broadcast %shift_left3A_258 : i32 to vector<16xi32>
        %shift_left3A_260 = arith.shli %shift_right_arithmetic3A_257, %shift_left3A_259 : vector<16xi32>
        %and3A_261 = arith.constant 7 : i32
        %and3A_262 = vector.broadcast %and3A_261 : i32 to vector<16xi32>
        %and3A_263 = arith.andi %add3A_197, %and3A_262 : vector<16xi32>
        %shift_left3A_264 = arith.constant 2 : i32
        %shift_left3A_265 = vector.broadcast %shift_left3A_264 : i32 to vector<16xi32>
        %shift_left3A_266 = arith.shli %and3A_263, %shift_left3A_265 : vector<16xi32>
        %add3A_267 = arith.addi %shift_left3A_260, %shift_left3A_266 : vector<16xi32>
        %add3A_268 = arith.constant 0 : i32
        %add3A_269 = vector.broadcast %add3A_268 : i32 to vector<16xi32>
        %add3A_270 = arith.addi %add3A_267, %add3A_269 : vector<16xi32>
        %add3A_271 = arith.constant 0 : i32
        %add3A_272 = vector.broadcast %add3A_271 : i32 to vector<16xi32>
        %add3A_273 = arith.addi %add3A_201, %add3A_272 : vector<16xi32>
        tpu.vector_store_idx %arg6[%broadcast_in_dim3A_110, %add3A_273], %add3A_270 : memref<2x1024xi32, #tpu.memory_space<vmem>>[vector<16xi32>, vector<16xi32>], vector<16xi32>,
        %add3A_274 = arith.constant 1 : i32
        %add3A_275 = vector.broadcast %add3A_274 : i32 to vector<16xi32>
        %add3A_276 = arith.addi %sub3A_254, %add3A_275 : vector<16xi32>
        %rem3A = arith.remsi %add3A_276, %sub3A : vector<16xi32>
        %add3A_277 = arith.addi %gather3A_249, %rem3A : vector<16xi32>
        %shift_right_arithmetic3A_278 = arith.constant 3 : i32
        %shift_right_arithmetic3A_279 = vector.broadcast %shift_right_arithmetic3A_278 : i32 to vector<16xi32>
        %shift_right_arithmetic3A_280 = arith.shrsi %add3A_277, %shift_right_arithmetic3A_279 : vector<16xi32>
        %shift_left3A_281 = arith.constant 6 : i32
        %shift_left3A_282 = vector.broadcast %shift_left3A_281 : i32 to vector<16xi32>
        %shift_left3A_283 = arith.shli %shift_right_arithmetic3A_280, %shift_left3A_282 : vector<16xi32>
        %and3A_284 = arith.constant 7 : i32
        %and3A_285 = vector.broadcast %and3A_284 : i32 to vector<16xi32>
        %and3A_286 = arith.andi %add3A_277, %and3A_285 : vector<16xi32>
        %shift_left3A_287 = arith.constant 2 : i32
        %shift_left3A_288 = vector.broadcast %shift_left3A_287 : i32 to vector<16xi32>
        %shift_left3A_289 = arith.shli %and3A_286, %shift_left3A_288 : vector<16xi32>
        %add3A_290 = arith.addi %shift_left3A_283, %shift_left3A_289 : vector<16xi32>
        %add3A_291 = arith.constant 1 : i32
        %add3A_292 = vector.broadcast %add3A_291 : i32 to vector<16xi32>
        %add3A_293 = arith.addi %add3A_290, %add3A_292 : vector<16xi32>
        %add3A_294 = arith.constant 1 : i32
        %add3A_295 = vector.broadcast %add3A_294 : i32 to vector<16xi32>
        %add3A_296 = arith.addi %add3A_201, %add3A_295 : vector<16xi32>
        tpu.vector_store_idx %arg6[%broadcast_in_dim3A_110, %add3A_296], %add3A_293 : memref<2x1024xi32, #tpu.memory_space<vmem>>[vector<16xi32>, vector<16xi32>], vector<16xi32>,
        %add3A_297 = arith.constant 2 : i32
        %add3A_298 = vector.broadcast %add3A_297 : i32 to vector<16xi32>
        %add3A_299 = arith.addi %sub3A_254, %add3A_298 : vector<16xi32>
        %rem3A_300 = arith.remsi %add3A_299, %sub3A : vector<16xi32>
        %add3A_301 = arith.addi %gather3A_249, %rem3A_300 : vector<16xi32>
        %shift_right_arithmetic3A_302 = arith.constant 3 : i32
        %shift_right_arithmetic3A_303 = vector.broadcast %shift_right_arithmetic3A_302 : i32 to vector<16xi32>
        %shift_right_arithmetic3A_304 = arith.shrsi %add3A_301, %shift_right_arithmetic3A_303 : vector<16xi32>
        %shift_left3A_305 = arith.constant 6 : i32
        %shift_left3A_306 = vector.broadcast %shift_left3A_305 : i32 to vector<16xi32>
        %shift_left3A_307 = arith.shli %shift_right_arithmetic3A_304, %shift_left3A_306 : vector<16xi32>
        %and3A_308 = arith.constant 7 : i32
        %and3A_309 = vector.broadcast %and3A_308 : i32 to vector<16xi32>
        %and3A_310 = arith.andi %add3A_301, %and3A_309 : vector<16xi32>
        %shift_left3A_311 = arith.constant 2 : i32
        %shift_left3A_312 = vector.broadcast %shift_left3A_311 : i32 to vector<16xi32>
        %shift_left3A_313 = arith.shli %and3A_310, %shift_left3A_312 : vector<16xi32>
        %add3A_314 = arith.addi %shift_left3A_307, %shift_left3A_313 : vector<16xi32>
        %add3A_315 = arith.constant 2 : i32
        %add3A_316 = vector.broadcast %add3A_315 : i32 to vector<16xi32>
        %add3A_317 = arith.addi %add3A_314, %add3A_316 : vector<16xi32>
        %add3A_318 = arith.constant 2 : i32
        %add3A_319 = vector.broadcast %add3A_318 : i32 to vector<16xi32>
        %add3A_320 = arith.addi %add3A_201, %add3A_319 : vector<16xi32>
        tpu.vector_store_idx %arg6[%broadcast_in_dim3A_110, %add3A_320], %add3A_317 : memref<2x1024xi32, #tpu.memory_space<vmem>>[vector<16xi32>, vector<16xi32>], vector<16xi32>,
        %add3A_321 = arith.constant 4 : i32
        %add3A_322 = vector.broadcast %add3A_321 : i32 to vector<16xi32>
        %add3A_323 = arith.addi %sub3A_254, %add3A_322 : vector<16xi32>
        %rem3A_324 = arith.remsi %add3A_323, %sub3A : vector<16xi32>
        %add3A_325 = arith.addi %gather3A_249, %rem3A_324 : vector<16xi32>
        %shift_right_arithmetic3A_326 = arith.constant 3 : i32
        %shift_right_arithmetic3A_327 = vector.broadcast %shift_right_arithmetic3A_326 : i32 to vector<16xi32>
        %shift_right_arithmetic3A_328 = arith.shrsi %add3A_325, %shift_right_arithmetic3A_327 : vector<16xi32>
        %shift_left3A_329 = arith.constant 6 : i32
        %shift_left3A_330 = vector.broadcast %shift_left3A_329 : i32 to vector<16xi32>
        %shift_left3A_331 = arith.shli %shift_right_arithmetic3A_328, %shift_left3A_330 : vector<16xi32>
        %and3A_332 = arith.constant 7 : i32
        %and3A_333 = vector.broadcast %and3A_332 : i32 to vector<16xi32>
        %and3A_334 = arith.andi %add3A_325, %and3A_333 : vector<16xi32>
        %shift_left3A_335 = arith.constant 2 : i32
        %shift_left3A_336 = vector.broadcast %shift_left3A_335 : i32 to vector<16xi32>
        %shift_left3A_337 = arith.shli %and3A_334, %shift_left3A_336 : vector<16xi32>
        %add3A_338 = arith.addi %shift_left3A_331, %shift_left3A_337 : vector<16xi32>
        %add3A_339 = arith.constant 3 : i32
        %add3A_340 = vector.broadcast %add3A_339 : i32 to vector<16xi32>
        %add3A_341 = arith.addi %add3A_338, %add3A_340 : vector<16xi32>
        %add3A_342 = arith.constant 3 : i32
        %add3A_343 = vector.broadcast %add3A_342 : i32 to vector<16xi32>
        %add3A_344 = arith.addi %add3A_201, %add3A_343 : vector<16xi32>
        tpu.vector_store_idx %arg6[%broadcast_in_dim3A_110, %add3A_344], %add3A_341 : memref<2x1024xi32, #tpu.memory_space<vmem>>[vector<16xi32>, vector<16xi32>], vector<16xi32>,
        %add3A_345 = arith.constant 8 : i32
        %add3A_346 = vector.broadcast %add3A_345 : i32 to vector<16xi32>
        %add3A_347 = arith.addi %sub3A_254, %add3A_346 : vector<16xi32>
        %rem3A_348 = arith.remsi %add3A_347, %sub3A : vector<16xi32>
        %add3A_349 = arith.addi %gather3A_249, %rem3A_348 : vector<16xi32>
        %shift_right_arithmetic3A_350 = arith.constant 3 : i32
        %shift_right_arithmetic3A_351 = vector.broadcast %shift_right_arithmetic3A_350 : i32 to vector<16xi32>
        %shift_right_arithmetic3A_352 = arith.shrsi %add3A_349, %shift_right_arithmetic3A_351 : vector<16xi32>
        %shift_left3A_353 = arith.constant 6 : i32
        %shift_left3A_354 = vector.broadcast %shift_left3A_353 : i32 to vector<16xi32>
        %shift_left3A_355 = arith.shli %shift_right_arithmetic3A_352, %shift_left3A_354 : vector<16xi32>
        %and3A_356 = arith.constant 7 : i32
        %and3A_357 = vector.broadcast %and3A_356 : i32 to vector<16xi32>
        %and3A_358 = arith.andi %add3A_349, %and3A_357 : vector<16xi32>
        %shift_left3A_359 = arith.constant 2 : i32
        %shift_left3A_360 = vector.broadcast %shift_left3A_359 : i32 to vector<16xi32>
        %shift_left3A_361 = arith.shli %and3A_358, %shift_left3A_360 : vector<16xi32>
        %add3A_362 = arith.addi %shift_left3A_355, %shift_left3A_361 : vector<16xi32>
        %add3A_363 = arith.constant 32 : i32
        %add3A_364 = vector.broadcast %add3A_363 : i32 to vector<16xi32>
        %add3A_365 = arith.addi %add3A_362, %add3A_364 : vector<16xi32>
        %add3A_366 = arith.constant 32 : i32
        %add3A_367 = vector.broadcast %add3A_366 : i32 to vector<16xi32>
        %add3A_368 = arith.addi %add3A_201, %add3A_367 : vector<16xi32>
        tpu.vector_store_idx %arg6[%broadcast_in_dim3A_110, %add3A_368], %add3A_365 : memref<2x1024xi32, #tpu.memory_space<vmem>>[vector<16xi32>, vector<16xi32>], vector<16xi32>,
        %add3A_369 = arith.constant 16 : i32
        %add3A_370 = vector.broadcast %add3A_369 : i32 to vector<16xi32>
        %add3A_371 = arith.addi %sub3A_254, %add3A_370 : vector<16xi32>
        %rem3A_372 = arith.remsi %add3A_371, %sub3A : vector<16xi32>
        %add3A_373 = arith.addi %gather3A_249, %rem3A_372 : vector<16xi32>
        %shift_right_arithmetic3A_374 = arith.constant 3 : i32
        %shift_right_arithmetic3A_375 = vector.broadcast %shift_right_arithmetic3A_374 : i32 to vector<16xi32>
        %shift_right_arithmetic3A_376 = arith.shrsi %add3A_373, %shift_right_arithmetic3A_375 : vector<16xi32>
        %shift_left3A_377 = arith.constant 6 : i32
        %shift_left3A_378 = vector.broadcast %shift_left3A_377 : i32 to vector<16xi32>
        %shift_left3A_379 = arith.shli %shift_right_arithmetic3A_376, %shift_left3A_378 : vector<16xi32>
        %and3A_380 = arith.constant 7 : i32
        %and3A_381 = vector.broadcast %and3A_380 : i32 to vector<16xi32>
        %and3A_382 = arith.andi %add3A_373, %and3A_381 : vector<16xi32>
        %shift_left3A_383 = arith.constant 2 : i32
        %shift_left3A_384 = vector.broadcast %shift_left3A_383 : i32 to vector<16xi32>
        %shift_left3A_385 = arith.shli %and3A_382, %shift_left3A_384 : vector<16xi32>
        %add3A_386 = arith.addi %shift_left3A_379, %shift_left3A_385 : vector<16xi32>
        %add3A_387 = arith.constant 33 : i32
        %add3A_388 = vector.broadcast %add3A_387 : i32 to vector<16xi32>
        %add3A_389 = arith.addi %add3A_386, %add3A_388 : vector<16xi32>
        %add3A_390 = arith.constant 33 : i32
        %add3A_391 = vector.broadcast %add3A_390 : i32 to vector<16xi32>
        %add3A_392 = arith.addi %add3A_201, %add3A_391 : vector<16xi32>
        tpu.vector_store_idx %arg6[%broadcast_in_dim3A_110, %add3A_392], %add3A_389 : memref<2x1024xi32, #tpu.memory_space<vmem>>[vector<16xi32>, vector<16xi32>], vector<16xi32>,
        %add3A_393 = arith.constant 32 : i32
        %add3A_394 = vector.broadcast %add3A_393 : i32 to vector<16xi32>
        %add3A_395 = arith.addi %sub3A_254, %add3A_394 : vector<16xi32>
        %rem3A_396 = arith.remsi %add3A_395, %sub3A : vector<16xi32>
        %add3A_397 = arith.addi %gather3A_249, %rem3A_396 : vector<16xi32>
        %shift_right_arithmetic3A_398 = arith.constant 3 : i32
        %shift_right_arithmetic3A_399 = vector.broadcast %shift_right_arithmetic3A_398 : i32 to vector<16xi32>
        %shift_right_arithmetic3A_400 = arith.shrsi %add3A_397, %shift_right_arithmetic3A_399 : vector<16xi32>
        %shift_left3A_401 = arith.constant 6 : i32
        %shift_left3A_402 = vector.broadcast %shift_left3A_401 : i32 to vector<16xi32>
        %shift_left3A_403 = arith.shli %shift_right_arithmetic3A_400, %shift_left3A_402 : vector<16xi32>
        %and3A_404 = arith.constant 7 : i32
        %and3A_405 = vector.broadcast %and3A_404 : i32 to vector<16xi32>
        %and3A_406 = arith.andi %add3A_397, %and3A_405 : vector<16xi32>
        %shift_left3A_407 = arith.constant 2 : i32
        %shift_left3A_408 = vector.broadcast %shift_left3A_407 : i32 to vector<16xi32>
        %shift_left3A_409 = arith.shli %and3A_406, %shift_left3A_408 : vector<16xi32>
        %add3A_410 = arith.addi %shift_left3A_403, %shift_left3A_409 : vector<16xi32>
        %add3A_411 = arith.constant 34 : i32
        %add3A_412 = vector.broadcast %add3A_411 : i32 to vector<16xi32>
        %add3A_413 = arith.addi %add3A_410, %add3A_412 : vector<16xi32>
        %add3A_414 = arith.constant 34 : i32
        %add3A_415 = vector.broadcast %add3A_414 : i32 to vector<16xi32>
        %add3A_416 = arith.addi %add3A_201, %add3A_415 : vector<16xi32>
        tpu.vector_store_idx %arg6[%broadcast_in_dim3A_110, %add3A_416], %add3A_413 : memref<2x1024xi32, #tpu.memory_space<vmem>>[vector<16xi32>, vector<16xi32>], vector<16xi32>,
        %add3A_417 = arith.constant 64 : i32
        %add3A_418 = vector.broadcast %add3A_417 : i32 to vector<16xi32>
        %add3A_419 = arith.addi %sub3A_254, %add3A_418 : vector<16xi32>
        %rem3A_420 = arith.remsi %add3A_419, %sub3A : vector<16xi32>
        %add3A_421 = arith.addi %gather3A_249, %rem3A_420 : vector<16xi32>
        %shift_right_arithmetic3A_422 = arith.constant 3 : i32
        %shift_right_arithmetic3A_423 = vector.broadcast %shift_right_arithmetic3A_422 : i32 to vector<16xi32>
        %shift_right_arithmetic3A_424 = arith.shrsi %add3A_421, %shift_right_arithmetic3A_423 : vector<16xi32>
        %shift_left3A_425 = arith.constant 6 : i32
        %shift_left3A_426 = vector.broadcast %shift_left3A_425 : i32 to vector<16xi32>
        %shift_left3A_427 = arith.shli %shift_right_arithmetic3A_424, %shift_left3A_426 : vector<16xi32>
        %and3A_428 = arith.constant 7 : i32
        %and3A_429 = vector.broadcast %and3A_428 : i32 to vector<16xi32>
        %and3A_430 = arith.andi %add3A_421, %and3A_429 : vector<16xi32>
        %shift_left3A_431 = arith.constant 2 : i32
        %shift_left3A_432 = vector.broadcast %shift_left3A_431 : i32 to vector<16xi32>
        %shift_left3A_433 = arith.shli %and3A_430, %shift_left3A_432 : vector<16xi32>
        %add3A_434 = arith.addi %shift_left3A_427, %shift_left3A_433 : vector<16xi32>
        %add3A_435 = arith.constant 35 : i32
        %add3A_436 = vector.broadcast %add3A_435 : i32 to vector<16xi32>
        %add3A_437 = arith.addi %add3A_434, %add3A_436 : vector<16xi32>
        %add3A_438 = arith.constant 35 : i32
        %add3A_439 = vector.broadcast %add3A_438 : i32 to vector<16xi32>
        %add3A_440 = arith.addi %add3A_201, %add3A_439 : vector<16xi32>
        tpu.vector_store_idx %arg6[%broadcast_in_dim3A_110, %add3A_440], %add3A_437 : memref<2x1024xi32, #tpu.memory_space<vmem>>[vector<16xi32>, vector<16xi32>], vector<16xi32>,
      }
      %scan3A_116 = arith.constant 8 : i32
      %dma_start3A_117 = arith.constant 0 : i32
      %dma_start3A_118 = arith.constant 0 : i32
      %dma_start3A_119 = arith.constant 0 : i32
      %dma_start3A_120 = arith.constant 0 : i32
      %dma_start3A_121 = tpu.memref_slice %arg7[%dma_start3A_118, %dma_start3A_119, %dma_start3A_120] : memref<2x1024x32xf32, #tpu.memory_space<vmem>> -> memref<1x1024x32xf32, #tpu.memory_space<vmem>>
      %dma_start3A_122 = tpu.memref_squeeze %dma_start3A_121 : memref<1x1024x32xf32, #tpu.memory_space<vmem>> -> memref<1024x32xf32, #tpu.memory_space<vmem>>
      %dma_start3A_123 = arith.constant 0 : i32
      %dma_start3A_124 = tpu.memref_slice %arg6[%dma_start3A_117, %dma_start3A_123] : memref<2x1024xi32, #tpu.memory_space<vmem>> -> memref<1x1024xi32, #tpu.memory_space<vmem>>
      %dma_start3A_125 = tpu.memref_squeeze %dma_start3A_124 : memref<1x1024xi32, #tpu.memory_space<vmem>> -> memref<1024xi32, #tpu.memory_space<vmem>>
      %dma_start3A_126 = arith.constant 0 : i32
      %dma_start3A_127 = arith.constant 0 : i32
      %dma_start3A_128 = tpu.memref_slice %arg2[%dma_start3A_126, %dma_start3A_127] : memref<261120x32xf32, #tpu.memory_space<hbm>> -> memref<261120x32xf32, #tpu.memory_space<hbm>>
      tpu.enqueue_indirect_dma source(%dma_start3A_128 : memref<261120x32xf32, #tpu.memory_space<hbm>>) target(%dma_start3A_122 : memref<1024x32xf32, #tpu.memory_space<vmem>>) offsets(%dma_start3A_125 : memref<1024xi32, #tpu.memory_space<vmem>>) semaphore(%arg8 : memref<!tpu.dma_semaphore, #tpu.memory_space<semaphore_mem>>)
      %convert_element_type3A_129 = arith.extui %gt3A_106 : i1 to i32
      %cond3A_130 = arith.constant 0 : i32
      %cond3A_131 = arith.cmpi ne, %convert_element_type3A_129, %cond3A_130 : i32
      scf.if %cond3A_131 {
        %dma_wait3A_192 = arith.constant 0 : i32
        %dma_wait3A_193 = arith.constant 1 : i32
        %dma_wait3A_194 = arith.constant 0 : i32
        %dma_wait3A_195 = arith.constant 0 : i32
        %dma_wait3A_196 = tpu.memref_slice %arg7[%dma_wait3A_193, %dma_wait3A_194, %dma_wait3A_195] : memref<2x1024x32xf32, #tpu.memory_space<vmem>> -> memref<1x1024x32xf32, #tpu.memory_space<vmem>>
        %dma_wait3A_197 = tpu.memref_squeeze %dma_wait3A_196 : memref<1x1024x32xf32, #tpu.memory_space<vmem>> -> memref<1024x32xf32, #tpu.memory_space<vmem>>
        %dma_wait3A_198 = arith.constant 0 : i32
        %dma_wait3A_199 = arith.constant 0 : i32
        %dma_wait3A_200 = tpu.memref_slice %arg4[%dma_wait3A_192, %dma_wait3A_198, %dma_wait3A_199] : memref<255x1024x32xf32, #tpu.memory_space<hbm>> -> memref<1x1024x32xf32, #tpu.memory_space<hbm>>
        %dma_wait3A_201 = tpu.memref_squeeze %dma_wait3A_200 : memref<1x1024x32xf32, #tpu.memory_space<hbm>> -> memref<1024x32xf32, #tpu.memory_space<hbm>>
        %dma_wait3A_202 = arith.constant 0 : i32
        %dma_wait3A_203 = arith.constant 0 : i32
        %dma_wait3A_204 = tpu.memref_slice %arg7[%dma_wait3A_193, %dma_wait3A_202, %dma_wait3A_203] : memref<2x1024x32xf32, #tpu.memory_space<vmem>> -> memref<1x1024x32xf32, #tpu.memory_space<vmem>>
        %dma_wait3A_205 = tpu.memref_squeeze %dma_wait3A_204 : memref<1x1024x32xf32, #tpu.memory_space<vmem>> -> memref<1024x32xf32, #tpu.memory_space<vmem>>
        %dma_wait3A_206 = arith.constant 0 : i32
        %dma_wait3A_207 = arith.constant 0 : i32
        %dma_wait3A_208 = tpu.memref_slice %arg4[%dma_wait3A_192, %dma_wait3A_206, %dma_wait3A_207] : memref<255x1024x32xf32, #tpu.memory_space<hbm>> -> memref<1x1024x32xf32, #tpu.memory_space<hbm>>
        %dma_wait3A_209 = tpu.memref_squeeze %dma_wait3A_208 : memref<1x1024x32xf32, #tpu.memory_space<hbm>> -> memref<1024x32xf32, #tpu.memory_space<hbm>>
        tpu.wait_dma2 semaphore(%arg9 : memref<!tpu.dma_semaphore, #tpu.memory_space<semaphore_mem>>) src(%dma_wait3A_209 : memref<1024x32xf32, #tpu.memory_space<hbm>>) dst(%dma_wait3A_205 : memref<1024x32xf32, #tpu.memory_space<vmem>>)
        %mul3A_210 = arith.constant 2 : i32
        %mul3A_211 = arith.muli %mul3A_210, %scan3A_89 : i32
        %sub3A = arith.constant 1 : i32
        %sub3A_212 = arith.subi %mul3A_211, %sub3A : i32
        %mul3A_213 = arith.constant 8 : i32
        %mul3A_214 = arith.muli %add3A, %mul3A_213 : i32
        %add3A_215 = arith.addi %mul3A_214, %sub3A_212 : i32
        %min3A_216 = arith.constant 254 : i32
        %min3A_217 = arith.minsi %add3A_215, %min3A_216 : i32
        %dma_start3A_218 = arith.constant 1 : i32
        %dma_start3A_219 = arith.constant 0 : i32
        %dma_start3A_220 = arith.constant 0 : i32
        %dma_start3A_221 = tpu.memref_slice %arg7[%dma_start3A_218, %dma_start3A_219, %dma_start3A_220] : memref<2x1024x32xf32, #tpu.memory_space<vmem>> -> memref<1x1024x32xf32, #tpu.memory_space<vmem>>
        %dma_start3A_222 = tpu.memref_squeeze %dma_start3A_221 : memref<1x1024x32xf32, #tpu.memory_space<vmem>> -> memref<1024x32xf32, #tpu.memory_space<vmem>>
        %dma_start3A_223 = arith.constant 0 : i32
        %dma_start3A_224 = arith.constant 0 : i32
        %dma_start3A_225 = tpu.memref_slice %arg4[%min3A_217, %dma_start3A_223, %dma_start3A_224] : memref<255x1024x32xf32, #tpu.memory_space<hbm>> -> memref<1x1024x32xf32, #tpu.memory_space<hbm>>
        %dma_start3A_226 = tpu.memref_squeeze %dma_start3A_225 : memref<1x1024x32xf32, #tpu.memory_space<hbm>> -> memref<1024x32xf32, #tpu.memory_space<hbm>>
        %dma_start3A_227 = arith.constant 0 : i32
        %dma_start3A_228 = arith.constant 0 : i32
        %dma_start3A_229 = tpu.memref_slice %arg4[%min3A_217, %dma_start3A_227, %dma_start3A_228] : memref<255x1024x32xf32, #tpu.memory_space<hbm>> -> memref<1x1024x32xf32, #tpu.memory_space<hbm>>
        %dma_start3A_230 = tpu.memref_squeeze %dma_start3A_229 : memref<1x1024x32xf32, #tpu.memory_space<hbm>> -> memref<1024x32xf32, #tpu.memory_space<hbm>>
        %dma_start3A_231 = arith.constant 0 : i32
        %dma_start3A_232 = arith.constant 0 : i32
        %dma_start3A_233 = tpu.memref_slice %arg7[%dma_start3A_218, %dma_start3A_231, %dma_start3A_232] : memref<2x1024x32xf32, #tpu.memory_space<vmem>> -> memref<1x1024x32xf32, #tpu.memory_space<vmem>>
        %dma_start3A_234 = tpu.memref_squeeze %dma_start3A_233 : memref<1x1024x32xf32, #tpu.memory_space<vmem>> -> memref<1024x32xf32, #tpu.memory_space<vmem>>
        tpu.enqueue_dma source(%dma_start3A_234 : memref<1024x32xf32, #tpu.memory_space<vmem>>) target(%dma_start3A_230 : memref<1024x32xf32, #tpu.memory_space<hbm>>) target_semaphore(%arg11 : memref<!tpu.dma_semaphore, #tpu.memory_space<semaphore_mem>>)
      } else {
      }
      %mul3A_132 = arith.constant 128 : i32
      %mul3A_133 = arith.muli %min3A_105, %mul3A_132 : i32
      %broadcast_in_dim3A_134 = arith.constant 1 : i32
      %broadcast_in_dim3A_135 = vector.broadcast %broadcast_in_dim3A_134 : i32 to vector<16xi32>
      %scan3A_136 = arith.constant 0 : i32
      %scan3A_137 = arith.constant 0 : i32
      %scan3A_138 = arith.constant 8 : i32
      %scan3A_139 = arith.addi %scan3A_137, %scan3A_138 : i32
      %scan3A_140 = arith.constant 1 : i32
      scf.for %scan3A_192 = %scan3A_137 to %scan3A_139 step %scan3A_140  : i32 {
        %mul3A_193 = arith.constant 16 : i32
        %mul3A_194 = arith.muli %scan3A_192, %mul3A_193 : i32
        %add3A_195 = arith.addi %mul3A_133, %mul3A_194 : i32
        %add3A_196 = vector.broadcast %add3A_195 : i32 to vector<16xi32>
        %add3A_197 = arith.addi %add3A_196, %iota3A : vector<16xi32>
        %mul3A_198 = arith.constant 128 : i32
        %mul3A_199 = arith.muli %scan3A_192, %mul3A_198 : i32
        %add3A_200 = vector.broadcast %mul3A_199 : i32 to vector<16xi32>
        %add3A_201 = arith.addi %add3A_200, %add3A_10 : vector<16xi32>
        %broadcast_in_dim3A_202 = arith.constant 0 : i32
        %broadcast_in_dim3A_203 = vector.broadcast %broadcast_in_dim3A_202 : i32 to vector<16xi32>
        %add3A_204 = arith.constant 128 : i32
        %add3A_205 = vector.broadcast %add3A_204 : i32 to vector<16xi32>
        %add3A_206 = arith.addi %broadcast_in_dim3A_203, %add3A_205 : vector<16xi32>
        %gather3A = tpu.vector_load_idx %arg5[%add3A_206] : memref<288xi32, #tpu.memory_space<vmem>>[vector<16xi32>], vector<16xi32>,
        %le3A = arith.cmpi sle, %gather3A, %add3A_197 : vector<16xi32>
        %select_n3A = arith.select %le3A, %add3A_206, %broadcast_in_dim3A_203 : vector<16xi1>, vector<16xi32>
        %add3A_207 = arith.constant 64 : i32
        %add3A_208 = vector.broadcast %add3A_207 : i32 to vector<16xi32>
        %add3A_209 = arith.addi %select_n3A, %add3A_208 : vector<16xi32>
        %gather3A_210 = tpu.vector_load_idx %arg5[%add3A_209] : memref<288xi32, #tpu.memory_space<vmem>>[vector<16xi32>], vector<16xi32>,
        %le3A_211 = arith.cmpi sle, %gather3A_210, %add3A_197 : vector<16xi32>
        %select_n3A_212 = arith.select %le3A_211, %add3A_209, %select_n3A : vector<16xi1>, vector<16xi32>
        %add3A_213 = arith.constant 32 : i32
        %add3A_214 = vector.broadcast %add3A_213 : i32 to vector<16xi32>
        %add3A_215 = arith.addi %select_n3A_212, %add3A_214 : vector<16xi32>
        %gather3A_216 = tpu.vector_load_idx %arg5[%add3A_215] : memref<288xi32, #tpu.memory_space<vmem>>[vector<16xi32>], vector<16xi32>,
        %le3A_217 = arith.cmpi sle, %gather3A_216, %add3A_197 : vector<16xi32>
        %select_n3A_218 = arith.select %le3A_217, %add3A_215, %select_n3A_212 : vector<16xi1>, vector<16xi32>
        %add3A_219 = arith.constant 16 : i32
        %add3A_220 = vector.broadcast %add3A_219 : i32 to vector<16xi32>
        %add3A_221 = arith.addi %select_n3A_218, %add3A_220 : vector<16xi32>
        %gather3A_222 = tpu.vector_load_idx %arg5[%add3A_221] : memref<288xi32, #tpu.memory_space<vmem>>[vector<16xi32>], vector<16xi32>,
        %le3A_223 = arith.cmpi sle, %gather3A_222, %add3A_197 : vector<16xi32>
        %select_n3A_224 = arith.select %le3A_223, %add3A_221, %select_n3A_218 : vector<16xi1>, vector<16xi32>
        %add3A_225 = arith.constant 8 : i32
        %add3A_226 = vector.broadcast %add3A_225 : i32 to vector<16xi32>
        %add3A_227 = arith.addi %select_n3A_224, %add3A_226 : vector<16xi32>
        %gather3A_228 = tpu.vector_load_idx %arg5[%add3A_227] : memref<288xi32, #tpu.memory_space<vmem>>[vector<16xi32>], vector<16xi32>,
        %le3A_229 = arith.cmpi sle, %gather3A_228, %add3A_197 : vector<16xi32>
        %select_n3A_230 = arith.select %le3A_229, %add3A_227, %select_n3A_224 : vector<16xi1>, vector<16xi32>
        %add3A_231 = arith.constant 4 : i32
        %add3A_232 = vector.broadcast %add3A_231 : i32 to vector<16xi32>
        %add3A_233 = arith.addi %select_n3A_230, %add3A_232 : vector<16xi32>
        %gather3A_234 = tpu.vector_load_idx %arg5[%add3A_233] : memref<288xi32, #tpu.memory_space<vmem>>[vector<16xi32>], vector<16xi32>,
        %le3A_235 = arith.cmpi sle, %gather3A_234, %add3A_197 : vector<16xi32>
        %select_n3A_236 = arith.select %le3A_235, %add3A_233, %select_n3A_230 : vector<16xi1>, vector<16xi32>
        %add3A_237 = arith.constant 2 : i32
        %add3A_238 = vector.broadcast %add3A_237 : i32 to vector<16xi32>
        %add3A_239 = arith.addi %select_n3A_236, %add3A_238 : vector<16xi32>
        %gather3A_240 = tpu.vector_load_idx %arg5[%add3A_239] : memref<288xi32, #tpu.memory_space<vmem>>[vector<16xi32>], vector<16xi32>,
        %le3A_241 = arith.cmpi sle, %gather3A_240, %add3A_197 : vector<16xi32>
        %select_n3A_242 = arith.select %le3A_241, %add3A_239, %select_n3A_236 : vector<16xi1>, vector<16xi32>
        %add3A_243 = arith.constant 1 : i32
        %add3A_244 = vector.broadcast %add3A_243 : i32 to vector<16xi32>
        %add3A_245 = arith.addi %select_n3A_242, %add3A_244 : vector<16xi32>
        %gather3A_246 = tpu.vector_load_idx %arg5[%add3A_245] : memref<288xi32, #tpu.memory_space<vmem>>[vector<16xi32>], vector<16xi32>,
        %le3A_247 = arith.cmpi sle, %gather3A_246, %add3A_197 : vector<16xi32>
        %select_n3A_248 = arith.select %le3A_247, %add3A_245, %select_n3A_242 : vector<16xi1>, vector<16xi32>
        %gather3A_249 = tpu.vector_load_idx %arg5[%select_n3A_248] : memref<288xi32, #tpu.memory_space<vmem>>[vector<16xi32>], vector<16xi32>,
        %add3A_250 = arith.constant 1 : i32
        %add3A_251 = vector.broadcast %add3A_250 : i32 to vector<16xi32>
        %add3A_252 = arith.addi %select_n3A_248, %add3A_251 : vector<16xi32>
        %gather3A_253 = tpu.vector_load_idx %arg5[%add3A_252] : memref<288xi32, #tpu.memory_space<vmem>>[vector<16xi32>], vector<16xi32>,
        %sub3A = arith.subi %gather3A_253, %gather3A_249 : vector<16xi32>
        %sub3A_254 = arith.subi %add3A_197, %gather3A_249 : vector<16xi32>
        %shift_right_arithmetic3A_255 = arith.constant 3 : i32
        %shift_right_arithmetic3A_256 = vector.broadcast %shift_right_arithmetic3A_255 : i32 to vector<16xi32>
        %shift_right_arithmetic3A_257 = arith.shrsi %add3A_197, %shift_right_arithmetic3A_256 : vector<16xi32>
        %shift_left3A_258 = arith.constant 6 : i32
        %shift_left3A_259 = vector.broadcast %shift_left3A_258 : i32 to vector<16xi32>
        %shift_left3A_260 = arith.shli %shift_right_arithmetic3A_257, %shift_left3A_259 : vector<16xi32>
        %and3A_261 = arith.constant 7 : i32
        %and3A_262 = vector.broadcast %and3A_261 : i32 to vector<16xi32>
        %and3A_263 = arith.andi %add3A_197, %and3A_262 : vector<16xi32>
        %shift_left3A_264 = arith.constant 2 : i32
        %shift_left3A_265 = vector.broadcast %shift_left3A_264 : i32 to vector<16xi32>
        %shift_left3A_266 = arith.shli %and3A_263, %shift_left3A_265 : vector<16xi32>
        %add3A_267 = arith.addi %shift_left3A_260, %shift_left3A_266 : vector<16xi32>
        %add3A_268 = arith.constant 0 : i32
        %add3A_269 = vector.broadcast %add3A_268 : i32 to vector<16xi32>
        %add3A_270 = arith.addi %add3A_267, %add3A_269 : vector<16xi32>
        %add3A_271 = arith.constant 0 : i32
        %add3A_272 = vector.broadcast %add3A_271 : i32 to vector<16xi32>
        %add3A_273 = arith.addi %add3A_201, %add3A_272 : vector<16xi32>
        tpu.vector_store_idx %arg6[%broadcast_in_dim3A_135, %add3A_273], %add3A_270 : memref<2x1024xi32, #tpu.memory_space<vmem>>[vector<16xi32>, vector<16xi32>], vector<16xi32>,
        %add3A_274 = arith.constant 1 : i32
        %add3A_275 = vector.broadcast %add3A_274 : i32 to vector<16xi32>
        %add3A_276 = arith.addi %sub3A_254, %add3A_275 : vector<16xi32>
        %rem3A = arith.remsi %add3A_276, %sub3A : vector<16xi32>
        %add3A_277 = arith.addi %gather3A_249, %rem3A : vector<16xi32>
        %shift_right_arithmetic3A_278 = arith.constant 3 : i32
        %shift_right_arithmetic3A_279 = vector.broadcast %shift_right_arithmetic3A_278 : i32 to vector<16xi32>
        %shift_right_arithmetic3A_280 = arith.shrsi %add3A_277, %shift_right_arithmetic3A_279 : vector<16xi32>
        %shift_left3A_281 = arith.constant 6 : i32
        %shift_left3A_282 = vector.broadcast %shift_left3A_281 : i32 to vector<16xi32>
        %shift_left3A_283 = arith.shli %shift_right_arithmetic3A_280, %shift_left3A_282 : vector<16xi32>
        %and3A_284 = arith.constant 7 : i32
        %and3A_285 = vector.broadcast %and3A_284 : i32 to vector<16xi32>
        %and3A_286 = arith.andi %add3A_277, %and3A_285 : vector<16xi32>
        %shift_left3A_287 = arith.constant 2 : i32
        %shift_left3A_288 = vector.broadcast %shift_left3A_287 : i32 to vector<16xi32>
        %shift_left3A_289 = arith.shli %and3A_286, %shift_left3A_288 : vector<16xi32>
        %add3A_290 = arith.addi %shift_left3A_283, %shift_left3A_289 : vector<16xi32>
        %add3A_291 = arith.constant 1 : i32
        %add3A_292 = vector.broadcast %add3A_291 : i32 to vector<16xi32>
        %add3A_293 = arith.addi %add3A_290, %add3A_292 : vector<16xi32>
        %add3A_294 = arith.constant 1 : i32
        %add3A_295 = vector.broadcast %add3A_294 : i32 to vector<16xi32>
        %add3A_296 = arith.addi %add3A_201, %add3A_295 : vector<16xi32>
        tpu.vector_store_idx %arg6[%broadcast_in_dim3A_135, %add3A_296], %add3A_293 : memref<2x1024xi32, #tpu.memory_space<vmem>>[vector<16xi32>, vector<16xi32>], vector<16xi32>,
        %add3A_297 = arith.constant 2 : i32
        %add3A_298 = vector.broadcast %add3A_297 : i32 to vector<16xi32>
        %add3A_299 = arith.addi %sub3A_254, %add3A_298 : vector<16xi32>
        %rem3A_300 = arith.remsi %add3A_299, %sub3A : vector<16xi32>
        %add3A_301 = arith.addi %gather3A_249, %rem3A_300 : vector<16xi32>
        %shift_right_arithmetic3A_302 = arith.constant 3 : i32
        %shift_right_arithmetic3A_303 = vector.broadcast %shift_right_arithmetic3A_302 : i32 to vector<16xi32>
        %shift_right_arithmetic3A_304 = arith.shrsi %add3A_301, %shift_right_arithmetic3A_303 : vector<16xi32>
        %shift_left3A_305 = arith.constant 6 : i32
        %shift_left3A_306 = vector.broadcast %shift_left3A_305 : i32 to vector<16xi32>
        %shift_left3A_307 = arith.shli %shift_right_arithmetic3A_304, %shift_left3A_306 : vector<16xi32>
        %and3A_308 = arith.constant 7 : i32
        %and3A_309 = vector.broadcast %and3A_308 : i32 to vector<16xi32>
        %and3A_310 = arith.andi %add3A_301, %and3A_309 : vector<16xi32>
        %shift_left3A_311 = arith.constant 2 : i32
        %shift_left3A_312 = vector.broadcast %shift_left3A_311 : i32 to vector<16xi32>
        %shift_left3A_313 = arith.shli %and3A_310, %shift_left3A_312 : vector<16xi32>
        %add3A_314 = arith.addi %shift_left3A_307, %shift_left3A_313 : vector<16xi32>
        %add3A_315 = arith.constant 2 : i32
        %add3A_316 = vector.broadcast %add3A_315 : i32 to vector<16xi32>
        %add3A_317 = arith.addi %add3A_314, %add3A_316 : vector<16xi32>
        %add3A_318 = arith.constant 2 : i32
        %add3A_319 = vector.broadcast %add3A_318 : i32 to vector<16xi32>
        %add3A_320 = arith.addi %add3A_201, %add3A_319 : vector<16xi32>
        tpu.vector_store_idx %arg6[%broadcast_in_dim3A_135, %add3A_320], %add3A_317 : memref<2x1024xi32, #tpu.memory_space<vmem>>[vector<16xi32>, vector<16xi32>], vector<16xi32>,
        %add3A_321 = arith.constant 4 : i32
        %add3A_322 = vector.broadcast %add3A_321 : i32 to vector<16xi32>
        %add3A_323 = arith.addi %sub3A_254, %add3A_322 : vector<16xi32>
        %rem3A_324 = arith.remsi %add3A_323, %sub3A : vector<16xi32>
        %add3A_325 = arith.addi %gather3A_249, %rem3A_324 : vector<16xi32>
        %shift_right_arithmetic3A_326 = arith.constant 3 : i32
        %shift_right_arithmetic3A_327 = vector.broadcast %shift_right_arithmetic3A_326 : i32 to vector<16xi32>
        %shift_right_arithmetic3A_328 = arith.shrsi %add3A_325, %shift_right_arithmetic3A_327 : vector<16xi32>
        %shift_left3A_329 = arith.constant 6 : i32
        %shift_left3A_330 = vector.broadcast %shift_left3A_329 : i32 to vector<16xi32>
        %shift_left3A_331 = arith.shli %shift_right_arithmetic3A_328, %shift_left3A_330 : vector<16xi32>
        %and3A_332 = arith.constant 7 : i32
        %and3A_333 = vector.broadcast %and3A_332 : i32 to vector<16xi32>
        %and3A_334 = arith.andi %add3A_325, %and3A_333 : vector<16xi32>
        %shift_left3A_335 = arith.constant 2 : i32
        %shift_left3A_336 = vector.broadcast %shift_left3A_335 : i32 to vector<16xi32>
        %shift_left3A_337 = arith.shli %and3A_334, %shift_left3A_336 : vector<16xi32>
        %add3A_338 = arith.addi %shift_left3A_331, %shift_left3A_337 : vector<16xi32>
        %add3A_339 = arith.constant 3 : i32
        %add3A_340 = vector.broadcast %add3A_339 : i32 to vector<16xi32>
        %add3A_341 = arith.addi %add3A_338, %add3A_340 : vector<16xi32>
        %add3A_342 = arith.constant 3 : i32
        %add3A_343 = vector.broadcast %add3A_342 : i32 to vector<16xi32>
        %add3A_344 = arith.addi %add3A_201, %add3A_343 : vector<16xi32>
        tpu.vector_store_idx %arg6[%broadcast_in_dim3A_135, %add3A_344], %add3A_341 : memref<2x1024xi32, #tpu.memory_space<vmem>>[vector<16xi32>, vector<16xi32>], vector<16xi32>,
        %add3A_345 = arith.constant 8 : i32
        %add3A_346 = vector.broadcast %add3A_345 : i32 to vector<16xi32>
        %add3A_347 = arith.addi %sub3A_254, %add3A_346 : vector<16xi32>
        %rem3A_348 = arith.remsi %add3A_347, %sub3A : vector<16xi32>
        %add3A_349 = arith.addi %gather3A_249, %rem3A_348 : vector<16xi32>
        %shift_right_arithmetic3A_350 = arith.constant 3 : i32
        %shift_right_arithmetic3A_351 = vector.broadcast %shift_right_arithmetic3A_350 : i32 to vector<16xi32>
        %shift_right_arithmetic3A_352 = arith.shrsi %add3A_349, %shift_right_arithmetic3A_351 : vector<16xi32>
        %shift_left3A_353 = arith.constant 6 : i32
        %shift_left3A_354 = vector.broadcast %shift_left3A_353 : i32 to vector<16xi32>
        %shift_left3A_355 = arith.shli %shift_right_arithmetic3A_352, %shift_left3A_354 : vector<16xi32>
        %and3A_356 = arith.constant 7 : i32
        %and3A_357 = vector.broadcast %and3A_356 : i32 to vector<16xi32>
        %and3A_358 = arith.andi %add3A_349, %and3A_357 : vector<16xi32>
        %shift_left3A_359 = arith.constant 2 : i32
        %shift_left3A_360 = vector.broadcast %shift_left3A_359 : i32 to vector<16xi32>
        %shift_left3A_361 = arith.shli %and3A_358, %shift_left3A_360 : vector<16xi32>
        %add3A_362 = arith.addi %shift_left3A_355, %shift_left3A_361 : vector<16xi32>
        %add3A_363 = arith.constant 32 : i32
        %add3A_364 = vector.broadcast %add3A_363 : i32 to vector<16xi32>
        %add3A_365 = arith.addi %add3A_362, %add3A_364 : vector<16xi32>
        %add3A_366 = arith.constant 32 : i32
        %add3A_367 = vector.broadcast %add3A_366 : i32 to vector<16xi32>
        %add3A_368 = arith.addi %add3A_201, %add3A_367 : vector<16xi32>
        tpu.vector_store_idx %arg6[%broadcast_in_dim3A_135, %add3A_368], %add3A_365 : memref<2x1024xi32, #tpu.memory_space<vmem>>[vector<16xi32>, vector<16xi32>], vector<16xi32>,
        %add3A_369 = arith.constant 16 : i32
        %add3A_370 = vector.broadcast %add3A_369 : i32 to vector<16xi32>
        %add3A_371 = arith.addi %sub3A_254, %add3A_370 : vector<16xi32>
        %rem3A_372 = arith.remsi %add3A_371, %sub3A : vector<16xi32>
        %add3A_373 = arith.addi %gather3A_249, %rem3A_372 : vector<16xi32>
        %shift_right_arithmetic3A_374 = arith.constant 3 : i32
        %shift_right_arithmetic3A_375 = vector.broadcast %shift_right_arithmetic3A_374 : i32 to vector<16xi32>
        %shift_right_arithmetic3A_376 = arith.shrsi %add3A_373, %shift_right_arithmetic3A_375 : vector<16xi32>
        %shift_left3A_377 = arith.constant 6 : i32
        %shift_left3A_378 = vector.broadcast %shift_left3A_377 : i32 to vector<16xi32>
        %shift_left3A_379 = arith.shli %shift_right_arithmetic3A_376, %shift_left3A_378 : vector<16xi32>
        %and3A_380 = arith.constant 7 : i32
        %and3A_381 = vector.broadcast %and3A_380 : i32 to vector<16xi32>
        %and3A_382 = arith.andi %add3A_373, %and3A_381 : vector<16xi32>
        %shift_left3A_383 = arith.constant 2 : i32
        %shift_left3A_384 = vector.broadcast %shift_left3A_383 : i32 to vector<16xi32>
        %shift_left3A_385 = arith.shli %and3A_382, %shift_left3A_384 : vector<16xi32>
        %add3A_386 = arith.addi %shift_left3A_379, %shift_left3A_385 : vector<16xi32>
        %add3A_387 = arith.constant 33 : i32
        %add3A_388 = vector.broadcast %add3A_387 : i32 to vector<16xi32>
        %add3A_389 = arith.addi %add3A_386, %add3A_388 : vector<16xi32>
        %add3A_390 = arith.constant 33 : i32
        %add3A_391 = vector.broadcast %add3A_390 : i32 to vector<16xi32>
        %add3A_392 = arith.addi %add3A_201, %add3A_391 : vector<16xi32>
        tpu.vector_store_idx %arg6[%broadcast_in_dim3A_135, %add3A_392], %add3A_389 : memref<2x1024xi32, #tpu.memory_space<vmem>>[vector<16xi32>, vector<16xi32>], vector<16xi32>,
        %add3A_393 = arith.constant 32 : i32
        %add3A_394 = vector.broadcast %add3A_393 : i32 to vector<16xi32>
        %add3A_395 = arith.addi %sub3A_254, %add3A_394 : vector<16xi32>
        %rem3A_396 = arith.remsi %add3A_395, %sub3A : vector<16xi32>
        %add3A_397 = arith.addi %gather3A_249, %rem3A_396 : vector<16xi32>
        %shift_right_arithmetic3A_398 = arith.constant 3 : i32
        %shift_right_arithmetic3A_399 = vector.broadcast %shift_right_arithmetic3A_398 : i32 to vector<16xi32>
        %shift_right_arithmetic3A_400 = arith.shrsi %add3A_397, %shift_right_arithmetic3A_399 : vector<16xi32>
        %shift_left3A_401 = arith.constant 6 : i32
        %shift_left3A_402 = vector.broadcast %shift_left3A_401 : i32 to vector<16xi32>
        %shift_left3A_403 = arith.shli %shift_right_arithmetic3A_400, %shift_left3A_402 : vector<16xi32>
        %and3A_404 = arith.constant 7 : i32
        %and3A_405 = vector.broadcast %and3A_404 : i32 to vector<16xi32>
        %and3A_406 = arith.andi %add3A_397, %and3A_405 : vector<16xi32>
        %shift_left3A_407 = arith.constant 2 : i32
        %shift_left3A_408 = vector.broadcast %shift_left3A_407 : i32 to vector<16xi32>
        %shift_left3A_409 = arith.shli %and3A_406, %shift_left3A_408 : vector<16xi32>
        %add3A_410 = arith.addi %shift_left3A_403, %shift_left3A_409 : vector<16xi32>
        %add3A_411 = arith.constant 34 : i32
        %add3A_412 = vector.broadcast %add3A_411 : i32 to vector<16xi32>
        %add3A_413 = arith.addi %add3A_410, %add3A_412 : vector<16xi32>
        %add3A_414 = arith.constant 34 : i32
        %add3A_415 = vector.broadcast %add3A_414 : i32 to vector<16xi32>
        %add3A_416 = arith.addi %add3A_201, %add3A_415 : vector<16xi32>
        tpu.vector_store_idx %arg6[%broadcast_in_dim3A_135, %add3A_416], %add3A_413 : memref<2x1024xi32, #tpu.memory_space<vmem>>[vector<16xi32>, vector<16xi32>], vector<16xi32>,
        %add3A_417 = arith.constant 64 : i32
        %add3A_418 = vector.broadcast %add3A_417 : i32 to vector<16xi32>
        %add3A_419 = arith.addi %sub3A_254, %add3A_418 : vector<16xi32>
        %rem3A_420 = arith.remsi %add3A_419, %sub3A : vector<16xi32>
        %add3A_421 = arith.addi %gather3A_249, %rem3A_420 : vector<16xi32>
        %shift_right_arithmetic3A_422 = arith.constant 3 : i32
        %shift_right_arithmetic3A_423 = vector.broadcast %shift_right_arithmetic3A_422 : i32 to vector<16xi32>
        %shift_right_arithmetic3A_424 = arith.shrsi %add3A_421, %shift_right_arithmetic3A_423 : vector<16xi32>
        %shift_left3A_425 = arith.constant 6 : i32
        %shift_left3A_426 = vector.broadcast %shift_left3A_425 : i32 to vector<16xi32>
        %shift_left3A_427 = arith.shli %shift_right_arithmetic3A_424, %shift_left3A_426 : vector<16xi32>
        %and3A_428 = arith.constant 7 : i32
        %and3A_429 = vector.broadcast %and3A_428 : i32 to vector<16xi32>
        %and3A_430 = arith.andi %add3A_421, %and3A_429 : vector<16xi32>
        %shift_left3A_431 = arith.constant 2 : i32
        %shift_left3A_432 = vector.broadcast %shift_left3A_431 : i32 to vector<16xi32>
        %shift_left3A_433 = arith.shli %and3A_430, %shift_left3A_432 : vector<16xi32>
        %add3A_434 = arith.addi %shift_left3A_427, %shift_left3A_433 : vector<16xi32>
        %add3A_435 = arith.constant 35 : i32
        %add3A_436 = vector.broadcast %add3A_435 : i32 to vector<16xi32>
        %add3A_437 = arith.addi %add3A_434, %add3A_436 : vector<16xi32>
        %add3A_438 = arith.constant 35 : i32
        %add3A_439 = vector.broadcast %add3A_438 : i32 to vector<16xi32>
        %add3A_440 = arith.addi %add3A_201, %add3A_439 : vector<16xi32>
        tpu.vector_store_idx %arg6[%broadcast_in_dim3A_135, %add3A_440], %add3A_437 : memref<2x1024xi32, #tpu.memory_space<vmem>>[vector<16xi32>, vector<16xi32>], vector<16xi32>,
      }
      %scan3A_141 = arith.constant 8 : i32
      %convert_element_type3A_142 = arith.extui %gt3A_106 : i1 to i32
      %cond3A_143 = arith.constant 0 : i32
      %cond3A_144 = arith.cmpi ne, %convert_element_type3A_142, %cond3A_143 : i32
      scf.if %cond3A_144 {
        %dma_wait3A_192 = arith.constant 0 : i32
        %dma_wait3A_193 = arith.constant 1 : i32
        %dma_wait3A_194 = arith.constant 0 : i32
        %dma_wait3A_195 = arith.constant 0 : i32
        %dma_wait3A_196 = tpu.memref_slice %arg7[%dma_wait3A_193, %dma_wait3A_194, %dma_wait3A_195] : memref<2x1024x32xf32, #tpu.memory_space<vmem>> -> memref<1x1024x32xf32, #tpu.memory_space<vmem>>
        %dma_wait3A_197 = tpu.memref_squeeze %dma_wait3A_196 : memref<1x1024x32xf32, #tpu.memory_space<vmem>> -> memref<1024x32xf32, #tpu.memory_space<vmem>>
        %dma_wait3A_198 = arith.constant 0 : i32
        %dma_wait3A_199 = arith.constant 0 : i32
        %dma_wait3A_200 = tpu.memref_slice %arg4[%dma_wait3A_192, %dma_wait3A_198, %dma_wait3A_199] : memref<255x1024x32xf32, #tpu.memory_space<hbm>> -> memref<1x1024x32xf32, #tpu.memory_space<hbm>>
        %dma_wait3A_201 = tpu.memref_squeeze %dma_wait3A_200 : memref<1x1024x32xf32, #tpu.memory_space<hbm>> -> memref<1024x32xf32, #tpu.memory_space<hbm>>
        %dma_wait3A_202 = arith.constant 0 : i32
        %dma_wait3A_203 = arith.constant 0 : i32
        %dma_wait3A_204 = tpu.memref_slice %arg7[%dma_wait3A_193, %dma_wait3A_202, %dma_wait3A_203] : memref<2x1024x32xf32, #tpu.memory_space<vmem>> -> memref<1x1024x32xf32, #tpu.memory_space<vmem>>
        %dma_wait3A_205 = tpu.memref_squeeze %dma_wait3A_204 : memref<1x1024x32xf32, #tpu.memory_space<vmem>> -> memref<1024x32xf32, #tpu.memory_space<vmem>>
        %dma_wait3A_206 = arith.constant 0 : i32
        %dma_wait3A_207 = arith.constant 0 : i32
        %dma_wait3A_208 = tpu.memref_slice %arg4[%dma_wait3A_192, %dma_wait3A_206, %dma_wait3A_207] : memref<255x1024x32xf32, #tpu.memory_space<hbm>> -> memref<1x1024x32xf32, #tpu.memory_space<hbm>>
        %dma_wait3A_209 = tpu.memref_squeeze %dma_wait3A_208 : memref<1x1024x32xf32, #tpu.memory_space<hbm>> -> memref<1024x32xf32, #tpu.memory_space<hbm>>
        tpu.wait_dma2 semaphore(%arg11 : memref<!tpu.dma_semaphore, #tpu.memory_space<semaphore_mem>>) src(%dma_wait3A_209 : memref<1024x32xf32, #tpu.memory_space<hbm>>) dst(%dma_wait3A_205 : memref<1024x32xf32, #tpu.memory_space<vmem>>)
      } else {
      }
      %dma_start3A_145 = arith.constant 1 : i32
      %dma_start3A_146 = arith.constant 1 : i32
      %dma_start3A_147 = arith.constant 0 : i32
      %dma_start3A_148 = arith.constant 0 : i32
      %dma_start3A_149 = tpu.memref_slice %arg7[%dma_start3A_146, %dma_start3A_147, %dma_start3A_148] : memref<2x1024x32xf32, #tpu.memory_space<vmem>> -> memref<1x1024x32xf32, #tpu.memory_space<vmem>>
      %dma_start3A_150 = tpu.memref_squeeze %dma_start3A_149 : memref<1x1024x32xf32, #tpu.memory_space<vmem>> -> memref<1024x32xf32, #tpu.memory_space<vmem>>
      %dma_start3A_151 = arith.constant 0 : i32
      %dma_start3A_152 = tpu.memref_slice %arg6[%dma_start3A_145, %dma_start3A_151] : memref<2x1024xi32, #tpu.memory_space<vmem>> -> memref<1x1024xi32, #tpu.memory_space<vmem>>
      %dma_start3A_153 = tpu.memref_squeeze %dma_start3A_152 : memref<1x1024xi32, #tpu.memory_space<vmem>> -> memref<1024xi32, #tpu.memory_space<vmem>>
      %dma_start3A_154 = arith.constant 0 : i32
      %dma_start3A_155 = arith.constant 0 : i32
      %dma_start3A_156 = tpu.memref_slice %arg2[%dma_start3A_154, %dma_start3A_155] : memref<261120x32xf32, #tpu.memory_space<hbm>> -> memref<261120x32xf32, #tpu.memory_space<hbm>>
      tpu.enqueue_indirect_dma source(%dma_start3A_156 : memref<261120x32xf32, #tpu.memory_space<hbm>>) target(%dma_start3A_150 : memref<1024x32xf32, #tpu.memory_space<vmem>>) offsets(%dma_start3A_153 : memref<1024xi32, #tpu.memory_space<vmem>>) semaphore(%arg9 : memref<!tpu.dma_semaphore, #tpu.memory_space<semaphore_mem>>)
      %dma_wait3A_157 = arith.constant 0 : i32
      %dma_wait3A_158 = arith.constant 0 : i32
      %dma_wait3A_159 = arith.constant 0 : i32
      %dma_wait3A_160 = arith.constant 0 : i32
      %dma_wait3A_161 = tpu.memref_slice %arg7[%dma_wait3A_158, %dma_wait3A_159, %dma_wait3A_160] : memref<2x1024x32xf32, #tpu.memory_space<vmem>> -> memref<1x1024x32xf32, #tpu.memory_space<vmem>>
      %dma_wait3A_162 = tpu.memref_squeeze %dma_wait3A_161 : memref<1x1024x32xf32, #tpu.memory_space<vmem>> -> memref<1024x32xf32, #tpu.memory_space<vmem>>
      %dma_wait3A_163 = arith.constant 0 : i32
      %dma_wait3A_164 = arith.constant 0 : i32
      %dma_wait3A_165 = tpu.memref_slice %arg4[%dma_wait3A_157, %dma_wait3A_163, %dma_wait3A_164] : memref<255x1024x32xf32, #tpu.memory_space<hbm>> -> memref<1x1024x32xf32, #tpu.memory_space<hbm>>
      %dma_wait3A_166 = tpu.memref_squeeze %dma_wait3A_165 : memref<1x1024x32xf32, #tpu.memory_space<hbm>> -> memref<1024x32xf32, #tpu.memory_space<hbm>>
      %dma_wait3A_167 = arith.constant 0 : i32
      %dma_wait3A_168 = arith.constant 0 : i32
      %dma_wait3A_169 = tpu.memref_slice %arg7[%dma_wait3A_158, %dma_wait3A_167, %dma_wait3A_168] : memref<2x1024x32xf32, #tpu.memory_space<vmem>> -> memref<1x1024x32xf32, #tpu.memory_space<vmem>>
      %dma_wait3A_170 = tpu.memref_squeeze %dma_wait3A_169 : memref<1x1024x32xf32, #tpu.memory_space<vmem>> -> memref<1024x32xf32, #tpu.memory_space<vmem>>
      %dma_wait3A_171 = arith.constant 0 : i32
      %dma_wait3A_172 = arith.constant 0 : i32
      %dma_wait3A_173 = tpu.memref_slice %arg4[%dma_wait3A_157, %dma_wait3A_171, %dma_wait3A_172] : memref<255x1024x32xf32, #tpu.memory_space<hbm>> -> memref<1x1024x32xf32, #tpu.memory_space<hbm>>
      %dma_wait3A_174 = tpu.memref_squeeze %dma_wait3A_173 : memref<1x1024x32xf32, #tpu.memory_space<hbm>> -> memref<1024x32xf32, #tpu.memory_space<hbm>>
      tpu.wait_dma2 semaphore(%arg8 : memref<!tpu.dma_semaphore, #tpu.memory_space<semaphore_mem>>) src(%dma_wait3A_174 : memref<1024x32xf32, #tpu.memory_space<hbm>>) dst(%dma_wait3A_170 : memref<1024x32xf32, #tpu.memory_space<vmem>>)
      %dma_start3A_175 = arith.constant 0 : i32
      %dma_start3A_176 = arith.constant 0 : i32
      %dma_start3A_177 = arith.constant 0 : i32
      %dma_start3A_178 = tpu.memref_slice %arg7[%dma_start3A_175, %dma_start3A_176, %dma_start3A_177] : memref<2x1024x32xf32, #tpu.memory_space<vmem>> -> memref<1x1024x32xf32, #tpu.memory_space<vmem>>
      %dma_start3A_179 = tpu.memref_squeeze %dma_start3A_178 : memref<1x1024x32xf32, #tpu.memory_space<vmem>> -> memref<1024x32xf32, #tpu.memory_space<vmem>>
      %dma_start3A_180 = arith.constant 0 : i32
      %dma_start3A_181 = arith.constant 0 : i32
      %dma_start3A_182 = tpu.memref_slice %arg4[%min3A_96, %dma_start3A_180, %dma_start3A_181] : memref<255x1024x32xf32, #tpu.memory_space<hbm>> -> memref<1x1024x32xf32, #tpu.memory_space<hbm>>
      %dma_start3A_183 = tpu.memref_squeeze %dma_start3A_182 : memref<1x1024x32xf32, #tpu.memory_space<hbm>> -> memref<1024x32xf32, #tpu.memory_space<hbm>>
      %dma_start3A_184 = arith.constant 0 : i32
      %dma_start3A_185 = arith.constant 0 : i32
      %dma_start3A_186 = tpu.memref_slice %arg4[%min3A_96, %dma_start3A_184, %dma_start3A_185] : memref<255x1024x32xf32, #tpu.memory_space<hbm>> -> memref<1x1024x32xf32, #tpu.memory_space<hbm>>
      %dma_start3A_187 = tpu.memref_squeeze %dma_start3A_186 : memref<1x1024x32xf32, #tpu.memory_space<hbm>> -> memref<1024x32xf32, #tpu.memory_space<hbm>>
      %dma_start3A_188 = arith.constant 0 : i32
      %dma_start3A_189 = arith.constant 0 : i32
      %dma_start3A_190 = tpu.memref_slice %arg7[%dma_start3A_175, %dma_start3A_188, %dma_start3A_189] : memref<2x1024x32xf32, #tpu.memory_space<vmem>> -> memref<1x1024x32xf32, #tpu.memory_space<vmem>>
      %dma_start3A_191 = tpu.memref_squeeze %dma_start3A_190 : memref<1x1024x32xf32, #tpu.memory_space<vmem>> -> memref<1024x32xf32, #tpu.memory_space<vmem>>
      tpu.enqueue_dma source(%dma_start3A_191 : memref<1024x32xf32, #tpu.memory_space<vmem>>) target(%dma_start3A_187 : memref<1024x32xf32, #tpu.memory_space<hbm>>) target_semaphore(%arg10 : memref<!tpu.dma_semaphore, #tpu.memory_space<semaphore_mem>>)
    }
    %scan3A_15 = arith.constant 4 : i32
    %dma_wait3A = arith.constant 0 : i32
    %dma_wait3A_16 = arith.constant 1 : i32
    %dma_wait3A_17 = arith.constant 0 : i32
    %dma_wait3A_18 = arith.constant 0 : i32
    %dma_wait3A_19 = tpu.memref_slice %arg7[%dma_wait3A_16, %dma_wait3A_17, %dma_wait3A_18] : memref<2x1024x32xf32, #tpu.memory_space<vmem>> -> memref<1x1024x32xf32, #tpu.memory_space<vmem>>
    %dma_wait3A_20 = tpu.memref_squeeze %dma_wait3A_19 : memref<1x1024x32xf32, #tpu.memory_space<vmem>> -> memref<1024x32xf32, #tpu.memory_space<vmem>>
    %dma_wait3A_21 = arith.constant 0 : i32
    %dma_wait3A_22 = arith.constant 0 : i32
    %dma_wait3A_23 = tpu.memref_slice %arg4[%dma_wait3A, %dma_wait3A_21, %dma_wait3A_22] : memref<255x1024x32xf32, #tpu.memory_space<hbm>> -> memref<1x1024x32xf32, #tpu.memory_space<hbm>>
    %dma_wait3A_24 = tpu.memref_squeeze %dma_wait3A_23 : memref<1x1024x32xf32, #tpu.memory_space<hbm>> -> memref<1024x32xf32, #tpu.memory_space<hbm>>
    %dma_wait3A_25 = arith.constant 0 : i32
    %dma_wait3A_26 = arith.constant 0 : i32
    %dma_wait3A_27 = tpu.memref_slice %arg7[%dma_wait3A_16, %dma_wait3A_25, %dma_wait3A_26] : memref<2x1024x32xf32, #tpu.memory_space<vmem>> -> memref<1x1024x32xf32, #tpu.memory_space<vmem>>
    %dma_wait3A_28 = tpu.memref_squeeze %dma_wait3A_27 : memref<1x1024x32xf32, #tpu.memory_space<vmem>> -> memref<1024x32xf32, #tpu.memory_space<vmem>>
    %dma_wait3A_29 = arith.constant 0 : i32
    %dma_wait3A_30 = arith.constant 0 : i32
    %dma_wait3A_31 = tpu.memref_slice %arg4[%dma_wait3A, %dma_wait3A_29, %dma_wait3A_30] : memref<255x1024x32xf32, #tpu.memory_space<hbm>> -> memref<1x1024x32xf32, #tpu.memory_space<hbm>>
    %dma_wait3A_32 = tpu.memref_squeeze %dma_wait3A_31 : memref<1x1024x32xf32, #tpu.memory_space<hbm>> -> memref<1024x32xf32, #tpu.memory_space<hbm>>
    tpu.wait_dma2 semaphore(%arg9 : memref<!tpu.dma_semaphore, #tpu.memory_space<semaphore_mem>>) src(%dma_wait3A_32 : memref<1024x32xf32, #tpu.memory_space<hbm>>) dst(%dma_wait3A_28 : memref<1024x32xf32, #tpu.memory_space<vmem>>)
    %mul3A_33 = arith.constant 8 : i32
    %mul3A_34 = arith.muli %add3A, %mul3A_33 : i32
    %add3A_35 = arith.constant 7 : i32
    %add3A_36 = arith.addi %mul3A_34, %add3A_35 : i32
    %min3A = arith.constant 254 : i32
    %min3A_37 = arith.minsi %add3A_36, %min3A : i32
    %dma_start3A = arith.constant 1 : i32
    %dma_start3A_38 = arith.constant 0 : i32
    %dma_start3A_39 = arith.constant 0 : i32
    %dma_start3A_40 = tpu.memref_slice %arg7[%dma_start3A, %dma_start3A_38, %dma_start3A_39] : memref<2x1024x32xf32, #tpu.memory_space<vmem>> -> memref<1x1024x32xf32, #tpu.memory_space<vmem>>
    %dma_start3A_41 = tpu.memref_squeeze %dma_start3A_40 : memref<1x1024x32xf32, #tpu.memory_space<vmem>> -> memref<1024x32xf32, #tpu.memory_space<vmem>>
    %dma_start3A_42 = arith.constant 0 : i32
    %dma_start3A_43 = arith.constant 0 : i32
    %dma_start3A_44 = tpu.memref_slice %arg4[%min3A_37, %dma_start3A_42, %dma_start3A_43] : memref<255x1024x32xf32, #tpu.memory_space<hbm>> -> memref<1x1024x32xf32, #tpu.memory_space<hbm>>
    %dma_start3A_45 = tpu.memref_squeeze %dma_start3A_44 : memref<1x1024x32xf32, #tpu.memory_space<hbm>> -> memref<1024x32xf32, #tpu.memory_space<hbm>>
    %dma_start3A_46 = arith.constant 0 : i32
    %dma_start3A_47 = arith.constant 0 : i32
    %dma_start3A_48 = tpu.memref_slice %arg4[%min3A_37, %dma_start3A_46, %dma_start3A_47] : memref<255x1024x32xf32, #tpu.memory_space<hbm>> -> memref<1x1024x32xf32, #tpu.memory_space<hbm>>
    %dma_start3A_49 = tpu.memref_squeeze %dma_start3A_48 : memref<1x1024x32xf32, #tpu.memory_space<hbm>> -> memref<1024x32xf32, #tpu.memory_space<hbm>>
    %dma_start3A_50 = arith.constant 0 : i32
    %dma_start3A_51 = arith.constant 0 : i32
    %dma_start3A_52 = tpu.memref_slice %arg7[%dma_start3A, %dma_start3A_50, %dma_start3A_51] : memref<2x1024x32xf32, #tpu.memory_space<vmem>> -> memref<1x1024x32xf32, #tpu.memory_space<vmem>>
    %dma_start3A_53 = tpu.memref_squeeze %dma_start3A_52 : memref<1x1024x32xf32, #tpu.memory_space<vmem>> -> memref<1024x32xf32, #tpu.memory_space<vmem>>
    tpu.enqueue_dma source(%dma_start3A_53 : memref<1024x32xf32, #tpu.memory_space<vmem>>) target(%dma_start3A_49 : memref<1024x32xf32, #tpu.memory_space<hbm>>) target_semaphore(%arg11 : memref<!tpu.dma_semaphore, #tpu.memory_space<semaphore_mem>>)
    %dma_wait3A_54 = arith.constant 0 : i32
    %dma_wait3A_55 = arith.constant 0 : i32
    %dma_wait3A_56 = arith.constant 0 : i32
    %dma_wait3A_57 = arith.constant 0 : i32
    %dma_wait3A_58 = tpu.memref_slice %arg7[%dma_wait3A_55, %dma_wait3A_56, %dma_wait3A_57] : memref<2x1024x32xf32, #tpu.memory_space<vmem>> -> memref<1x1024x32xf32, #tpu.memory_space<vmem>>
    %dma_wait3A_59 = tpu.memref_squeeze %dma_wait3A_58 : memref<1x1024x32xf32, #tpu.memory_space<vmem>> -> memref<1024x32xf32, #tpu.memory_space<vmem>>
    %dma_wait3A_60 = arith.constant 0 : i32
    %dma_wait3A_61 = arith.constant 0 : i32
    %dma_wait3A_62 = tpu.memref_slice %arg4[%dma_wait3A_54, %dma_wait3A_60, %dma_wait3A_61] : memref<255x1024x32xf32, #tpu.memory_space<hbm>> -> memref<1x1024x32xf32, #tpu.memory_space<hbm>>
    %dma_wait3A_63 = tpu.memref_squeeze %dma_wait3A_62 : memref<1x1024x32xf32, #tpu.memory_space<hbm>> -> memref<1024x32xf32, #tpu.memory_space<hbm>>
    %dma_wait3A_64 = arith.constant 0 : i32
    %dma_wait3A_65 = arith.constant 0 : i32
    %dma_wait3A_66 = tpu.memref_slice %arg7[%dma_wait3A_55, %dma_wait3A_64, %dma_wait3A_65] : memref<2x1024x32xf32, #tpu.memory_space<vmem>> -> memref<1x1024x32xf32, #tpu.memory_space<vmem>>
    %dma_wait3A_67 = tpu.memref_squeeze %dma_wait3A_66 : memref<1x1024x32xf32, #tpu.memory_space<vmem>> -> memref<1024x32xf32, #tpu.memory_space<vmem>>
    %dma_wait3A_68 = arith.constant 0 : i32
    %dma_wait3A_69 = arith.constant 0 : i32
    %dma_wait3A_70 = tpu.memref_slice %arg4[%dma_wait3A_54, %dma_wait3A_68, %dma_wait3A_69] : memref<255x1024x32xf32, #tpu.memory_space<hbm>> -> memref<1x1024x32xf32, #tpu.memory_space<hbm>>
    %dma_wait3A_71 = tpu.memref_squeeze %dma_wait3A_70 : memref<1x1024x32xf32, #tpu.memory_space<hbm>> -> memref<1024x32xf32, #tpu.memory_space<hbm>>
    tpu.wait_dma2 semaphore(%arg10 : memref<!tpu.dma_semaphore, #tpu.memory_space<semaphore_mem>>) src(%dma_wait3A_71 : memref<1024x32xf32, #tpu.memory_space<hbm>>) dst(%dma_wait3A_67 : memref<1024x32xf32, #tpu.memory_space<vmem>>)
    %dma_wait3A_72 = arith.constant 1 : i32
    %dma_wait3A_73 = arith.constant 0 : i32
    %dma_wait3A_74 = arith.constant 0 : i32
    %dma_wait3A_75 = tpu.memref_slice %arg7[%dma_wait3A_72, %dma_wait3A_73, %dma_wait3A_74] : memref<2x1024x32xf32, #tpu.memory_space<vmem>> -> memref<1x1024x32xf32, #tpu.memory_space<vmem>>
    %dma_wait3A_76 = tpu.memref_squeeze %dma_wait3A_75 : memref<1x1024x32xf32, #tpu.memory_space<vmem>> -> memref<1024x32xf32, #tpu.memory_space<vmem>>
    %dma_wait3A_77 = arith.constant 0 : i32
    %dma_wait3A_78 = arith.constant 0 : i32
    %dma_wait3A_79 = tpu.memref_slice %arg4[%min3A_37, %dma_wait3A_77, %dma_wait3A_78] : memref<255x1024x32xf32, #tpu.memory_space<hbm>> -> memref<1x1024x32xf32, #tpu.memory_space<hbm>>
    %dma_wait3A_80 = tpu.memref_squeeze %dma_wait3A_79 : memref<1x1024x32xf32, #tpu.memory_space<hbm>> -> memref<1024x32xf32, #tpu.memory_space<hbm>>
    %dma_wait3A_81 = arith.constant 0 : i32
    %dma_wait3A_82 = arith.constant 0 : i32
    %dma_wait3A_83 = tpu.memref_slice %arg4[%min3A_37, %dma_wait3A_81, %dma_wait3A_82] : memref<255x1024x32xf32, #tpu.memory_space<hbm>> -> memref<1x1024x32xf32, #tpu.memory_space<hbm>>
    %dma_wait3A_84 = tpu.memref_squeeze %dma_wait3A_83 : memref<1x1024x32xf32, #tpu.memory_space<hbm>> -> memref<1024x32xf32, #tpu.memory_space<hbm>>
    %dma_wait3A_85 = arith.constant 0 : i32
    %dma_wait3A_86 = arith.constant 0 : i32
    %dma_wait3A_87 = tpu.memref_slice %arg7[%dma_wait3A_72, %dma_wait3A_85, %dma_wait3A_86] : memref<2x1024x32xf32, #tpu.memory_space<vmem>> -> memref<1x1024x32xf32, #tpu.memory_space<vmem>>
    %dma_wait3A_88 = tpu.memref_squeeze %dma_wait3A_87 : memref<1x1024x32xf32, #tpu.memory_space<vmem>> -> memref<1024x32xf32, #tpu.memory_space<vmem>>
    tpu.wait_dma2 semaphore(%arg11 : memref<!tpu.dma_semaphore, #tpu.memory_space<semaphore_mem>>) src(%dma_wait3A_88 : memref<1024x32xf32, #tpu.memory_space<vmem>>) dst(%dma_wait3A_84 : memref<1024x32xf32, #tpu.memory_space<hbm>>)
    return
  }
}

</mosaic_0001>

<sc_bundles>
// kernel: kernel.3.cloned.1.call-start
scs
__scs_entry_jumppad:
0x0: {  	(pc) =	sbr.rel $0x88, $3  }
0x1: {  	(tag) =	ssettag $0x0;
	lr =	simm.s32 $0x1  }
0x2: {  	[smem:$0x3F9F] =	sst lr;
	_ =	strace $0xD0000000  }
0x3: {  	_ = 	snop  }
0x4: {  	_ = 	snop  }
0x5: {  	_ = 	snop  }
0x6: {  	_ = 	snop  }
0x7: {  	_ = 	snop  }
__scs_overlays_trampoline_lowered:
0x8: {  	[smem:$0x3FAE] =	sst s0  }
0x9: {  	[smem:$0x3FAF] =	sst s1  }
0xa: {  	[smem:$0x3FB0] =	sst s2  }
0xb: {  	[smem:$0x3FB1] =	sst s3  }
0xc: {  	[smem:$0x3FB2] =	sst s4  }
0xd: {  	[smem:$0x3FB3] =	sst s5  }
0xe: {  	[smem:$0x3FB4] =	sst s6  }
0xf: {  	[smem:$0x3FB5] =	sst s7  }
0x10: {  	[smem:$0x3FB6] =	sst s8  }
0x11: {  	[smem:$0x3FB7] =	sst s9;
	s0 =	simm.s32 @!p0 $0x0  }
0x12: {  	s1 =	sld [smem:$0x3F9D];
	s0 =	simm.s32 @p0 $0x1  }
0x13: {  	[smem:$0x3FB8] =	sst s0;
	s0 =	simm.s32 @!p1 $0x0  }
0x14: {  	s2 =	sld [smem:$0x3F9C];
	s0 =	simm.s32 @p1 $0x1  }
0x15: {  	[smem:$0x3FB9] =	sst s0;
	s0 =	simm.s32 @!p2 $0x0  }
0x16: {  	s3 =	sld [smem:$0x3FDB];
	s0 =	simm.s32 @p2 $0x1  }
0x17: {  	s4 =	simm.s32 $0x1BF5;
	[smem:$0x3FBB] =	sst s0  }
0x18: {  	s0 =	sld [smem:$0x3F9E];
	_ =	swait.ge [sflag:s4], $0x0  }
0x19: {  	s7 =	sld [smem:$0x3F9F]  }
0x1a: {  	s8 =	sadd.s32 $0xFFFFE003, lr  }
0x1b: {  	s9 =	sadd.s32 $0xFFFFFEF7, lr;
	s5 =	simm.s32 $0xFFFFFFFF;
	p2 =	slt.u32 s8, $0xFFFFF086  }
0x1c: {  	p1 =	slt.u32 s9, $0xF7A;
	s5 =	simm.s32 @!p2 $0x0  }
0x1d: {  	s5 =	simm.s32 @p1 $0x1;
	p0 =	seq.s32 s7, s2  }
0x1e: {  	s7 =	smul.u32 @!p0 $0xF7A, s2;
	p2 =	seq.s32 @!p0 s5, $0x0  }
0x1f: {  	s9 =	smul.u32 $0xF7A, s1;
	s8 =	simm.s32 @!p0 $0x1BF5;
	p2 =	por !p2, p0  }
0x20: {  	[sflag:s8] =	ssyncset.s32 @!p0 $0xFFFFF086;
	s6 =	sadd.s32 @!p0 s3, s7;
	s7 =	simm.s32 @!p0 $0x108  }
0x21: {  	s3 =	sadd.s32 s3, s9;
	s6 =	sadd.s32 @!p0 $0x88, s6;
	s7 =	simm.s32 @p2 $0x1082  }
0x22: {  	[simem:s7], [sflag:s8] =	dma.local @!p0 [hbm:s6], $0xF7A  }
0x23: {  	s9 =	sor.u32 $0xD0000000, s2;
	s6 =	simm.s32 $0x108;
	_ =	swait.ge @!p0 [sflag:s8], $0x0  }
0x24: {  	s3 =	sadd.s32 $0x88, s3;
	s6 =	simm.s32 @!p1 $0x1082;
	[sflag:s4] =	ssyncset.s32 $0xFFFFF086  }
0x25: {  	[simem:s6], [sflag:s4] =	dma.local [hbm:s3], $0xF7A  }
0x26: {  	[smem:$0x3F9F] =	sst s1;
	(tag) =	ssettag s2;
	_ =	strace s9  }
0x27: {  	s1 =	sld [smem:$0x3FAF]  }
0x28: {  	s2 =	sld [smem:$0x3FB0]  }
0x29: {  	s4 =	sld [smem:$0x3FB2]  }
0x2a: {  	p0 =	seq.s32 s5, $0x0;
	s5 =	sld [smem:$0x3FB3]  }
0x2b: {  	s6 =	sld [smem:$0x3FB4]  }
0x2c: {  	s7 =	sld [smem:$0x3FB5]  }
0x2d: {  	s3 =	simm.s32 $0x108;
	s8 =	sld [smem:$0x3FB6]  }
0x2e: {  	s3 =	simm.s32 @!p0 $0x1082;
	s9 =	sld [smem:$0x3FB7]  }
0x2f: {  	lr =	sadd.s32 s0, s3;
	s0 =	sld [smem:$0x3FAE]  }
0x30: {  	s3 =	sld [smem:$0x3FB1]  }
0x31: {  	[smem:$0x3FBA] =	sst s10  }
0x32: {  	s10 =	sld [smem:$0x3FB8];
	_ =	sdelay $0x3  }
0x33: {  	p0 =	seq.s32 s10, $0x1;
	s10 =	sld [smem:$0x3FBA];
	_ =	sdelay $0x3  }
0x34: {  	[smem:$0x3FBA] =	sst s10  }
0x35: {  	s10 =	sld [smem:$0x3FB9];
	_ =	sdelay $0x3  }
0x36: {  	p1 =	seq.s32 s10, $0x1;
	s10 =	sld [smem:$0x3FBA];
	_ =	sdelay $0x3  }
0x37: {  	[smem:$0x3FBA] =	sst s10  }
0x38: {  	s10 =	sld [smem:$0x3FBB]  }
0x39: {  	_ = 	snop;
	(pc) =	sbr.ind lr, $3  }
0x3a: {  	_ = 	snop  }
0x3b: {  	_ = 	snop  }
0x3c: {  	p2 =	seq.s32 s10, $0x1;
	s10 =	sld [smem:$0x3FBA]  }
0x3d: {  	_ =	shalt  }
0x3e: {  	_ =	shalt  }
0x3f: {  	_ =	shalt  }
0x40: {  	_ =	shalt  }
0x41: {  	_ =	shalt  }
0x42: {  	_ =	shalt  }
0x43: {  	_ =	shalt  }
0x44: {  	_ =	shalt  }
0x45: {  	_ =	shalt  }
0x46: {  	_ =	shalt  }
0x47: {  	_ =	shalt  }
0x48: {  	_ =	shalt  }
0x49: {  	_ =	shalt  }
0x4a: {  	_ =	shalt  }
0x4b: {  	_ =	shalt  }
0x4c: {  	_ =	shalt  }
0x4d: {  	_ =	shalt  }
0x4e: {  	_ =	shalt  }
0x4f: {  	_ =	shalt  }
0x50: {  	_ =	shalt  }
0x51: {  	_ =	shalt  }
0x52: {  	_ =	shalt  }
0x53: {  	_ =	shalt  }
0x54: {  	_ =	shalt  }
0x55: {  	_ =	shalt  }
0x56: {  	_ =	shalt  }
0x57: {  	_ =	shalt  }
0x58: {  	_ =	shalt  }
0x59: {  	_ =	shalt  }
0x5a: {  	_ =	shalt  }
0x5b: {  	_ =	shalt  }
0x5c: {  	_ =	shalt  }
0x5d: {  	_ =	shalt  }
0x5e: {  	_ =	shalt  }
0x5f: {  	_ =	shalt  }
0x60: {  	_ =	shalt  }
0x61: {  	_ =	shalt  }
0x62: {  	_ =	shalt  }
0x63: {  	_ =	shalt  }
0x64: {  	_ =	shalt  }
0x65: {  	_ =	shalt  }
0x66: {  	_ =	shalt  }
0x67: {  	_ =	shalt  }
0x68: {  	_ =	shalt  }
0x69: {  	_ =	shalt  }
0x6a: {  	_ =	shalt  }
0x6b: {  	_ =	shalt  }
0x6c: {  	_ =	shalt  }
0x6d: {  	_ =	shalt  }
0x6e: {  	_ =	shalt  }
0x6f: {  	_ =	shalt  }
0x70: {  	_ =	shalt  }
0x71: {  	_ =	shalt  }
0x72: {  	_ =	shalt  }
0x73: {  	_ =	shalt  }
0x74: {  	_ =	shalt  }
0x75: {  	_ =	shalt  }
0x76: {  	_ =	shalt  }
0x77: {  	_ =	shalt  }
0x78: {  	_ =	shalt  }
0x79: {  	_ =	shalt  }
0x7a: {  	_ =	shalt  }
0x7b: {  	_ =	shalt  }
0x7c: {  	_ =	shalt  }
0x7d: {  	_ =	shalt  }
0x7e: {  	_ =	shalt  }
0x7f: {  	_ =	shalt  }
0x80: {  	_ =	shalt  }
0x81: {  	_ =	shalt  }
0x82: {  	_ =	shalt  }
0x83: {  	_ =	shalt  }
0x84: {  	_ =	shalt  }
0x85: {  	_ =	shalt  }
0x86: {  	_ =	shalt  }
0x87: {  	_ =	shalt  }
.Lfunc_end0:
.L_simem_size_0:
called_computation_lowered:
.L_overlay_start_0:
0x88: {  	s2 =	sld [smem:$0x3FD9]  }
0x89: {  	s3 =	sld [smem:$0x3FFE];
	_ =	sdelay $0x1  }
0x8a: {  	s1 =	srdreg.scid  }
0x8b: {  	s0 =	sand.u32 $0x1, s1  }
0x8c: {  	s17 =	sshll.u32 s0, $0xA;
	s2 =	sadd.s32 s3, s2  }
0x8d: {  	s2 =	sadd.s32 s2, s17  }
0x8e: {  	[smem:$0x3FC6] =	sst s2  }
0x8f: {  	_ = 	snop  }
0x90: {  	s2 =	sld [smem:$0x3FC9]  }
0x91: {  	s18 =	sld [smem:$0x3FD0];
	(tm) =	ssettm $0x1  }
0x92: {  	s4 =	sld [smem:$0x3FFB];
	_ =	sdelay $0x3  }
0x93: {  	_ =	strace s4  }
0x94: {  	s4 =	sld [smem:$0x3FFC];
	_ =	sdelay $0x3  }
0x95: {  	_ =	strace s4  }
0x96: {  	s4 =	sld [smem:$0x3FFD];
	_ =	sdelay $0x3  }
0x97: {  	_ =	strace s4  }
0x98: {  	_ =	strace $0x8FFFFFFF  }
0x99: {  	s19 =	sld [smem:$0x3FDB];
	_ =	sdelay $0x1  }
0x9a: {  	s5 =	simm.s32 $_scs_section_size  }
0x9b: {  	s6 =	simm.s32 $_size__tile_overlayer_lowered;
	s7 =	simm.s32 $_tile_overlayer_lowered  }
0x9c: {  	s22 =	simm.s32 $0x1BFF;
	s21 =	sshll.u32 s7, $0x1;
	s4 =	sadd.s32 s5, s19  }
0x9d: {  	s8 =	simm.s32 $0x0;
	s20 =	sshll.u32 s6, $0x1;
	s6 =	sadd.s32 s21, s4  }
0x9e: {  	[timem:s8], [sflag:s22] =	dma.local [hbm:s6], s20  }
0x9f: {  	_ =	swait.ge [sflag:s22], s20  }
0xa0: {  	s5 =	ssub.s32 $0x0, s20;
	[sflag:s22] =	ssyncset.done $0x0  }
0xa1: {  	[sflag:s22] =	ssyncadd.s32 s5;
	_ =	sdelay $0x1  }
0xa2: {  	s23 =	simm.s32 $0x1B8B  }
0xa3: {  	_ =	swait.ge [sflag:s23], $0x1  }
0xa4: {  	[sflag:s23] =	ssyncset.done $0x0  }
0xa5: {  	s25 =	simm.s32 $0x1B8E;
	s24 =	sld [smem:$0x3FFE];
	[sflag:s23] =	ssyncadd.s32 $0xFFFFFFFF  }
0xa6: {  	s26 =	simm.s32 $execute0_lowered;
	[smem:$0x3FD2] =	sst s25  }
0xa7: {  	s6 =	sshll.u32 s26, $0x1;
	_ =	strace $0x80000046;
	[dreg:$0x1] =	wrdreg $0xFFFFFFFF  }
0xa8: {  	s28 =	simm.s32 $_size_execute0_lowered;
	s4 =	sadd.s32 s4, s6;
	[dreg:$0x0] =	wrdreg $0x0  }
0xa9: {  	s6 =	sshll.u32 s28, $0x1;
	[dreg:$0x2] =	wrdreg s4  }
0xaa: {  	[dreg:$0x3] =	wrdreg s6  }
0xab: {  	[dreg:$0x4] =	wrdreg $0xC0  }
0xac: {  	_ =	task [dreg:s8], $0x5FFFF  }
0xad: {  	[dreg:$0x1] =	wrdreg $0xFFFFFFFF  }
0xae: {  	[dreg:$0x0] =	wrdreg $0x60  }
0xaf: {  	[dreg:$0x2] =	wrdreg s2  }
0xb0: {  	[dreg:$0x3] =	wrdreg s24  }
0xb1: {  	[dreg:$0x4] =	wrdreg s18  }
0xb2: {  	[dreg:$0x5] =	wrdreg $0x9  }
0xb3: {  	_ =	task.clear_ibuf [dreg:s8], $0x6FFFF;
	_ =	strace $0x90000046  }
0xb4: {  	s29 =	simm.s32 $0x9;
	_ =	strace $0x80000048  }
0xb5: {  	_ =	swait.ge [sflag:s29], $0x1  }
0xb6: {  	[sflag:s29] =	ssyncadd.s32 $0xFFFFFFFF  }
0xb7: {  	_ =	strace $0x90000048  }
0xb8: {  	_ =	sfence  }
0xb9: {  	s30 =	sld [smem:$0x0];
	_ =	sdelay $0x2  }
0xba: {  	s31 =	sshll.u32 s1, $0xD;
	s1 =	sshrl.u32 s1, $0x2  }
0xbb: {  	s3 =	sand.u32 $0x4000, s31;
	s1 =	sadd.s32 s1, s30  }
0xbc: {  	s0 =	sor.u32 s3, s0;
	s1 =	sshll.u32 s1, $0x11  }
0xbd: {  	s0 =	sor.u32 s1, s0  }
0xbe: {  	s0 =	sadd.s32 $0x8F2B, s0  }
0xbf: {  	[sflag:s0] =	ssyncadd.remote.s32 $0x1  }
0xc0: {  	_ =	sfence.sel $0xFFFF  }
0xc1: {  	[dreg:$0x0] =	wrdreg $0xFFFFFFFF;
	(pc) =	sbr.abs _section_cstart, $3  }
0xc2: {  	[dreg:$0x1] =	wrdreg $0xFFFFFFFF  }
0xc3: {  	_ =	task.clear_ibuf [dreg:s8], $0x2FFFF;
	_ =	strace $0x9FFFFFFF  }
0xc4: {  	(tm) =	ssettm $0x7FFFFFFF  }
0xc5: {  	_ =	shalt  }
tec
execute0_lowered:
.L_overlay_start_1:
0x0: {  	(tag) =	ssettag $0x1  }
0x1: {  	v1 =	vimm.s32 $0x4C484440;
	v0 =	vlaneseq.u32  }
0x2: {  	v2 =	vimm.s32 $0x5C585450;
	v3 =	vimm.s32 $0xC080400;
	v4 =	vimm.s32 $0x1C181410  }
0x3: {  	vm15 =	vcmask $0x1F10;
	vm0 =	vcmask $0x300;
	vm1 =	vcmask $0x704  }
0x4: {  	vm2 =	vcmask $0xB08;
	vm3 =	vcmask $0xF0C;
	vm4 =	vcmask $0x1310  }
0x5: {  	vm5 =	vcmask $0x1714;
	vm6 =	vcmask $0x1B18;
	vm7 =	vcmask $0x1F1C  }
0x6: {  	vm8 =	vcmask $0x2320;
	vm9 =	vcmask $0x2724;
	vm10 =	vcmask $0x2B28  }
0x7: {  	vm11 =	vcmask $0x2F2C;
	v6 =	vimm.s32 $0x5D595551;
	v7 =	vimm.s32 $0xD090501  }
0x8: {  	v8 =	vimm.s32 $0x1D191511;
	v9 =	vimm.s32 $0x4E4A4642;
	v10 =	vimm.s32 $0x5E5A5652  }
0x9: {  	vm12 =	vcmask $0x3330;
	vm13 =	vcmask $0x3734;
	v11 =	vimm.s32 $0xF0B0703  }
0xa: {  	v12 =	vimm.s32 $0x1F1B1713;
	v13 =	vimm.s32 $0x3C383430;
	v14 =	vimm.s32 $0x6D696561  }
0xb: {  	v15 =	vimm.s32 $0x7D797571;
	v16 =	vimm.s32 $0x2D292521;
	v17 =	vimm.s32 $0x3D393531  }
0xc: {  	vm14 =	vcmask $0x3B38;
	v18 =	vimm.s32 $0x47E;
	v19 =	vimm.s32 $0x47F  }
0xd: {  	v1 =	vunpack.c.0.s8.s32 v1;
	v2 =	vunpack.c.0.s8.s32 v2;
	v3 =	vunpack.c.0.s8.s32 v3  }
0xe: {  	v4 =	vunpack.c.0.s8.s32 v4;
	v5 =	vand.u32 $0x1, v0;
	v6 =	vunpack.c.0.s8.s32 v6  }
0xf: {  	v7 =	vunpack.c.0.s8.s32 v7;
	v8 =	vunpack.c.0.s8.s32 v8;
	v9 =	vunpack.c.0.s8.s32 v9  }
0x10: {  	v10 =	vunpack.c.0.s8.s32 v10;
	v13 =	vunpack.c.0.s8.s32 v13;
	v14 =	vunpack.c.0.s8.s32 v14  }
0x11: {  	v15 =	vunpack.c.0.s8.s32 v15;
	v16 =	vunpack.c.0.s8.s32 v16;
	v18 =	vsel vm0, $0x422, v18  }
0x12: {  	v17 =	vunpack.c.0.s8.s32 v17;
	v19 =	vsel vm0, $0x423, v19;
	v18 =	vsel vm1, $0x426, v18  }
0x13: {  	v19 =	vsel vm1, $0x427, v19;
	v1 =	vsel vm15, v2, v1;
	v2 =	vsel vm15, v4, v3  }
0x14: {  	v4 =	vmul.u32 $0x4, v5;
	v3 =	vand.u32 $0x7, v0;
	v5 =	vimm.s32 $0x4D494541  }
0x15: {  	v18 =	vsel vm2, $0x42A, v18;
	v19 =	vsel vm2, $0x42B, v19;
	v1 =	vcombine.low v2, v1  }
0x16: {  	v2 =	vimm.s32 $0x80;
	v3 =	vmul.u32 $0x4, v3;
	v5 =	vunpack.c.0.s8.s32 v5  }
0x17: {  	v18 =	vsel vm3, $0x42E, v18;
	v19 =	vsel vm3, $0x42F, v19;
	v4 =	vor.u32 $0xFFFFFFD8, v4  }
0x18: {  	v18 =	vsel vm4, $0x432, v18;
	v19 =	vsel vm4, $0x433, v19;
	v5 =	vsel vm15, v6, v5  }
0x19: {  	v6 =	vsel vm15, v8, v7;
	v7 =	vimm.s32 $0xE0A0602;
	v8 =	vimm.s32 $0x1E1A1612  }
0x1a: {  	v18 =	vsel vm5, $0x436, v18;
	v19 =	vsel vm5, $0x437, v19;
	v5 =	vcombine.low v6, v5  }
0x1b: {  	v6 =	vsel vm15, v10, v9;
	v7 =	vunpack.c.0.s8.s32 v7;
	v9 =	vimm.s32 $0x4F4B4743  }
0x1c: {  	v8 =	vunpack.c.0.s8.s32 v8;
	v10 =	vimm.s32 $0x5F5B5753;
	v18 =	vsel vm6, $0x43A, v18  }
0x1d: {  	v19 =	vsel vm6, $0x43B, v19;
	v9 =	vunpack.c.0.s8.s32 v9;
	v10 =	vunpack.c.0.s8.s32 v10  }
0x1e: {  	v18 =	vsel vm7, $0x43E, v18;
	v19 =	vsel vm7, $0x43F, v19;
	v7 =	vsel vm15, v8, v7  }
0x1f: {  	v8 =	vunpack.c.0.s8.s32 v11;
	v11 =	vunpack.c.0.s8.s32 v12;
	v12 =	vimm.s32 $0x7C787470  }
0x20: {  	v18 =	vsel vm8, $0x462, v18;
	v19 =	vsel vm8, $0x463, v19;
	v9 =	vsel vm15, v10, v9  }
0x21: {  	v10 =	vimm.s32 $0x6C686460;
	v6 =	vcombine.low v7, v6;
	v18 =	vsel vm9, $0x466, v18  }
0x22: {  	v19 =	vsel vm9, $0x467, v19;
	v8 =	vsel vm15, v11, v8;
	v10 =	vunpack.c.0.s8.s32 v10  }
0x23: {  	v11 =	vunpack.c.0.s8.s32 v12;
	v12 =	vimm.s32 $0x2C282420;
	v18 =	vsel vm10, $0x46A, v18  }
0x24: {  	v19 =	vsel vm10, $0x46B, v19;
	v12 =	vunpack.c.0.s8.s32 v12;
	v7 =	vcombine.low v8, v9  }
0x25: {  	v18 =	vsel vm11, $0x46E, v18;
	v19 =	vsel vm11, $0x46F, v19;
	v8 =	vsel vm15, v11, v10  }
0x26: {  	v10 =	vsel vm15, v15, v14;
	v11 =	vsel vm15, v17, v16;
	v14 =	vimm.s32 $0x45C  }
0x27: {  	v15 =	vimm.s32 $0x45D;
	v16 =	vimm.s32 $0x3F3B3733;
	v17 =	vimm.s32 $0x47D  }
0x28: {  	v18 =	vsel vm12, $0x472, v18;
	v19 =	vsel vm12, $0x473, v19;
	v9 =	vsel vm15, v13, v12  }
0x29: {  	v12 =	vimm.s32 $0x2E2A2622;
	v13 =	vimm.s32 $0x3E3A3632;
	v14 =	vsel vm0, $0x400, v14  }
0x2a: {  	v15 =	vsel vm0, $0x401, v15;
	v16 =	vunpack.c.0.s8.s32 v16;
	v17 =	vsel vm0, $0x421, v17  }
0x2b: {  	v18 =	vsel vm13, $0x476, v18;
	v19 =	vsel vm13, $0x477, v19;
	v8 =	vcombine.low v9, v8  }
0x2c: {  	v9 =	vcombine.low v11, v10;
	v10 =	vimm.s32 $0x6E6A6662;
	v11 =	vimm.s32 $0x7E7A7672  }
0x2d: {  	v12 =	vunpack.c.0.s8.s32 v12;
	v13 =	vunpack.c.0.s8.s32 v13;
	v17 =	vsel vm1, $0x425, v17  }
0x2e: {  	v18 =	vsel vm14, $0x47A, v18;
	v10 =	vunpack.c.0.s8.s32 v10;
	v11 =	vunpack.c.0.s8.s32 v11  }
0x2f: {  	v19 =	vsel vm14, $0x47B, v19;
	v17 =	vsel vm2, $0x429, v17;
	v12 =	vsel vm15, v13, v12  }
0x30: {  	v17 =	vsel vm3, $0x42D, v17;
	v10 =	vsel vm15, v11, v10;
	v11 =	vsel vm1, $0x404, v14  }
0x31: {  	v14 =	vsel vm1, $0x405, v15;
	v15 =	vimm.s32 $0x2F2B2723;
	v17 =	vsel vm4, $0x431, v17  }
0x32: {  	v11 =	vsel vm2, $0x408, v11;
	v13 =	vsel vm2, $0x409, v14;
	v10 =	vcombine.low v12, v10  }
0x33: {  	v14 =	vimm.s32 $0x7F7B7773;
	v15 =	vunpack.c.0.s8.s32 v15;
	v17 =	vsel vm5, $0x435, v17  }
0x34: {  	v11 =	vsel vm3, $0x40C, v11;
	v12 =	vsel vm3, $0x40D, v13;
	v13 =	vimm.s32 $0x6F6B6763  }
0x35: {  	v14 =	vunpack.c.0.s8.s32 v14;
	v17 =	vsel vm6, $0x439, v17;
	v11 =	vsel vm4, $0x410, v11  }
0x36: {  	v12 =	vsel vm4, $0x411, v12;
	v13 =	vunpack.c.0.s8.s32 v13;
	v17 =	vsel vm7, $0x43D, v17  }
0x37: {  	v11 =	vsel vm5, $0x414, v11;
	v12 =	vsel vm5, $0x415, v12;
	v17 =	vsel vm8, $0x461, v17  }
0x38: {  	v11 =	vsel vm6, $0x418, v11;
	v12 =	vsel vm6, $0x419, v12;
	v13 =	vsel vm15, v14, v13  }
0x39: {  	v14 =	vsel vm15, v16, v15;
	v11 =	vsel vm7, $0x41C, v11;
	v12 =	vsel vm7, $0x41D, v12  }
0x3a: {  	v17 =	vsel vm9, $0x465, v17;
	v11 =	vsel vm8, $0x440, v11;
	v12 =	vsel vm8, $0x441, v12  }
0x3b: {  	v17 =	vsel vm10, $0x469, v17;
	v11 =	vsel vm9, $0x444, v11;
	v12 =	vsel vm9, $0x445, v12  }
0x3c: {  	v17 =	vsel vm11, $0x46D, v17;
	v11 =	vsel vm10, $0x448, v11;
	v12 =	vsel vm10, $0x449, v12  }
0x3d: {  	v17 =	vsel vm12, $0x471, v17;
	v11 =	vsel vm11, $0x44C, v11;
	v12 =	vsel vm11, $0x44D, v12  }
0x3e: {  	v17 =	vsel vm13, $0x475, v17;
	v11 =	vsel vm12, $0x450, v11;
	v12 =	vsel vm12, $0x451, v12  }
0x3f: {  	v17 =	vsel vm14, $0x479, v17;
	v15 =	vsel vm13, $0x454, v11;
	v16 =	vsel vm13, $0x455, v12  }
0x40: {  	v11 =	vcombine.low v14, v13;
	v14 =	vimm.s32 $0x45E;
	v12 =	vsel vm14, $0x458, v15  }
0x41: {  	v13 =	vsel vm14, $0x459, v16;
	v15 =	vimm.s32 $0x45F;
	v16 =	vimm.s32 $0x47C  }
0x42: {  	v14 =	vsel vm0, $0x402, v14;
	v15 =	vsel vm0, $0x403, v15;
	v16 =	vsel vm0, $0x420, v16  }
0x43: {  	v14 =	vsel vm1, $0x406, v14;
	v15 =	vsel vm1, $0x407, v15;
	v16 =	vsel vm1, $0x424, v16  }
0x44: {  	v14 =	vsel vm2, $0x40A, v14;
	v15 =	vsel vm2, $0x40B, v15;
	v16 =	vsel vm2, $0x428, v16  }
0x45: {  	v14 =	vsel vm3, $0x40E, v14;
	v15 =	vsel vm3, $0x40F, v15;
	v16 =	vsel vm3, $0x42C, v16  }
0x46: {  	s4 =	rddreg [dreg:$0x2];
	s0 =	srdreg.scid;
	v14 =	vsel vm4, $0x412, v14;
	v15 =	vsel vm4, $0x413, v15;
	v16 =	vsel vm4, $0x430, v16  }
0x47: {  	s5 =	stileid.u32;
	s6 =	simm.s32 $0x0;
	s0 =	sand.u32 $0x1, s0;
	v14 =	vsel vm5, $0x416, v14;
	v15 =	vsel vm5, $0x417, v15;
	v16 =	vsel vm5, $0x434, v16  }
0x48: {  	s1 =	sshll.u32 s5, $0x4;
	[smem:$0x7FF] =	sst s6;
	s30 =	sshll.u32 s5, $0xB;
	v14 =	vsel vm6, $0x41A, v14;
	v15 =	vsel vm6, $0x41B, v15;
	v16 =	vsel vm6, $0x438, v16  }
0x49: {  	s2 =	sshll.u32 s0, $0x3;
	s3 =	ssub.s32 $0x2, s0;
	s0 =	sshll.u32 s0, $0xA;
	v14 =	vsel vm7, $0x41E, v14;
	v15 =	vsel vm7, $0x41F, v15;
	v16 =	vsel vm7, $0x43C, v16  }
0x4a: {  	_ =	strace $0x80000047;
	s7 =	sor.u32 s2, s1;
	s0 =	sor.u32 s0, s30;
	v14 =	vsel vm8, $0x442, v14;
	v15 =	vsel vm8, $0x443, v15;
	v16 =	vsel vm8, $0x460, v16  }
0x4b: {  	s28 =	sshrl.u32 s3, $0x1;
	s2 =	sor.u32 $0x7, s7;
	[dreg:$0x8] =	wrdreg s0;
	v14 =	vsel vm9, $0x446, v14;
	v15 =	vsel vm9, $0x447, v15;
	v16 =	vsel vm9, $0x464, v16  }
0x4c: {  	s1 =	ssub.s32 s3, s28;
	s29 =	sadd.s32 $0x1FFFF, s7;
	[dreg:$0x4] =	wrdreg s7;
	v14 =	vsel vm10, $0x44A, v14;
	v15 =	vsel vm10, $0x44B, v15;
	v16 =	vsel vm10, $0x468, v16  }
0x4d: {  	s31 =	sor.u32 $0x1, s7;
	[dreg:$0x5] =	wrdreg s29;
	s2 =	smin.u32 s2, $0xFE;
	v14 =	vsel vm11, $0x44E, v14;
	v15 =	vsel vm11, $0x44F, v15;
	v16 =	vsel vm11, $0x46C, v16  }
0x4e: {  	s1 =	smax.u32 s1, $0x1;
	[dreg:$0x9] =	wrdreg s31;
	s2 =	sshll.u32 s2, $0xC;
	v14 =	vsel vm12, $0x452, v14;
	v15 =	vsel vm12, $0x453, v15;
	v16 =	vsel vm12, $0x470, v16  }
0x4f: {  	[dreg:$0x7] =	wrdreg s1;
	s2 =	sadd.s32 s4, s2;
	v14 =	vsel vm13, $0x456, v14;
	v15 =	vsel vm13, $0x457, v15;
	v16 =	vsel vm13, $0x474, v16  }
0x50: {  	[dreg:$0x6] =	wrdreg s2;
	s2 =	simm.s32 $0x0;
	v14 =	vsel vm14, $0x45A, v14;
	v15 =	vsel vm14, $0x45B, v15;
	v16 =	vsel vm14, $0x478, v16  }
.LBB2_1:
0x51: {  	[dreg:$0xa] =	wrdreg s2  }
0x52: {  	s0 =	rddreg [dreg:$0x1];
	s31 =	simm.s32 $0x5  }
0x53: {  	[tilespmem:s6], [sflag:$0x5] =	stream.linear.gather [hbm4b:s0+s6], $0x120, $0x38;
	[tilespmem:$0x10920] =	vst v63  }
0x54: {  	_ =	swait.ge [sflag:s31], $0x120  }
0x55: {  	[sflag:s31] =	ssyncset.done $0x0;
	s0 =	rddreg [dreg:$0x9]  }
0x56: {  	s3 =	simm.s32 $0x0;
	s2 =	rddreg [dreg:$0x8];
	[sflag:s31] =	ssyncadd.s32 $0xFFFFFEE0  }
.LBB2_2:
0x57: {  	p0 =	seq.s32 s3, $0x0  }
0x58: {  	[dreg:$0xb] =	wrdreg s0;
	s1 =	simm.s32 @!p0 $0x3  }
0x59: {  	s30 =	sshll.u32 s3, $0x1;
	_ =	swait.ge @!p0 [sflag:s1], $0x8000;
	[dreg:$0xd] =	wrdreg s3  }
0x5a: {  	p1 =	slt.s32 s0, $0xFE;
	[dreg:$0x10] =	wrdreg s30  }
0x5b: {  	s0 =	simm.s32 @!p1 $0xFE;
	[dreg:$0xc] =	wrdreg s2  }
0x5c: {  	s0 =	sshll.u32 s0, $0x7;
	s31 =	rddreg [dreg:$0x4]  }
0x5d: {  	[dreg:$0xf] =	wrdreg s0;
	[sflag:s1] =	ssyncset.done @!p0 $0x0;
	s0 =	sor.u32 s31, s30  }
0x5e: {  	s14 =	simm.s32 $0x0;
	[sflag:s1] =	ssyncadd.s32 @!p0 $0xFFFF8000;
	[dreg:$0xe] =	wrdreg s0  }
.LBB2_3:
0x5f: {  	v20 =	vld.idx.msk [tilespmem:v2+s6+$0x0], $0xffff;
	_ =	sdelay $0x3  }
0x60: {  	v21 =	vor.u32 s2, v0  }
0x61: {  	vm15 =	vgt.s32 v20, v21  }
0x62: {  	v20 =	vsel vm15, $0x0, v2  }
0x63: {  	v22 =	vor.u32 $0x40, v20;
	_ =	sdelay $0x4  }
0x64: {  	v23 =	vld.idx.msk [tilespmem:v22+s6+$0x0], $0xffff;
	_ =	sdelay $0x4  }
0x65: {  	vm15 =	vgt.s32 v23, v21  }
0x66: {  	v20 =	vsel vm15, v20, v22  }
0x67: {  	v22 =	vor.u32 $0x20, v20;
	_ =	sdelay $0x4  }
0x68: {  	v30 =	vld.idx.msk [tilespmem:v22+s6+$0x0], $0xffff;
	_ =	sdelay $0x4  }
0x69: {  	vm15 =	vgt.s32 v30, v21  }
0x6a: {  	v20 =	vsel vm15, v20, v22  }
0x6b: {  	v22 =	vor.u32 $0x10, v20;
	_ =	sdelay $0x4  }
0x6c: {  	v31 =	vld.idx.msk [tilespmem:v22+s6+$0x0], $0xffff;
	_ =	sdelay $0x4  }
0x6d: {  	vm15 =	vgt.s32 v31, v21  }
0x6e: {  	v20 =	vsel vm15, v20, v22  }
0x6f: {  	v22 =	vadd.s32 $0x8, v20;
	_ =	sdelay $0x4  }
0x70: {  	v32 =	vld.idx.msk [tilespmem:v22+s6+$0x0], $0xffff;
	_ =	sdelay $0x4  }
0x71: {  	vm15 =	vgt.s32 v32, v21  }
0x72: {  	v20 =	vsel vm15, v20, v22  }
0x73: {  	v22 =	vadd.s32 $0x4, v20;
	_ =	sdelay $0x4  }
0x74: {  	v33 =	vld.idx.msk [tilespmem:v22+s6+$0x0], $0xffff;
	_ =	sdelay $0x4  }
0x75: {  	vm15 =	vgt.s32 v33, v21  }
0x76: {  	v20 =	vsel vm15, v20, v22  }
0x77: {  	v22 =	vadd.s32 $0x2, v20;
	_ =	sdelay $0x4  }
0x78: {  	v34 =	vld.idx.msk [tilespmem:v22+s6+$0x0], $0xffff;
	_ =	sdelay $0x4  }
0x79: {  	vm15 =	vgt.s32 v34, v21  }
0x7a: {  	v20 =	vsel vm15, v20, v22  }
0x7b: {  	v22 =	vadd.s32 $0x1, v20;
	_ =	sdelay $0x4  }
0x7c: {  	v35 =	vld.idx.msk [tilespmem:v22+s6+$0x0], $0xffff;
	_ =	sdelay $0x4  }
0x7d: {  	vm15 =	vgt.s32 v35, v21  }
0x7e: {  	v20 =	vsel vm15, v20, v22  }
0x7f: {  	v22 =	vadd.s32 $0x1, v20;
	_ =	sdelay $0x3  }
0x80: {  	v20 =	vld.idx.msk [tilespmem:v20+s6+$0x0], $0xffff  }
0x81: {  	v22 =	vld.idx.msk [tilespmem:v22+s6+$0x0], $0xffff;
	_ =	sdelay $0x4  }
0x82: {  	v37 =	vsub.s32 v21, v20;
	v36 =	vsub.s32 v22, v20  }
0x83: {  	v24 =	vadd.s32 $0x1, v37;
	(v2sf) =	vpush v36, $0x0  }
0x84: {  	(v2sf) =	vpush v24, $0x0;
	_ =	sdelay $0x1  }
0x85: {  	(v2sf) =	vpush v36, $0xF;
	_ =	sdelay $0x1  }
0x86: {  	(v2sf) =	vpush v24, $0xF  }
0x87: {  	(v2sf) =	vpush v36, $0x1;
	_ =	sdelay $0x1  }
0x88: {  	(v2sf) =	vpush v24, $0x1  }
0x89: {  	(v2sf) =	vpush v36, $0x2;
	_ =	sdelay $0x1  }
0x8a: {  	(v2sf) =	vpush v24, $0x2  }
0x8b: {  	(v2sf) =	vpush v36, $0x3  }
0x8c: {  	(v2sf) =	vpush v24, $0x3;
	_ =	sdelay $0x1  }
0x8d: {  	s0 =	spop (v2sf)  }
0x8e: {  	[dreg:$0x12] =	wrdreg s2;
	(v2sf) =	vpush v36, $0x4;
	s20 =	spop (v2sf)  }
0x8f: {  	[dreg:$0x11] =	wrdreg s14;
	s1 =	sshra.s32 s0, $0x1F;
	(v2sf) =	vpush v24, $0x4;
	s3 =	sshra.s32 s20, $0x1F  }
0x90: {  	s0 =	sxor.u32 s1, s0;
	s23 =	spop (v2sf);
	[dreg:$0x19] =	wrdreg s3  }
0x91: {  	(v2sf) =	vpush v36, $0x5;
	s22 =	ssub.s32 s0, s1;
	s21 =	sxor.u32 s3, s20;
	s24 =	sshra.s32 s23, $0x1F  }
0x92: {  	s25 =	spop (v2sf);
	(v2sf) =	vpush v24, $0x5;
	s0 =	ssub.s32 s21, s3;
	s26 =	sxor.u32 s24, s23  }
0x93: {  	s16 =	sshra.s32 s25, $0x1F;
	s29 =	spop (v2sf);
	(v2sf) =	vpush v36, $0x6;
	(drf) =	srem.u32 s0, s22  }
0x94: {  	s23 =	ssub.s32 s26, s24;
	s28 =	sxor.u32 s16, s25;
	s30 =	sshra.s32 s29, $0x1F  }
0x95: {  	s31 =	spop (v2sf);
	(v2sf) =	vpush v24, $0x6;
	s0 =	ssub.s32 s28, s16;
	s4 =	sxor.u32 s30, s29  }
0x96: {  	s17 =	sshra.s32 s31, $0x1F;
	s6 =	spop (v2sf);
	(v2sf) =	vpush v36, $0x7;
	(drf) =	srem.u32 s0, s23  }
0x97: {  	s26 =	ssub.s32 s4, s30;
	s5 =	sxor.u32 s17, s31;
	s7 =	sshra.s32 s6, $0x1F  }
0x98: {  	s4 =	spop (v2sf);
	(v2sf) =	vpush v24, $0x7;
	s0 =	ssub.s32 s5, s17;
	s8 =	sxor.u32 s7, s6  }
0x99: {  	s18 =	sshra.s32 s4, $0x1F;
	s10 =	spop (v2sf);
	(v2sf) =	vpush v36, $0x8;
	(drf) =	srem.u32 s0, s26  }
0x9a: {  	s3 =	ssub.s32 s8, s7;
	s9 =	sxor.u32 s18, s4;
	s12 =	spop (v2sf)  }
0x9b: {  	s11 =	sshra.s32 s10, $0x1F;
	(v2sf) =	vpush v24, $0x8;
	s0 =	ssub.s32 s9, s18;
	s5 =	sshra.s32 s12, $0x1F  }
0x9c: {  	s13 =	sxor.u32 s11, s10;
	(drf) =	srem.u32 s0, s3;
	[smem:$0x72C] =	sst s5  }
0x9d: {  	s7 =	ssub.s32 s13, s11;
	s14 =	sxor.u32 s5, s12;
	s15 =	spop (v2sf);
	(v2sf) =	vpush v36, $0x9  }
0x9e: {  	s0 =	ssub.s32 s14, s5;
	s19 =	sshra.s32 s15, $0x1F;
	s21 =	spop (v2sf);
	(v2sf) =	vpush v24, $0x9  }
0x9f: {  	(drf) =	srem.u32 s0, s7;
	s24 =	sxor.u32 s19, s15;
	s20 =	sshra.s32 s21, $0x1F  }
0xa0: {  	s28 =	spop (v2sf);
	(v2sf) =	vpush v36, $0xA;
	s15 =	ssub.s32 s24, s19;
	s25 =	sxor.u32 s20, s21  }
0xa1: {  	s29 =	sshra.s32 s28, $0x1F;
	s30 =	spop (v2sf);
	(v2sf) =	vpush v24, $0xA;
	s0 =	ssub.s32 s25, s20  }
0xa2: {  	s31 =	sxor.u32 s29, s28;
	s21 =	sshra.s32 s30, $0x1F;
	s2 =	spop (v2sf)  }
0xa3: {  	(v2sf) =	vpush v36, $0xB;
	(drf) =	srem.u32 s0, s15;
	s5 =	ssub.s32 s31, s29;
	s1 =	sxor.u32 s21, s30  }
0xa4: {  	s4 =	sshra.s32 s2, $0x1F;
	s6 =	spop (v2sf);
	(v2sf) =	vpush v24, $0xB;
	s0 =	ssub.s32 s1, s21  }
0xa5: {  	s8 =	sxor.u32 s4, s2;
	s24 =	sshra.s32 s6, $0x1F;
	s10 =	spop (v2sf)  }
0xa6: {  	(v2sf) =	vpush v36, $0xC;
	(drf) =	srem.u32 s0, s5;
	s2 =	ssub.s32 s8, s4;
	s9 =	sxor.u32 s24, s6  }
0xa7: {  	s11 =	sshra.s32 s10, $0x1F;
	s8 =	spop (v2sf);
	(v2sf) =	vpush v24, $0xC;
	s0 =	ssub.s32 s9, s24  }
0xa8: {  	s12 =	sxor.u32 s11, s10;
	s25 =	sshra.s32 s8, $0x1F;
	s14 =	spop (v2sf)  }
0xa9: {  	(v2sf) =	vpush v36, $0xD;
	(drf) =	srem.u32 s0, s2;
	s1 =	ssub.s32 s12, s11;
	s13 =	sxor.u32 s25, s8  }
0xaa: {  	s19 =	sshra.s32 s14, $0x1F;
	s9 =	spop (v2sf);
	s0 =	ssub.s32 s13, s25  }
0xab: {  	(v2sf) =	vpush v24, $0xD;
	s29 =	sxor.u32 s19, s14;
	s28 =	sshra.s32 s9, $0x1F;
	(drf) =	srem.u32 s0, s1  }
0xac: {  	s6 =	ssub.s32 s29, s19;
	s30 =	sxor.u32 s28, s9;
	s31 =	spop (v2sf)  }
0xad: {  	s4 =	ssub.s32 s30, s28;
	(v2sf) =	vpush v36, $0xE;
	s0 =	sshra.s32 s31, $0x1F;
	s10 =	spop (v2sf)  }
0xae: {  	(drf) =	srem.u32 s4, s6;
	s8 =	sxor.u32 s0, s31;
	s30 =	sshra.s32 s10, $0x1F  }
0xaf: {  	v38 =	vadd.s32 $0x2, v37;
	(v2sf) =	vpush v24, $0xE;
	s29 =	ssub.s32 s8, s0;
	s9 =	sxor.u32 s30, s10;
	s10 =	spop (v2sf)  }
0xb0: {  	(v2sf) =	vpush v38, $0x0;
	s4 =	ssub.s32 s9, s30;
	s11 =	sshra.s32 s10, $0x1F;
	s12 =	spop (v2sf)  }
0xb1: {  	(drf) =	srem.u32 s4, s29;
	s13 =	sxor.u32 s11, s10;
	s31 =	sshra.s32 s12, $0x1F  }
0xb2: {  	s19 =	spop (v2sf);
	s4 =	ssub.s32 s13, s11;
	s14 =	sxor.u32 s31, s12  }
0xb3: {  	(v2sf) =	vpush v38, $0xF;
	s0 =	sshra.s32 s19, $0x1F;
	s11 =	spop (v2sf);
	s8 =	ssub.s32 s14, s31  }
0xb4: {  	s9 =	sxor.u32 s0, s19;
	s13 =	sshra.s32 s11, $0x1F;
	(drf) =	srem.u32 s8, s4  }
0xb5: {  	[dreg:$0x15] =	wrdreg s13;
	s10 =	sxor.u32 s13, s11;
	s11 =	spop (v2sf)  }
0xb6: {  	(v2sf) =	vpush v38, $0x1;
	s14 =	ssub.s32 s9, s0;
	s8 =	ssub.s32 s10, s13;
	s13 =	spop (v2sf)  }
0xb7: {  	s12 =	sshra.s32 s11, $0x1F;
	(drf) =	srem.u32 s8, s14;
	s0 =	sshra.s32 s13, $0x1F  }
0xb8: {  	(v2sf) =	vpush v38, $0x2;
	s19 =	sxor.u32 s12, s11;
	s10 =	spop (v2sf);
	[dreg:$0x17] =	wrdreg s0  }
0xb9: {  	s12 =	ssub.s32 s19, s12;
	s9 =	sxor.u32 s0, s13;
	s11 =	sshra.s32 s10, $0x1F  }
0xba: {  	s19 =	spop (v2sf);
	s8 =	ssub.s32 s9, s0;
	s13 =	smov.u32 s12  }
0xbb: {  	(v2sf) =	vpush v38, $0x3;
	s0 =	sxor.u32 s11, s10;
	s9 =	sshra.s32 s19, $0x1F;
	(drf) =	srem.u32 s8, s12  }
0xbc: {  	s12 =	ssub.s32 s0, s11;
	s10 =	sxor.u32 s9, s19;
	s11 =	spop (v2sf)  }
0xbd: {  	[dreg:$0x1a] =	wrdreg s9;
	s8 =	ssub.s32 s10, s9;
	s19 =	sshra.s32 s11, $0x1F  }
0xbe: {  	(v2sf) =	vpush v38, $0x4;
	(drf) =	srem.u32 s8, s12;
	s10 =	spop (v2sf);
	s9 =	sxor.u32 s19, s11  }
0xbf: {  	s0 =	sshra.s32 s10, $0x1F;
	s11 =	ssub.s32 s9, s19;
	s9 =	spop (v2sf)  }
0xc0: {  	[dreg:$0x1c] =	wrdreg s0;
	s19 =	sxor.u32 s0, s10;
	s10 =	spop (drf)  }
0xc1: {  	(v2sf) =	vpush v38, $0x5;
	s8 =	ssub.s32 s19, s0;
	[smem:$0x727] =	sst s10;
	s19 =	sshra.s32 s9, $0x1F  }
0xc2: {  	s10 =	spop (v2sf);
	[dreg:$0x1e] =	wrdreg s19  }
0xc3: {  	(drf) =	srem.u32 s8, s11;
	s9 =	sxor.u32 s19, s9;
	s0 =	sshra.s32 s10, $0x1F  }
0xc4: {  	(v2sf) =	vpush v38, $0x6;
	s8 =	ssub.s32 s9, s19;
	s19 =	spop (drf);
	[smem:$0x739] =	sst s0  }
0xc5: {  	s10 =	sxor.u32 s0, s10;
	[smem:$0x728] =	sst s19;
	s19 =	spop (v2sf)  }
0xc6: {  	(drf) =	srem.u32 s8, s22;
	s8 =	ssub.s32 s10, s0;
	s0 =	sshra.s32 s19, $0x1F  }
0xc7: {  	s10 =	spop (v2sf);
	(drf) =	srem.u32 s8, s23;
	s19 =	sxor.u32 s0, s19  }
0xc8: {  	(v2sf) =	vpush v38, $0x7;
	[smem:$0x73B] =	sst s0;
	s8 =	ssub.s32 s19, s0;
	s19 =	spop (drf)  }
0xc9: {  	s0 =	sshra.s32 s10, $0x1F;
	[smem:$0x729] =	sst s19  }
0xca: {  	s9 =	spop (v2sf);
	[smem:$0x73D] =	sst s0;
	s19 =	sxor.u32 s0, s10  }
0xcb: {  	(v2sf) =	vpush v38, $0x8;
	(drf) =	srem.u32 s8, s26;
	s8 =	ssub.s32 s19, s0;
	s19 =	spop (drf)  }
0xcc: {  	s0 =	sshra.s32 s9, $0x1F;
	[smem:$0x72A] =	sst s19  }
0xcd: {  	s10 =	spop (v2sf);
	[smem:$0x73F] =	sst s0;
	s19 =	sxor.u32 s0, s9  }
0xce: {  	(v2sf) =	vpush v38, $0x9;
	(drf) =	srem.u32 s8, s3;
	s8 =	ssub.s32 s19, s0;
	s19 =	spop (drf)  }
0xcf: {  	s0 =	sshra.s32 s10, $0x1F;
	[smem:$0x72B] =	sst s19  }
0xd0: {  	(v2sf) =	vpush v38, $0xA;
	s9 =	spop (v2sf);
	[smem:$0x741] =	sst s0;
	s19 =	sxor.u32 s0, s10  }
0xd1: {  	(drf) =	srem.u32 s8, s7;
	s8 =	ssub.s32 s19, s0;
	s19 =	spop (drf)  }
0xd2: {  	s0 =	sshra.s32 s9, $0x1F;
	[smem:$0x72D] =	sst s19  }
0xd3: {  	(v2sf) =	vpush v38, $0xB;
	s10 =	spop (v2sf);
	[smem:$0x743] =	sst s0  }
0xd4: {  	(drf) =	srem.u32 s8, s15;
	s19 =	spop (drf)  }
0xd5: {  	s8 =	sxor.u32 s0, s9;
	[smem:$0x72E] =	sst s19;
	s9 =	spop (drf)  }
0xd6: {  	(v2sf) =	vpush v38, $0xC;
	s8 =	ssub.s32 s8, s0;
	s0 =	sshra.s32 s10, $0x1F;
	[smem:$0x72F] =	sst s9  }
0xd7: {  	[smem:$0x745] =	sst s0;
	s9 =	spop (v2sf)  }
0xd8: {  	(drf) =	srem.u32 s8, s5;
	s19 =	sxor.u32 s0, s10;
	s10 =	spop (drf)  }
0xd9: {  	(v2sf) =	vpush v38, $0xD;
	s8 =	ssub.s32 s19, s0;
	[smem:$0x730] =	sst s10;
	s19 =	sshra.s32 s9, $0x1F  }
0xda: {  	s10 =	spop (v2sf);
	[smem:$0x747] =	sst s19  }
0xdb: {  	(drf) =	srem.u32 s8, s2;
	s9 =	sxor.u32 s19, s9;
	s0 =	sshra.s32 s10, $0x1F  }
0xdc: {  	(v2sf) =	vpush v38, $0xE;
	s8 =	ssub.s32 s9, s19;
	s19 =	spop (drf);
	[smem:$0x749] =	sst s0  }
0xdd: {  	s10 =	sxor.u32 s0, s10;
	[smem:$0x731] =	sst s19;
	s19 =	spop (v2sf)  }
0xde: {  	(drf) =	srem.u32 s8, s1;
	s8 =	ssub.s32 s10, s0;
	s0 =	sshra.s32 s19, $0x1F  }
0xdf: {  	v39 =	vadd.s32 $0x4, v37;
	s10 =	spop (v2sf);
	(drf) =	srem.u32 s8, s6;
	s19 =	sxor.u32 s0, s19  }
0xe0: {  	(v2sf) =	vpush v39, $0x0;
	[smem:$0x74B] =	sst s0;
	s8 =	ssub.s32 s19, s0;
	s19 =	spop (drf)  }
0xe1: {  	s0 =	sshra.s32 s10, $0x1F;
	[smem:$0x732] =	sst s19  }
0xe2: {  	s9 =	spop (v2sf);
	[smem:$0x74D] =	sst s0;
	s19 =	sxor.u32 s0, s10  }
0xe3: {  	(v2sf) =	vpush v39, $0xF;
	(drf) =	srem.u32 s8, s29;
	s8 =	ssub.s32 s19, s0;
	s19 =	spop (drf)  }
0xe4: {  	s0 =	sshra.s32 s9, $0x1F;
	[smem:$0x733] =	sst s19  }
0xe5: {  	s10 =	spop (v2sf);
	[smem:$0x74F] =	sst s0;
	s19 =	sxor.u32 s0, s9  }
0xe6: {  	(v2sf) =	vpush v39, $0x1;
	(drf) =	srem.u32 s8, s4;
	s8 =	ssub.s32 s19, s0;
	s19 =	spop (drf)  }
0xe7: {  	s0 =	sshra.s32 s10, $0x1F;
	[smem:$0x734] =	sst s19  }
0xe8: {  	(v2sf) =	vpush v39, $0x2;
	s9 =	spop (v2sf);
	[smem:$0x751] =	sst s0;
	s19 =	sxor.u32 s0, s10  }
0xe9: {  	(drf) =	srem.u32 s8, s14;
	s8 =	ssub.s32 s19, s0;
	s19 =	spop (drf)  }
0xea: {  	s0 =	sshra.s32 s9, $0x1F;
	[smem:$0x735] =	sst s19  }
0xeb: {  	(v2sf) =	vpush v39, $0x3;
	s10 =	spop (v2sf);
	[smem:$0x753] =	sst s0  }
0xec: {  	(drf) =	srem.u32 s8, s13;
	s19 =	spop (drf)  }
0xed: {  	s8 =	sxor.u32 s0, s9;
	[smem:$0x736] =	sst s19;
	s9 =	spop (drf)  }
0xee: {  	(v2sf) =	vpush v39, $0x4;
	s8 =	ssub.s32 s8, s0;
	s0 =	sshra.s32 s10, $0x1F;
	[smem:$0x737] =	sst s9  }
0xef: {  	[smem:$0x755] =	sst s0;
	s9 =	spop (v2sf)  }
0xf0: {  	(drf) =	srem.u32 s8, s12;
	s19 =	sxor.u32 s0, s10;
	s10 =	spop (drf)  }
0xf1: {  	(v2sf) =	vpush v39, $0x5;
	s8 =	ssub.s32 s19, s0;
	[smem:$0x738] =	sst s10;
	s19 =	sshra.s32 s9, $0x1F  }
0xf2: {  	s10 =	spop (v2sf);
	[smem:$0x757] =	sst s19  }
0xf3: {  	(drf) =	srem.u32 s8, s11;
	s9 =	sxor.u32 s19, s9;
	s0 =	sshra.s32 s10, $0x1F  }
0xf4: {  	(v2sf) =	vpush v39, $0x6;
	s8 =	ssub.s32 s9, s19;
	s19 =	spop (drf);
	[smem:$0x759] =	sst s0  }
0xf5: {  	s10 =	sxor.u32 s0, s10;
	[smem:$0x73A] =	sst s19;
	s19 =	spop (v2sf)  }
0xf6: {  	(drf) =	srem.u32 s8, s22;
	s8 =	ssub.s32 s10, s0;
	s0 =	sshra.s32 s19, $0x1F  }
0xf7: {  	s10 =	spop (v2sf);
	(drf) =	srem.u32 s8, s23;
	s19 =	sxor.u32 s0, s19  }
0xf8: {  	(v2sf) =	vpush v39, $0x7;
	[smem:$0x75B] =	sst s0;
	s8 =	ssub.s32 s19, s0;
	s19 =	spop (drf)  }
0xf9: {  	s0 =	sshra.s32 s10, $0x1F;
	[smem:$0x73C] =	sst s19  }
0xfa: {  	s9 =	spop (v2sf);
	[smem:$0x75D] =	sst s0;
	s19 =	sxor.u32 s0, s10  }
0xfb: {  	(v2sf) =	vpush v39, $0x8;
	(drf) =	srem.u32 s8, s26;
	s8 =	ssub.s32 s19, s0;
	s19 =	spop (drf)  }
0xfc: {  	s0 =	sshra.s32 s9, $0x1F;
	[smem:$0x73E] =	sst s19  }
0xfd: {  	s10 =	spop (v2sf);
	[smem:$0x75F] =	sst s0;
	s19 =	sxor.u32 s0, s9  }
0xfe: {  	(v2sf) =	vpush v39, $0x9;
	(drf) =	srem.u32 s8, s3;
	s8 =	ssub.s32 s19, s0;
	s19 =	spop (drf)  }
0xff: {  	s0 =	sshra.s32 s10, $0x1F;
	[smem:$0x740] =	sst s19  }
0x100: {  	(v2sf) =	vpush v39, $0xA;
	s9 =	spop (v2sf);
	[smem:$0x761] =	sst s0;
	s19 =	sxor.u32 s0, s10  }
0x101: {  	(drf) =	srem.u32 s8, s7;
	s8 =	ssub.s32 s19, s0;
	s19 =	spop (drf)  }
0x102: {  	s0 =	sshra.s32 s9, $0x1F;
	[smem:$0x742] =	sst s19  }
0x103: {  	(v2sf) =	vpush v39, $0xB;
	s10 =	spop (v2sf);
	[smem:$0x763] =	sst s0  }
0x104: {  	(drf) =	srem.u32 s8, s15;
	s19 =	spop (drf)  }
0x105: {  	s8 =	sxor.u32 s0, s9;
	[smem:$0x744] =	sst s19;
	s9 =	spop (drf)  }
0x106: {  	(v2sf) =	vpush v39, $0xC;
	s8 =	ssub.s32 s8, s0;
	s0 =	sshra.s32 s10, $0x1F;
	[smem:$0x746] =	sst s9  }
0x107: {  	[smem:$0x765] =	sst s0;
	s9 =	spop (v2sf)  }
0x108: {  	(drf) =	srem.u32 s8, s5;
	s19 =	sxor.u32 s0, s10;
	s10 =	spop (drf)  }
0x109: {  	(v2sf) =	vpush v39, $0xD;
	s8 =	ssub.s32 s19, s0;
	[smem:$0x748] =	sst s10;
	s19 =	sshra.s32 s9, $0x1F  }
0x10a: {  	s10 =	spop (v2sf);
	[smem:$0x767] =	sst s19  }
0x10b: {  	(drf) =	srem.u32 s8, s2;
	s9 =	sxor.u32 s19, s9;
	s0 =	sshra.s32 s10, $0x1F  }
0x10c: {  	(v2sf) =	vpush v39, $0xE;
	s8 =	ssub.s32 s9, s19;
	s19 =	spop (drf);
	[smem:$0x769] =	sst s0  }
0x10d: {  	s10 =	sxor.u32 s0, s10;
	[smem:$0x74A] =	sst s19;
	s19 =	spop (v2sf)  }
0x10e: {  	(drf) =	srem.u32 s8, s1;
	s8 =	ssub.s32 s10, s0;
	s0 =	sshra.s32 s19, $0x1F  }
0x10f: {  	v40 =	vadd.s32 $0x8, v37;
	s10 =	spop (v2sf);
	(drf) =	srem.u32 s8, s6;
	s19 =	sxor.u32 s0, s19  }
0x110: {  	(v2sf) =	vpush v40, $0x0;
	[smem:$0x76B] =	sst s0;
	s8 =	ssub.s32 s19, s0;
	s19 =	spop (drf)  }
0x111: {  	s0 =	sshra.s32 s10, $0x1F;
	[smem:$0x74C] =	sst s19  }
0x112: {  	s9 =	spop (v2sf);
	[smem:$0x76D] =	sst s0;
	s19 =	sxor.u32 s0, s10  }
0x113: {  	(v2sf) =	vpush v40, $0xF;
	(drf) =	srem.u32 s8, s29;
	s8 =	ssub.s32 s19, s0;
	s19 =	spop (drf)  }
0x114: {  	s0 =	sshra.s32 s9, $0x1F;
	[smem:$0x74E] =	sst s19  }
0x115: {  	s10 =	spop (v2sf);
	[smem:$0x76F] =	sst s0;
	s19 =	sxor.u32 s0, s9  }
0x116: {  	(v2sf) =	vpush v40, $0x1;
	(drf) =	srem.u32 s8, s4;
	s8 =	ssub.s32 s19, s0;
	s19 =	spop (drf)  }
0x117: {  	s0 =	sshra.s32 s10, $0x1F;
	[smem:$0x750] =	sst s19  }
0x118: {  	(v2sf) =	vpush v40, $0x2;
	s9 =	spop (v2sf);
	[smem:$0x771] =	sst s0;
	s19 =	sxor.u32 s0, s10  }
0x119: {  	(drf) =	srem.u32 s8, s14;
	s8 =	ssub.s32 s19, s0;
	s19 =	spop (drf)  }
0x11a: {  	s0 =	sshra.s32 s9, $0x1F;
	[smem:$0x752] =	sst s19  }
0x11b: {  	(v2sf) =	vpush v40, $0x3;
	s10 =	spop (v2sf);
	[smem:$0x773] =	sst s0  }
0x11c: {  	(drf) =	srem.u32 s8, s13;
	s19 =	spop (drf)  }
0x11d: {  	s8 =	sxor.u32 s0, s9;
	[smem:$0x754] =	sst s19;
	s9 =	spop (drf)  }
0x11e: {  	(v2sf) =	vpush v40, $0x4;
	s8 =	ssub.s32 s8, s0;
	s0 =	sshra.s32 s10, $0x1F;
	[smem:$0x756] =	sst s9  }
0x11f: {  	[smem:$0x775] =	sst s0;
	s9 =	spop (v2sf)  }
0x120: {  	(drf) =	srem.u32 s8, s12;
	s19 =	sxor.u32 s0, s10;
	s10 =	spop (drf)  }
0x121: {  	(v2sf) =	vpush v40, $0x5;
	s8 =	ssub.s32 s19, s0;
	[smem:$0x758] =	sst s10;
	s19 =	sshra.s32 s9, $0x1F  }
0x122: {  	s10 =	spop (v2sf);
	[smem:$0x777] =	sst s19  }
0x123: {  	(drf) =	srem.u32 s8, s11;
	s9 =	sxor.u32 s19, s9;
	s0 =	sshra.s32 s10, $0x1F  }
0x124: {  	(v2sf) =	vpush v40, $0x6;
	s8 =	ssub.s32 s9, s19;
	s19 =	spop (drf);
	[smem:$0x779] =	sst s0  }
0x125: {  	s10 =	sxor.u32 s0, s10;
	[smem:$0x75A] =	sst s19;
	s19 =	spop (v2sf)  }
0x126: {  	(drf) =	srem.u32 s8, s22;
	s8 =	ssub.s32 s10, s0;
	s0 =	sshra.s32 s19, $0x1F  }
0x127: {  	s10 =	spop (v2sf);
	(drf) =	srem.u32 s8, s23;
	s19 =	sxor.u32 s0, s19  }
0x128: {  	(v2sf) =	vpush v40, $0x7;
	[smem:$0x77B] =	sst s0;
	s8 =	ssub.s32 s19, s0;
	s19 =	spop (drf)  }
0x129: {  	s0 =	sshra.s32 s10, $0x1F;
	[smem:$0x75C] =	sst s19  }
0x12a: {  	s9 =	spop (v2sf);
	[smem:$0x77D] =	sst s0;
	s19 =	sxor.u32 s0, s10  }
0x12b: {  	(v2sf) =	vpush v40, $0x8;
	(drf) =	srem.u32 s8, s26;
	s8 =	ssub.s32 s19, s0;
	s19 =	spop (drf)  }
0x12c: {  	s0 =	sshra.s32 s9, $0x1F;
	[smem:$0x75E] =	sst s19  }
0x12d: {  	s10 =	spop (v2sf);
	[smem:$0x77F] =	sst s0;
	s19 =	sxor.u32 s0, s9  }
0x12e: {  	(v2sf) =	vpush v40, $0x9;
	(drf) =	srem.u32 s8, s3;
	s8 =	ssub.s32 s19, s0;
	s19 =	spop (drf)  }
0x12f: {  	s0 =	sshra.s32 s10, $0x1F;
	[smem:$0x760] =	sst s19  }
0x130: {  	(v2sf) =	vpush v40, $0xA;
	s9 =	spop (v2sf);
	[smem:$0x781] =	sst s0;
	s19 =	sxor.u32 s0, s10  }
0x131: {  	(drf) =	srem.u32 s8, s7;
	s8 =	ssub.s32 s19, s0;
	s19 =	spop (drf)  }
0x132: {  	s0 =	sshra.s32 s9, $0x1F;
	[smem:$0x762] =	sst s19  }
0x133: {  	(v2sf) =	vpush v40, $0xB;
	s10 =	spop (v2sf);
	[smem:$0x783] =	sst s0  }
0x134: {  	(drf) =	srem.u32 s8, s15;
	s19 =	spop (drf)  }
0x135: {  	s8 =	sxor.u32 s0, s9;
	[smem:$0x764] =	sst s19;
	s9 =	spop (drf)  }
0x136: {  	(v2sf) =	vpush v40, $0xC;
	s8 =	ssub.s32 s8, s0;
	s0 =	sshra.s32 s10, $0x1F;
	[smem:$0x766] =	sst s9  }
0x137: {  	[smem:$0x786] =	sst s0;
	s9 =	spop (v2sf)  }
0x138: {  	(drf) =	srem.u32 s8, s5;
	s19 =	sxor.u32 s0, s10;
	s10 =	spop (drf)  }
0x139: {  	(v2sf) =	vpush v40, $0xD;
	s8 =	ssub.s32 s19, s0;
	[smem:$0x768] =	sst s10;
	s19 =	sshra.s32 s9, $0x1F  }
0x13a: {  	s10 =	spop (v2sf);
	[smem:$0x788] =	sst s19  }
0x13b: {  	(drf) =	srem.u32 s8, s2;
	s9 =	sxor.u32 s19, s9;
	s0 =	sshra.s32 s10, $0x1F  }
0x13c: {  	(v2sf) =	vpush v40, $0xE;
	s8 =	ssub.s32 s9, s19;
	s19 =	spop (drf);
	[smem:$0x78B] =	sst s0  }
0x13d: {  	s10 =	sxor.u32 s0, s10;
	[smem:$0x76A] =	sst s19;
	s19 =	spop (v2sf)  }
0x13e: {  	(drf) =	srem.u32 s8, s1;
	s8 =	ssub.s32 s10, s0;
	s0 =	sshra.s32 s19, $0x1F  }
0x13f: {  	v41 =	vadd.s32 $0x10, v37;
	s10 =	spop (v2sf);
	(drf) =	srem.u32 s8, s6;
	s19 =	sxor.u32 s0, s19  }
0x140: {  	(v2sf) =	vpush v41, $0x0;
	[smem:$0x78E] =	sst s0;
	s8 =	ssub.s32 s19, s0;
	s19 =	spop (drf)  }
0x141: {  	s0 =	sshra.s32 s10, $0x1F;
	[smem:$0x76C] =	sst s19  }
0x142: {  	s9 =	spop (v2sf);
	[smem:$0x790] =	sst s0;
	s19 =	sxor.u32 s0, s10  }
0x143: {  	(v2sf) =	vpush v41, $0xF;
	(drf) =	srem.u32 s8, s29;
	s8 =	ssub.s32 s19, s0;
	s19 =	spop (drf)  }
0x144: {  	s0 =	sshra.s32 s9, $0x1F;
	[smem:$0x76E] =	sst s19  }
0x145: {  	s10 =	spop (v2sf);
	[smem:$0x793] =	sst s0;
	s19 =	sxor.u32 s0, s9  }
0x146: {  	(v2sf) =	vpush v41, $0x1;
	(drf) =	srem.u32 s8, s4;
	s8 =	ssub.s32 s19, s0;
	s19 =	spop (drf)  }
0x147: {  	s0 =	sshra.s32 s10, $0x1F;
	[smem:$0x770] =	sst s19  }
0x148: {  	(v2sf) =	vpush v41, $0x2;
	s9 =	spop (v2sf);
	[smem:$0x796] =	sst s0;
	s19 =	sxor.u32 s0, s10  }
0x149: {  	(drf) =	srem.u32 s8, s14;
	s8 =	ssub.s32 s19, s0;
	s19 =	spop (drf)  }
0x14a: {  	s0 =	sshra.s32 s9, $0x1F;
	[smem:$0x772] =	sst s19  }
0x14b: {  	(v2sf) =	vpush v41, $0x3;
	s10 =	spop (v2sf);
	[smem:$0x798] =	sst s0  }
0x14c: {  	(drf) =	srem.u32 s8, s13;
	s19 =	spop (drf)  }
0x14d: {  	s8 =	sxor.u32 s0, s9;
	[smem:$0x774] =	sst s19;
	s9 =	spop (drf)  }
0x14e: {  	(v2sf) =	vpush v41, $0x4;
	s8 =	ssub.s32 s8, s0;
	s0 =	sshra.s32 s10, $0x1F;
	[smem:$0x776] =	sst s9  }
0x14f: {  	[smem:$0x79B] =	sst s0;
	s9 =	spop (v2sf)  }
0x150: {  	(drf) =	srem.u32 s8, s12;
	s19 =	sxor.u32 s0, s10;
	s10 =	spop (drf)  }
0x151: {  	(v2sf) =	vpush v41, $0x5;
	s8 =	ssub.s32 s19, s0;
	[smem:$0x778] =	sst s10;
	s19 =	sshra.s32 s9, $0x1F  }
0x152: {  	s10 =	spop (v2sf);
	[smem:$0x79E] =	sst s19  }
0x153: {  	(drf) =	srem.u32 s8, s11;
	s9 =	sxor.u32 s19, s9;
	s0 =	sshra.s32 s10, $0x1F  }
0x154: {  	(v2sf) =	vpush v41, $0x6;
	s8 =	ssub.s32 s9, s19;
	s19 =	spop (drf);
	[smem:$0x7A0] =	sst s0  }
0x155: {  	s10 =	sxor.u32 s0, s10;
	[smem:$0x77A] =	sst s19;
	s19 =	spop (v2sf)  }
0x156: {  	(drf) =	srem.u32 s8, s22;
	s8 =	ssub.s32 s10, s0;
	s0 =	sshra.s32 s19, $0x1F  }
0x157: {  	s10 =	spop (v2sf);
	(drf) =	srem.u32 s8, s23;
	s19 =	sxor.u32 s0, s19  }
0x158: {  	[smem:$0x7A3] =	sst s0;
	s8 =	ssub.s32 s19, s0;
	s19 =	spop (drf)  }
0x159: {  	s0 =	sshra.s32 s10, $0x1F;
	[smem:$0x77C] =	sst s19  }
0x15a: {  	(v2sf) =	vpush v41, $0x7;
	s9 =	spop (v2sf);
	[smem:$0x7A7] =	sst s0;
	s19 =	sxor.u32 s0, s10  }
0x15b: {  	(drf) =	srem.u32 s8, s26;
	s8 =	ssub.s32 s19, s0;
	s19 =	spop (drf)  }
0x15c: {  	s0 =	sshra.s32 s9, $0x1F;
	[smem:$0x77E] =	sst s19  }
0x15d: {  	s10 =	spop (v2sf);
	[smem:$0x7A9] =	sst s0;
	s19 =	sxor.u32 s0, s9  }
0x15e: {  	(drf) =	srem.u32 s8, s3;
	s8 =	ssub.s32 s19, s0;
	s19 =	spop (drf)  }
0x15f: {  	(v2sf) =	vpush v41, $0x8;
	s0 =	sshra.s32 s10, $0x1F;
	[smem:$0x780] =	sst s19  }
0x160: {  	s9 =	spop (v2sf);
	[smem:$0x7AD] =	sst s0;
	s19 =	sxor.u32 s0, s10  }
0x161: {  	(drf) =	srem.u32 s8, s7;
	s8 =	ssub.s32 s19, s0;
	s19 =	spop (drf)  }
0x162: {  	(v2sf) =	vpush v41, $0x9;
	s0 =	sshra.s32 s9, $0x1F;
	[smem:$0x782] =	sst s19  }
0x163: {  	s10 =	spop (v2sf);
	[smem:$0x7B1] =	sst s0  }
0x164: {  	(v2sf) =	vpush v41, $0xA;
	(drf) =	srem.u32 s8, s15;
	s19 =	spop (drf)  }
0x165: {  	(v2sf) =	vpush v41, $0xB;
	s8 =	sxor.u32 s0, s9;
	[smem:$0x784] =	sst s19;
	s9 =	spop (drf)  }
0x166: {  	(v2sf) =	vpush v41, $0xC;
	s8 =	ssub.s32 s8, s0;
	s0 =	sshra.s32 s10, $0x1F;
	[smem:$0x787] =	sst s9  }
0x167: {  	(v2sf) =	vpush v41, $0xD;
	[smem:$0x7B3] =	sst s0  }
0x168: {  	v42 =	vadd.s32 $0x20, v37;
	(v2sf) =	vpush v41, $0xE;
	(drf) =	srem.u32 s8, s5;
	s19 =	sxor.u32 s0, s10;
	s10 =	spop (drf)  }
0x169: {  	s9 =	spop (v2sf);
	(v2sf) =	vpush v42, $0x0;
	[smem:$0x789] =	sst s10  }
0x16a: {  	[smem:$0x7EF] =	sst s14  }
0x16b: {  	[smem:$0x7F1] =	sst s13  }
0x16c: {  	[smem:$0x7F3] =	sst s12  }
0x16d: {  	s8 =	ssub.s32 s19, s0;
	s19 =	sshra.s32 s9, $0x1F;
	[smem:$0x7F4] =	sst s11  }
0x16e: {  	[smem:$0x7B7] =	sst s19;
	s9 =	sxor.u32 s19, s9;
	s10 =	spop (v2sf)  }
0x16f: {  	(drf) =	srem.u32 s8, s2;
	s8 =	ssub.s32 s9, s19;
	s19 =	spop (drf)  }
0x170: {  	s0 =	sshra.s32 s10, $0x1F;
	[smem:$0x78C] =	sst s19  }
0x171: {  	[smem:$0x7BA] =	sst s0;
	s10 =	sxor.u32 s0, s10;
	s19 =	spop (v2sf)  }
0x172: {  	(drf) =	srem.u32 s8, s1;
	s8 =	ssub.s32 s10, s0;
	s0 =	sshra.s32 s19, $0x1F  }
0x173: {  	s10 =	spop (v2sf);
	[smem:$0x7BC] =	sst s0;
	s19 =	sxor.u32 s0, s19  }
0x174: {  	(drf) =	srem.u32 s8, s6;
	s8 =	ssub.s32 s19, s0;
	s19 =	spop (drf)  }
0x175: {  	s0 =	sshra.s32 s10, $0x1F;
	[smem:$0x78F] =	sst s19  }
0x176: {  	s9 =	spop (v2sf);
	[smem:$0x7BF] =	sst s0;
	s19 =	sxor.u32 s0, s10  }
0x177: {  	(v2sf) =	vpush v42, $0xF;
	(drf) =	srem.u32 s8, s29;
	s8 =	ssub.s32 s19, s0;
	s19 =	spop (drf)  }
0x178: {  	s0 =	sshra.s32 s9, $0x1F;
	[smem:$0x791] =	sst s19  }
0x179: {  	s10 =	spop (v2sf);
	[smem:$0x7C2] =	sst s0;
	s19 =	sxor.u32 s0, s9  }
0x17a: {  	(v2sf) =	vpush v42, $0x1;
	(drf) =	srem.u32 s8, s4;
	s8 =	ssub.s32 s19, s0;
	s19 =	spop (drf)  }
0x17b: {  	s0 =	sshra.s32 s10, $0x1F;
	[smem:$0x794] =	sst s19  }
0x17c: {  	(v2sf) =	vpush v42, $0x2;
	s9 =	spop (v2sf);
	[smem:$0x7C4] =	sst s0;
	s19 =	sxor.u32 s0, s10  }
0x17d: {  	(drf) =	srem.u32 s8, s14;
	s8 =	ssub.s32 s19, s0;
	s19 =	spop (drf)  }
0x17e: {  	s0 =	sshra.s32 s9, $0x1F;
	[smem:$0x797] =	sst s19  }
0x17f: {  	(v2sf) =	vpush v42, $0x3;
	s10 =	spop (v2sf);
	[smem:$0x7C8] =	sst s0  }
0x180: {  	(drf) =	srem.u32 s8, s13;
	s19 =	spop (drf)  }
0x181: {  	s8 =	sxor.u32 s0, s9;
	[smem:$0x799] =	sst s19;
	s9 =	spop (drf)  }
0x182: {  	(v2sf) =	vpush v42, $0x4;
	s8 =	ssub.s32 s8, s0;
	s0 =	sshra.s32 s10, $0x1F;
	[smem:$0x79C] =	sst s9  }
0x183: {  	[smem:$0x7CB] =	sst s0;
	s9 =	spop (v2sf)  }
0x184: {  	(drf) =	srem.u32 s8, s12;
	s19 =	sxor.u32 s0, s10;
	s10 =	spop (drf)  }
0x185: {  	(v2sf) =	vpush v42, $0x5;
	s8 =	ssub.s32 s19, s0;
	[smem:$0x79F] =	sst s10;
	s19 =	sshra.s32 s9, $0x1F  }
0x186: {  	s10 =	spop (v2sf);
	[smem:$0x7CD] =	sst s19  }
0x187: {  	(drf) =	srem.u32 s8, s11;
	s9 =	sxor.u32 s19, s9;
	s0 =	sshra.s32 s10, $0x1F  }
0x188: {  	(v2sf) =	vpush v42, $0x6;
	s8 =	ssub.s32 s9, s19;
	s19 =	spop (drf);
	[smem:$0x7CF] =	sst s0  }
0x189: {  	s10 =	sxor.u32 s0, s10;
	[smem:$0x7A1] =	sst s19;
	s19 =	spop (v2sf)  }
0x18a: {  	(drf) =	srem.u32 s8, s22;
	s8 =	ssub.s32 s10, s0;
	s0 =	sshra.s32 s19, $0x1F  }
0x18b: {  	s10 =	spop (v2sf);
	(drf) =	srem.u32 s8, s23;
	s19 =	sxor.u32 s0, s19  }
0x18c: {  	(v2sf) =	vpush v42, $0x7;
	[smem:$0x7D2] =	sst s0;
	s8 =	ssub.s32 s19, s0;
	s19 =	spop (drf)  }
0x18d: {  	s0 =	sshra.s32 s10, $0x1F;
	[smem:$0x7A4] =	sst s19  }
0x18e: {  	s9 =	spop (v2sf);
	[smem:$0x7D4] =	sst s0;
	s19 =	sxor.u32 s0, s10  }
0x18f: {  	(v2sf) =	vpush v42, $0x8;
	(drf) =	srem.u32 s8, s26;
	s8 =	ssub.s32 s19, s0;
	s19 =	spop (drf)  }
0x190: {  	s0 =	sshra.s32 s9, $0x1F;
	[smem:$0x7A8] =	sst s19  }
0x191: {  	s10 =	spop (v2sf);
	[smem:$0x7D6] =	sst s0;
	s19 =	sxor.u32 s0, s9  }
0x192: {  	(v2sf) =	vpush v42, $0x9;
	(drf) =	srem.u32 s8, s3;
	s8 =	ssub.s32 s19, s0;
	s19 =	spop (drf)  }
0x193: {  	s0 =	sshra.s32 s10, $0x1F;
	[smem:$0x7AA] =	sst s19  }
0x194: {  	(v2sf) =	vpush v42, $0xA;
	s9 =	spop (v2sf);
	[smem:$0x7D8] =	sst s0;
	s19 =	sxor.u32 s0, s10  }
0x195: {  	(drf) =	srem.u32 s8, s7;
	s8 =	ssub.s32 s19, s0;
	s19 =	spop (drf)  }
0x196: {  	s0 =	sshra.s32 s9, $0x1F;
	[smem:$0x7AE] =	sst s19  }
0x197: {  	(v2sf) =	vpush v42, $0xB;
	s10 =	spop (v2sf);
	[smem:$0x7DA] =	sst s0  }
0x198: {  	(drf) =	srem.u32 s8, s15;
	s19 =	spop (drf)  }
0x199: {  	(v2sf) =	vpush v42, $0xC;
	s8 =	sxor.u32 s0, s9;
	[smem:$0x7B2] =	sst s19;
	s9 =	spop (drf)  }
0x19a: {  	(v2sf) =	vpush v42, $0xD;
	s8 =	ssub.s32 s8, s0;
	s0 =	sshra.s32 s10, $0x1F;
	[smem:$0x7B4] =	sst s9  }
0x19b: {  	[smem:$0x7DD] =	sst s0;
	s9 =	spop (v2sf)  }
0x19c: {  	(drf) =	srem.u32 s8, s5;
	s19 =	sxor.u32 s0, s10;
	s10 =	spop (drf)  }
0x19d: {  	s8 =	ssub.s32 s19, s0;
	[smem:$0x7B8] =	sst s10;
	s19 =	sshra.s32 s9, $0x1F  }
0x19e: {  	s10 =	spop (v2sf);
	[smem:$0x7DF] =	sst s19  }
0x19f: {  	(v2sf) =	vpush v42, $0xE;
	(drf) =	srem.u32 s8, s2;
	s9 =	sxor.u32 s19, s9;
	s0 =	sshra.s32 s10, $0x1F  }
0x1a0: {  	s8 =	ssub.s32 s9, s19;
	s19 =	spop (drf);
	[smem:$0x7E2] =	sst s0  }
0x1a1: {  	v22 =	vadd.s32 $0x40, v37;
	s10 =	sxor.u32 s0, s10;
	[smem:$0x7BB] =	sst s19;
	s19 =	spop (v2sf)  }
0x1a2: {  	(v2sf) =	vpush v22, $0x0;
	(drf) =	srem.u32 s8, s1;
	s8 =	ssub.s32 s10, s0;
	s0 =	sshra.s32 s19, $0x1F  }
0x1a3: {  	s10 =	spop (v2sf);
	(drf) =	srem.u32 s8, s6;
	s19 =	sxor.u32 s0, s19  }
0x1a4: {  	[smem:$0x7E5] =	sst s0;
	s8 =	ssub.s32 s19, s0;
	s19 =	spop (drf)  }
0x1a5: {  	(v2sf) =	vpush v22, $0xF;
	s0 =	sshra.s32 s10, $0x1F;
	[smem:$0x7BD] =	sst s19  }
0x1a6: {  	s9 =	spop (v2sf);
	[smem:$0x7E7] =	sst s0;
	s19 =	sxor.u32 s0, s10  }
0x1a7: {  	(drf) =	srem.u32 s8, s29;
	s8 =	ssub.s32 s19, s0;
	s19 =	spop (drf)  }
0x1a8: {  	(v2sf) =	vpush v22, $0x1;
	s10 =	spop (v2sf);
	s0 =	sshra.s32 s9, $0x1F;
	[smem:$0x7C0] =	sst s19  }
0x1a9: {  	(v2sf) =	vpush v22, $0x2;
	[smem:$0x7F6] =	sst s0;
	s19 =	sxor.u32 s0, s9;
	s9 =	spop (v2sf)  }
0x1aa: {  	(v2sf) =	vpush v22, $0x3;
	(drf) =	srem.u32 s8, s4;
	s8 =	ssub.s32 s19, s0;
	s19 =	spop (drf)  }
0x1ab: {  	s0 =	sshra.s32 s9, $0x1F;
	[smem:$0x7C3] =	sst s19;
	s19 =	sshra.s32 s10, $0x1F  }
0x1ac: {  	(drf) =	srem.u32 s8, s14;
	[smem:$0x7F9] =	sst s0;
	s14 =	sxor.u32 s19, s10  }
0x1ad: {  	[smem:$0x7F7] =	sst s19;
	s8 =	ssub.s32 s14, s19;
	s19 =	spop (drf)  }
0x1ae: {  	s10 =	spop (v2sf);
	[smem:$0x7C5] =	sst s19  }
0x1af: {  	(v2sf) =	vpush v22, $0x4;
	s14 =	sxor.u32 s0, s9;
	(drf) =	srem.u32 s8, s13;
	s19 =	spop (drf)  }
0x1b0: {  	s13 =	sshra.s32 s10, $0x1F;
	[smem:$0x7C9] =	sst s19;
	s9 =	spop (drf)  }
0x1b1: {  	s8 =	ssub.s32 s14, s0;
	[smem:$0x7FC] =	sst s13;
	s19 =	spop (v2sf)  }
0x1b2: {  	(v2sf) =	vpush v22, $0x5;
	s14 =	sxor.u32 s13, s10;
	[smem:$0x7CC] =	sst s9;
	s10 =	spop (drf)  }
0x1b3: {  	(drf) =	srem.u32 s8, s12;
	s12 =	sshra.s32 s19, $0x1F;
	[smem:$0x7CE] =	sst s10  }
0x1b4: {  	s8 =	ssub.s32 s14, s13;
	s14 =	spop (v2sf);
	[smem:$0x7EB] =	sst s12  }
0x1b5: {  	(drf) =	srem.u32 s8, s11;
	s13 =	sxor.u32 s12, s19;
	s19 =	spop (drf)  }
0x1b6: {  	s10 =	sshra.s32 s14, $0x1F;
	s8 =	ssub.s32 s13, s12;
	[smem:$0x7D0] =	sst s19  }
0x1b7: {  	[smem:$0x7E9] =	sst s10;
	s11 =	sxor.u32 s10, s14;
	s12 =	spop (v2sf)  }
0x1b8: {  	(v2sf) =	vpush v22, $0x6;
	(drf) =	srem.u32 s8, s22;
	s13 =	sshra.s32 s12, $0x1F;
	s14 =	spop (v2sf)  }
0x1b9: {  	s8 =	ssub.s32 s11, s10;
	[smem:$0x7EC] =	sst s13;
	s22 =	spop (v2sf)  }
0x1ba: {  	(drf) =	srem.u32 s8, s23;
	s19 =	sxor.u32 s13, s12;
	s23 =	spop (drf)  }
0x1bb: {  	s11 =	sshra.s32 s14, $0x1F;
	s8 =	ssub.s32 s19, s13;
	[smem:$0x7D3] =	sst s23  }
0x1bc: {  	[smem:$0x7ED] =	sst s11;
	s12 =	sxor.u32 s11, s14;
	s14 =	spop (drf)  }
0x1bd: {  	(v2sf) =	vpush v22, $0x7;
	s19 =	sshra.s32 s22, $0x1F;
	(drf) =	srem.u32 s8, s26;
	[smem:$0x7D5] =	sst s14  }
0x1be: {  	(v2sf) =	vpush v22, $0x8;
	s13 =	spop (v2sf);
	s8 =	ssub.s32 s12, s11;
	[smem:$0x7EE] =	sst s19  }
0x1bf: {  	s22 =	sxor.u32 s19, s22;
	s26 =	spop (drf);
	(drf) =	srem.u32 s8, s3  }
0x1c0: {  	s3 =	ssub.s32 s22, s19;
	[smem:$0x7D7] =	sst s26;
	s9 =	sshra.s32 s13, $0x1F  }
0x1c1: {  	s23 =	spop (v2sf);
	[smem:$0x7F0] =	sst s9;
	s11 =	sxor.u32 s9, s13  }
0x1c2: {  	(drf) =	srem.u32 s3, s7;
	s13 =	spop (drf);
	s3 =	ssub.s32 s11, s9  }
0x1c3: {  	(v2sf) =	vpush v22, $0x9;
	[smem:$0x7D9] =	sst s13;
	s14 =	sshra.s32 s23, $0x1F;
	s22 =	spop (drf)  }
0x1c4: {  	[smem:$0x7F2] =	sst s14;
	(drf) =	srem.u32 s3, s15  }
0x1c5: {  	s19 =	sxor.u32 s14, s23;
	[smem:$0x7DB] =	sst s22;
	s23 =	spop (drf)  }
0x1c6: {  	(v2sf) =	vpush v22, $0xA;
	[smem:$0x7DE] =	sst s23;
	s10 =	spop (drf)  }
0x1c7: {  	s12 =	spop (v2sf);
	s3 =	ssub.s32 s19, s14;
	[smem:$0x7E0] =	sst s10  }
0x1c8: {  	s26 =	sshra.s32 s12, $0x1F;
	(drf) =	srem.u32 s3, s5;
	s5 =	sld [smem:$0x730]  }
0x1c9: {  	s14 =	spop (drf);
	[smem:$0x7F5] =	sst s26  }
0x1ca: {  	s8 =	sxor.u32 s26, s12;
	[smem:$0x7E3] =	sst s14  }
0x1cb: {  	s14 =	sld [smem:$0x728];
	s3 =	ssub.s32 s8, s26  }
0x1cc: {  	s9 =	spop (v2sf);
	(drf) =	srem.u32 s3, s2  }
0x1cd: {  	s11 =	sshra.s32 s9, $0x1F;
	s13 =	spop (v2sf);
	s3 =	sld [smem:$0x72E]  }
0x1ce: {  	[smem:$0x7F8] =	sst s11;
	s15 =	sshra.s32 s13, $0x1F  }
0x1cf: {  	s12 =	sxor.u32 s11, s9;
	s9 =	spop (drf);
	[smem:$0x7FA] =	sst s15  }
0x1d0: {  	[smem:$0x7E6] =	sst s9  }
0x1d1: {  	s2 =	ssub.s32 s12, s11;
	s12 =	rddreg [dreg:$0x19]  }
0x1d2: {  	s19 =	sxor.u32 s15, s13;
	s22 =	spop (v2sf);
	s13 =	sld [smem:$0x727]  }
0x1d3: {  	s11 =	spop (drf);
	s9 =	sld [smem:$0x733]  }
0x1d4: {  	(drf) =	srem.u32 s2, s1;
	s1 =	ssub.s32 s19, s15;
	[smem:$0x7E8] =	sst s11  }
0x1d5: {  	s23 =	sshra.s32 s22, $0x1F;
	s26 =	spop (v2sf);
	s15 =	sld [smem:$0x729]  }
0x1d6: {  	[smem:$0x7FB] =	sst s23;
	(drf) =	srem.u32 s1, s6  }
0x1d7: {  	s6 =	sxor.u32 s23, s22;
	s7 =	sshra.s32 s26, $0x1F;
	s22 =	sld [smem:$0x72C]  }
0x1d8: {  	[smem:$0x7FD] =	sst s7  }
0x1d9: {  	s8 =	sxor.u32 s7, s26;
	s26 =	sld [smem:$0x72D]  }
0x1da: {  	s10 =	ssub.s32 s8, s7;
	s7 =	sld [smem:$0x731]  }
0x1db: {  	s0 =	ssub.s32 s6, s23;
	s8 =	sld [smem:$0x732]  }
0x1dc: {  	(drf) =	srem.u32 s0, s29;
	s0 =	sxor.u32 s12, s13;
	s13 =	sld [smem:$0x734]  }
0x1dd: {  	s1 =	sxor.u32 s17, s15;
	s15 =	sld [smem:$0x735]  }
0x1de: {  	s23 =	ssub.s32 s1, s17;
	s17 =	sld [smem:$0x72A]  }
0x1df: {  	(drf) =	srem.u32 s10, s4;
	s4 =	sld [smem:$0x72F]  }
0x1e0: {  	s19 =	ssub.s32 s0, s12;
	s12 =	rddreg [dreg:$0x15]  }
0x1e1: {  	s0 =	sxor.u32 s16, s14;
	s14 =	rddreg [dreg:$0x17]  }
0x1e2: {  	s11 =	ssub.s32 s0, s16;
	s16 =	rddreg [dreg:$0x1a]  }
0x1e3: {  	s1 =	sxor.u32 s20, s26;
	s26 =	sld [smem:$0x73A]  }
0x1e4: {  	s2 =	ssub.s32 s1, s20;
	s20 =	rddreg [dreg:$0x1c]  }
0x1e5: {  	s1 =	sxor.u32 s25, s5;
	s5 =	sld [smem:$0x740]  }
0x1e6: {  	[smem:$0x78A] =	sst s2  }
0x1e7: {  	s0 =	sxor.u32 s18, s17;
	s17 =	sld [smem:$0x736]  }
0x1e8: {  	s6 =	ssub.s32 s1, s25;
	s25 =	sld [smem:$0x739]  }
0x1e9: {  	s1 =	sxor.u32 s31, s9;
	s9 =	sld [smem:$0x743]  }
0x1ea: {  	s2 =	sld [smem:$0x759]  }
0x1eb: {  	s29 =	ssub.s32 s0, s18;
	s18 =	sld [smem:$0x72B]  }
0x1ec: {  	[smem:$0x795] =	sst s6  }
0x1ed: {  	s10 =	ssub.s32 s1, s31;
	s31 =	sld [smem:$0x73D]  }
0x1ee: {  	s6 =	sld [smem:$0x741]  }
0x1ef: {  	[smem:$0x7A2] =	sst s10  }
0x1f0: {  	s10 =	sld [smem:$0x744]  }
0x1f1: {  	s1 =	sxor.u32 s16, s17;
	s17 =	sld [smem:$0x747];
	s0 =	sxor.u32 s22, s18  }
0x1f2: {  	s18 =	ssub.s32 s1, s16;
	s1 =	sxor.u32 s25, s26;
	s26 =	sld [smem:$0x74B]  }
0x1f3: {  	[smem:$0x7AF] =	sst s18  }
0x1f4: {  	s0 =	ssub.s32 s0, s22;
	s22 =	rddreg [dreg:$0x1e]  }
0x1f5: {  	s18 =	sld [smem:$0x748]  }
0x1f6: {  	v43 =	vmov s11;
	[smem:$0x785] =	sst s0  }
0x1f7: {  	v23 =	vsel vm0, s19, v43;
	s0 =	sxor.u32 s21, s3;
	s3 =	sld [smem:$0x73E]  }
0x1f8: {  	v23 =	vsel vm1, s23, v23;
	s0 =	ssub.s32 s0, s21;
	s21 =	sld [smem:$0x737]  }
0x1f9: {  	v23 =	vsel vm2, s29, v23;
	s29 =	sld [smem:$0x785]  }
0x1fa: {  	[smem:$0x78D] =	sst s0  }
0x1fb: {  	s0 =	sxor.u32 s24, s4;
	s4 =	sld [smem:$0x73F]  }
0x1fc: {  	s0 =	ssub.s32 s0, s24;
	s24 =	sld [smem:$0x738]  }
0x1fd: {  	[smem:$0x792] =	sst s0  }
0x1fe: {  	s0 =	sxor.u32 s28, s7;
	s7 =	sld [smem:$0x742]  }
0x1ff: {  	v23 =	vsel vm3, s29, v23;
	s29 =	sld [smem:$0x789]  }
0x200: {  	s0 =	ssub.s32 s0, s28;
	s28 =	sld [smem:$0x73B]  }
0x201: {  	[smem:$0x79A] =	sst s0;
	s0 =	sxor.u32 s30, s8  }
0x202: {  	s0 =	ssub.s32 s0, s30;
	s30 =	sld [smem:$0x73C]  }
0x203: {  	[smem:$0x79D] =	sst s0;
	s0 =	sxor.u32 s12, s13  }
0x204: {  	s13 =	sld [smem:$0x745];
	s0 =	ssub.s32 s0, s12  }
0x205: {  	s12 =	ssub.s32 s1, s25;
	[smem:$0x7A5] =	sst s0;
	s0 =	sxor.u32 s14, s15  }
0x206: {  	s1 =	sxor.u32 s4, s5;
	s5 =	sld [smem:$0x74D];
	s0 =	ssub.s32 s0, s14  }
0x207: {  	[smem:$0x7AB] =	sst s0;
	s0 =	sxor.u32 s20, s21  }
0x208: {  	s15 =	sld [smem:$0x746];
	s0 =	ssub.s32 s0, s20  }
0x209: {  	[smem:$0x7B5] =	sst s0  }
0x20a: {  	s0 =	sxor.u32 s22, s24;
	s24 =	sld [smem:$0x74A]  }
0x20b: {  	s14 =	ssub.s32 s0, s22;
	s0 =	sxor.u32 s28, s30;
	s22 =	sld [smem:$0x749]  }
0x20c: {  	s30 =	sld [smem:$0x74C];
	s16 =	ssub.s32 s0, s28;
	s0 =	sxor.u32 s31, s3  }
0x20d: {  	s28 =	ssub.s32 s1, s4;
	s1 =	sxor.u32 s13, s15;
	s3 =	sld [smem:$0x75A]  }
0x20e: {  	s8 =	ssub.s32 s0, s31;
	s0 =	sxor.u32 s6, s7;
	s7 =	sld [smem:$0x74F]  }
0x20f: {  	s25 =	ssub.s32 s1, s13;
	s13 =	sld [smem:$0x752]  }
0x210: {  	s20 =	ssub.s32 s0, s6;
	s6 =	sld [smem:$0x74E]  }
0x211: {  	s0 =	sxor.u32 s9, s10;
	s10 =	sld [smem:$0x751]  }
0x212: {  	s1 =	sxor.u32 s26, s30;
	s30 =	sld [smem:$0x758]  }
0x213: {  	s21 =	ssub.s32 s0, s9;
	s9 =	sld [smem:$0x750]  }
0x214: {  	s0 =	sxor.u32 s17, s18;
	s18 =	sld [smem:$0x754]  }
0x215: {  	v44 =	vmov s12;
	s4 =	ssub.s32 s1, s26;
	s26 =	sld [smem:$0x757]  }
0x216: {  	v24 =	vsel vm0, s14, v44;
	[smem:$0x7AC] =	sst s4  }
0x217: {  	v24 =	vsel vm1, s16, v24;
	s31 =	ssub.s32 s0, s17;
	s17 =	sld [smem:$0x753]  }
0x218: {  	v24 =	vsel vm2, s8, v24;
	s0 =	sxor.u32 s22, s24;
	s24 =	sld [smem:$0x756]  }
0x219: {  	v24 =	vsel vm3, s28, v24;
	s4 =	sld [smem:$0x75B]  }
0x21a: {  	v24 =	vsel vm4, s20, v24;
	s20 =	sld [smem:$0x79A]  }
0x21b: {  	s0 =	ssub.s32 s0, s22;
	s22 =	sld [smem:$0x755]  }
0x21c: {  	s1 =	sxor.u32 s10, s13;
	s13 =	sld [smem:$0x760]  }
0x21d: {  	[smem:$0x7A6] =	sst s0  }
0x21e: {  	s15 =	ssub.s32 s1, s10;
	s10 =	sld [smem:$0x75F]  }
0x21f: {  	s1 =	sxor.u32 s26, s30;
	s30 =	sld [smem:$0x764]  }
0x220: {  	s0 =	sxor.u32 s5, s6;
	[smem:$0x7B9] =	sst s15  }
0x221: {  	v24 =	vsel vm5, s21, v24;
	s0 =	ssub.s32 s0, s5;
	s5 =	sld [smem:$0x75C]  }
0x222: {  	v24 =	vsel vm6, s25, v24;
	s6 =	ssub.s32 s1, s26;
	s26 =	sld [smem:$0x763]  }
0x223: {  	v24 =	vsel vm7, s31, v24;
	s31 =	sld [smem:$0x7A5]  }
0x224: {  	[smem:$0x7B0] =	sst s0  }
0x225: {  	s0 =	sxor.u32 s7, s9;
	s9 =	sld [smem:$0x75E]  }
0x226: {  	s0 =	ssub.s32 s0, s7;
	s7 =	sld [smem:$0x75D]  }
0x227: {  	s15 =	sxor.u32 s10, s13;
	s13 =	sld [smem:$0x766]  }
0x228: {  	[smem:$0x7B6] =	sst s0  }
0x229: {  	s1 =	sxor.u32 s2, s3;
	s0 =	sxor.u32 s17, s18;
	s18 =	sld [smem:$0x761]  }
0x22a: {  	s3 =	ssub.s32 s15, s10;
	s10 =	sld [smem:$0x765];
	s0 =	ssub.s32 s0, s17  }
0x22b: {  	[smem:$0x7BE] =	sst s0;
	s0 =	sxor.u32 s22, s24  }
0x22c: {  	s17 =	ssub.s32 s1, s2;
	s0 =	ssub.s32 s0, s22;
	s22 =	sld [smem:$0x762]  }
0x22d: {  	s1 =	sxor.u32 s4, s5;
	s5 =	sld [smem:$0x76E];
	s2 =	sxor.u32 s7, s9  }
0x22e: {  	s9 =	ssub.s32 s1, s4;
	s1 =	sxor.u32 s26, s30;
	s30 =	sld [smem:$0x76A]  }
0x22f: {  	s24 =	sxor.u32 s18, s22;
	s22 =	sld [smem:$0x768]  }
0x230: {  	s4 =	ssub.s32 s24, s18;
	s18 =	sld [smem:$0x767]  }
0x231: {  	v25 =	vmov s17;
	s17 =	sld [smem:$0x791];
	s2 =	ssub.s32 s2, s7  }
0x232: {  	s7 =	ssub.s32 s1, s26;
	s15 =	sxor.u32 s10, s13;
	s26 =	sld [smem:$0x769]  }
0x233: {  	s10 =	ssub.s32 s15, s10;
	s15 =	sld [smem:$0x76B];
	s24 =	sxor.u32 s18, s22  }
0x234: {  	s13 =	ssub.s32 s24, s18;
	s18 =	sld [smem:$0x76C]  }
0x235: {  	s1 =	sxor.u32 s26, s30;
	s30 =	sld [smem:$0x770]  }
0x236: {  	s22 =	ssub.s32 s1, s26;
	s26 =	sld [smem:$0x76D]  }
0x237: {  	s24 =	sxor.u32 s15, s18;
	s18 =	sld [smem:$0x76F]  }
0x238: {  	v25 =	vsel vm0, s6, v25;
	s6 =	sld [smem:$0x7A6]  }
0x239: {  	[smem:$0x7C6] =	sst s0;
	s24 =	ssub.s32 s24, s15  }
0x23a: {  	s15 =	sxor.u32 s26, s5;
	s1 =	sxor.u32 s18, s30;
	s30 =	sld [smem:$0x772]  }
0x23b: {  	s26 =	ssub.s32 s15, s26;
	s15 =	ssub.s32 s1, s18;
	s18 =	sld [smem:$0x771]  }
0x23c: {  	v25 =	vsel vm1, s9, v25;
	s9 =	sld [smem:$0x7A0]  }
0x23d: {  	s5 =	sld [smem:$0x774]  }
0x23e: {  	s1 =	sxor.u32 s18, s30;
	s30 =	sld [smem:$0x776]  }
0x23f: {  	s0 =	ssub.s32 s1, s18;
	s18 =	sld [smem:$0x775]  }
0x240: {  	[smem:$0x7C7] =	sst s0  }
0x241: {  	s0 =	sld [smem:$0x773]  }
0x242: {  	[smem:$0x7C1] =	sst s15  }
0x243: {  	s1 =	sxor.u32 s18, s30;
	s30 =	sld [smem:$0x778]  }
0x244: {  	s15 =	sxor.u32 s0, s5;
	s5 =	sld [smem:$0x77A]  }
0x245: {  	s0 =	ssub.s32 s15, s0;
	s15 =	ssub.s32 s1, s18;
	s18 =	sld [smem:$0x777]  }
0x246: {  	[smem:$0x7CA] =	sst s0  }
0x247: {  	s0 =	sld [smem:$0x779]  }
0x248: {  	[smem:$0x7D1] =	sst s15  }
0x249: {  	s1 =	sxor.u32 s18, s30;
	s30 =	sld [smem:$0x77C]  }
0x24a: {  	s15 =	ssub.s32 s1, s18;
	s11 =	sxor.u32 s0, s5;
	s18 =	sld [smem:$0x77B]  }
0x24b: {  	v25 =	vsel vm2, s2, v25;
	s5 =	ssub.s32 s11, s0;
	s0 =	sld [smem:$0x77D]  }
0x24c: {  	v25 =	vsel vm3, s3, v25;
	s11 =	sld [smem:$0x77E]  }
0x24d: {  	s3 =	sld [smem:$0x79E];
	v25 =	vsel vm4, s4, v25  }
0x24e: {  	v25 =	vsel vm5, s7, v25;
	s7 =	sld [smem:$0x7A7]  }
0x24f: {  	s1 =	sxor.u32 s18, s30;
	s19 =	sxor.u32 s0, s11;
	s11 =	sld [smem:$0x77F]  }
0x250: {  	s18 =	ssub.s32 s1, s18;
	s1 =	sld [smem:$0x780]  }
0x251: {  	s23 =	ssub.s32 s19, s0;
	s0 =	sld [smem:$0x781]  }
0x252: {  	s19 =	sld [smem:$0x782]  }
0x253: {  	v25 =	vsel vm6, s10, v25;
	s10 =	sld [smem:$0x7B2]  }
0x254: {  	v25 =	vsel vm7, s13, v25;
	s13 =	sld [smem:$0x7B4]  }
0x255: {  	s30 =	sxor.u32 s11, s1;
	s1 =	sxor.u32 s0, s19;
	s19 =	sld [smem:$0x784]  }
0x256: {  	s12 =	ssub.s32 s30, s11;
	s30 =	ssub.s32 s1, s0;
	s1 =	sld [smem:$0x783]  }
0x257: {  	v25 =	vsel vm8, s22, v25;
	s22 =	sld [smem:$0x7BC]  }
0x258: {  	v25 =	vsel vm9, s24, v25;
	s24 =	sld [smem:$0x7BD]  }
0x259: {  	s0 =	sxor.u32 s1, s19;
	s19 =	sld [smem:$0x787]  }
0x25a: {  	s14 =	ssub.s32 s0, s1;
	s1 =	sld [smem:$0x786]  }
0x25b: {  	v25 =	vsel vm10, s26, v25;
	s26 =	sld [smem:$0x7C3];
	v26 =	vmov s5  }
0x25c: {  	v26 =	vsel vm0, s15, v26;
	s15 =	sld [smem:$0x7C0]  }
0x25d: {  	s0 =	sxor.u32 s1, s19;
	s19 =	sld [smem:$0x788]  }
0x25e: {  	v26 =	vsel vm1, s18, v26;
	s18 =	sld [smem:$0x7C6]  }
0x25f: {  	v26 =	vsel vm2, s23, v26;
	s23 =	sld [smem:$0x7CD]  }
0x260: {  	v26 =	vsel vm3, s12, v26;
	s11 =	sxor.u32 s19, s29;
	s29 =	sld [smem:$0x78A]  }
0x261: {  	v26 =	vsel vm4, s30, v26;
	s30 =	sld [smem:$0x7D0]  }
0x262: {  	s16 =	ssub.s32 s0, s1;
	s1 =	sld [smem:$0x78B]  }
0x263: {  	v23 =	vsel vm4, s29, v23;
	s29 =	ssub.s32 s11, s19;
	s11 =	sld [smem:$0x78C]  }
0x264: {  	v26 =	vsel vm5, s14, v26;
	s19 =	sld [smem:$0x78D]  }
0x265: {  	v26 =	vsel vm6, s16, v26;
	s16 =	sld [smem:$0x7D8]  }
0x266: {  	s0 =	sxor.u32 s1, s11;
	s11 =	sld [smem:$0x78F]  }
0x267: {  	v23 =	vsel vm5, s19, v23;
	s19 =	sld [smem:$0x792]  }
0x268: {  	s0 =	ssub.s32 s0, s1;
	s1 =	sld [smem:$0x78E]  }
0x269: {  	[smem:$0x7DC] =	sst s0  }
0x26a: {  	v23 =	vsel vm6, s19, v23;
	s19 =	sld [smem:$0x795]  }
0x26b: {  	s0 =	sxor.u32 s1, s11;
	s11 =	sld [smem:$0x790]  }
0x26c: {  	v26 =	vsel vm7, s29, v26;
	s29 =	sld [smem:$0x7E0]  }
0x26d: {  	v23 =	vsel vm7, s19, v23;
	s19 =	sld [smem:$0x799]  }
0x26e: {  	s8 =	sxor.u32 s11, s17;
	s17 =	sld [smem:$0x794]  }
0x26f: {  	v23 =	vsel vm8, s20, v23;
	s20 =	sld [smem:$0x79D]  }
0x270: {  	s8 =	ssub.s32 s8, s11;
	s11 =	sld [smem:$0x793]  }
0x271: {  	[smem:$0x7E1] =	sst s8  }
0x272: {  	s8 =	sld [smem:$0x796]  }
0x273: {  	v23 =	vsel vm9, s20, v23;
	s20 =	sld [smem:$0x7A4]  }
0x274: {  	s28 =	ssub.s32 s0, s1;
	s0 =	sxor.u32 s11, s17;
	s17 =	sld [smem:$0x798]  }
0x275: {  	s0 =	ssub.s32 s0, s11;
	s11 =	sld [smem:$0x797]  }
0x276: {  	[smem:$0x7E4] =	sst s0  }
0x277: {  	s1 =	sxor.u32 s17, s19;
	s19 =	sld [smem:$0x79C]  }
0x278: {  	s0 =	sxor.u32 s8, s11;
	s11 =	ssub.s32 s1, s17;
	s17 =	sld [smem:$0x79B]  }
0x279: {  	[smem:$0x7EA] =	sst s11  }
0x27a: {  	s21 =	ssub.s32 s0, s8;
	s8 =	sld [smem:$0x79F]  }
0x27b: {  	s11 =	sld [smem:$0x7A1]  }
0x27c: {  	s0 =	sxor.u32 s17, s19;
	s19 =	sld [smem:$0x7A3]  }
0x27d: {  	s25 =	ssub.s32 s0, s17;
	s17 =	sld [smem:$0x7A2]  }
0x27e: {  	s1 =	sxor.u32 s9, s11;
	s11 =	sld [smem:$0x7A8]  }
0x27f: {  	s1 =	ssub.s32 s1, s9;
	s9 =	sld [smem:$0x7AC]  }
0x280: {  	s0 =	sxor.u32 s3, s8;
	s2 =	sxor.u32 s19, s20;
	s20 =	sld [smem:$0x7AA]  }
0x281: {  	s0 =	ssub.s32 s0, s3;
	v23 =	vsel vm10, s17, v23;
	s17 =	sld [smem:$0x7A9]  }
0x282: {  	v24 =	vsel vm8, s6, v24;
	v27 =	vmov s1;
	s6 =	ssub.s32 s2, s19;
	s2 =	sxor.u32 s7, s11;
	s11 =	sld [smem:$0x7AD]  }
0x283: {  	v27 =	vsel vm0, s0, v27;
	v23 =	vsel vm11, s31, v23;
	s31 =	sld [smem:$0x7AB]  }
0x284: {  	s19 =	ssub.s32 s2, s7;
	s7 =	sld [smem:$0x7B1];
	v27 =	vsel vm1, s6, v27  }
0x285: {  	v27 =	vsel vm2, s19, v27;
	s19 =	sld [smem:$0x7DA]  }
0x286: {  	s3 =	sxor.u32 s17, s20;
	s20 =	sld [smem:$0x7AF]  }
0x287: {  	s8 =	ssub.s32 s3, s17;
	s17 =	sld [smem:$0x7AE]  }
0x288: {  	v23 =	vsel vm12, s31, v23;
	s31 =	sld [smem:$0x7B0]  }
0x289: {  	v23 =	vsel vm13, s20, v23;
	s20 =	sld [smem:$0x7B6]  }
0x28a: {  	v24 =	vsel vm9, s9, v24;
	s2 =	sxor.u32 s11, s17;
	s17 =	sld [smem:$0x7B5]  }
0x28b: {  	v24 =	vsel vm10, s31, v24;
	s31 =	sld [smem:$0x7B7]  }
0x28c: {  	s9 =	ssub.s32 s2, s11;
	s11 =	sld [smem:$0x7B3]  }
0x28d: {  	s2 =	sxor.u32 s7, s10;
	s10 =	sld [smem:$0x7B8]  }
0x28e: {  	v23 =	vsel vm14, s17, v23;
	s17 =	sld [smem:$0x7BB]  }
0x28f: {  	s3 =	sxor.u32 s11, s13;
	s13 =	sld [smem:$0x7BA]  }
0x290: {  	v24 =	vsel vm11, s20, v24;
	s20 =	ssub.s32 s3, s11;
	s11 =	sld [smem:$0x7B9]  }
0x291: {  	s4 =	ssub.s32 s2, s7;
	s3 =	sxor.u32 s22, s24;
	s24 =	sld [smem:$0x7C2]  }
0x292: {  	s2 =	sxor.u32 s31, s10;
	s10 =	ssub.s32 s3, s22;
	s22 =	sld [smem:$0x7C1]  }
0x293: {  	v24 =	vsel vm12, s11, v24;
	s11 =	ssub.s32 s2, s31;
	s31 =	sld [smem:$0x7BE]  }
0x294: {  	s2 =	sxor.u32 s13, s17;
	s3 =	sxor.u32 s24, s26;
	s26 =	sld [smem:$0x7C9]  }
0x295: {  	s17 =	ssub.s32 s2, s13;
	s13 =	sld [smem:$0x7BF]  }
0x296: {  	v25 =	vsel vm11, s22, v25;
	s22 =	sld [smem:$0x7C7]  }
0x297: {  	v24 =	vsel vm13, s31, v24;
	s31 =	sld [smem:$0x7C4]  }
0x298: {  	s2 =	sxor.u32 s13, s15;
	s15 =	sld [smem:$0x7C5]  }
0x299: {  	s7 =	ssub.s32 s3, s24;
	s24 =	sld [smem:$0x7C8]  }
0x29a: {  	v24 =	vsel vm14, s18, v24;
	s18 =	sld [smem:$0x7CB]  }
0x29b: {  	v25 =	vsel vm12, s22, v25;
	s22 =	sld [smem:$0x7CC];
	s5 =	sxor.u32 s31, s15  }
0x29c: {  	s3 =	ssub.s32 s5, s31;
	s31 =	sld [smem:$0x7CA]  }
0x29d: {  	s5 =	sxor.u32 s24, s26;
	s26 =	sld [smem:$0x7CF]  }
0x29e: {  	s1 =	ssub.s32 s5, s24;
	s24 =	sld [smem:$0x7CE]  }
0x29f: {  	s5 =	sxor.u32 s18, s22;
	s22 =	sld [smem:$0x7D2]  }
0x2a0: {  	v25 =	vsel vm13, s31, v25;
	s31 =	sld [smem:$0x7D1]  }
0x2a1: {  	s12 =	sxor.u32 s23, s24;
	s24 =	sld [smem:$0x7D4]  }
0x2a2: {  	s0 =	ssub.s32 s5, s18;
	s5 =	ssub.s32 s12, s23;
	s23 =	sld [smem:$0x7D3]  }
0x2a3: {  	s12 =	sxor.u32 s26, s30;
	s30 =	sld [smem:$0x7D6]  }
0x2a4: {  	s18 =	ssub.s32 s12, s26;
	s26 =	sld [smem:$0x7D5]  }
0x2a5: {  	v25 =	vsel vm14, s31, v25;
	s31 =	sld [smem:$0x7D7]  }
0x2a6: {  	v28 =	vmov s18;
	s18 =	sld [smem:$0x7D9]  }
0x2a7: {  	s12 =	sxor.u32 s22, s23;
	s23 =	sld [smem:$0x7DC]  }
0x2a8: {  	s14 =	ssub.s32 s12, s22;
	s22 =	sld [smem:$0x7DB]  }
0x2a9: {  	v27 =	vsel vm3, s8, v27;
	s2 =	ssub.s32 s2, s13;
	s13 =	sxor.u32 s24, s26;
	s26 =	sld [smem:$0x7DE]  }
0x2aa: {  	v27 =	vsel vm4, s9, v27;
	s12 =	sxor.u32 s30, s31;
	s31 =	sld [smem:$0x7E1]  }
0x2ab: {  	(v2sf) =	vpush v22, $0xB;
	v46 =	vsel vm5, s4, v27;
	s13 =	ssub.s32 s13, s24;
	s24 =	sld [smem:$0x7DD]  }
0x2ac: {  	(v2sf) =	vpush v22, $0xC;
	v45 =	vsel vm8, s23, v26;
	v26 =	vsel vm6, s20, v46;
	s20 =	sld [smem:$0x7E3]  }
0x2ad: {  	(v2sf) =	vpush v22, $0xD;
	s23 =	sld [smem:$0x7E5]  }
0x2ae: {  	(v2sf) =	vpush v22, $0xE;
	v28 =	vsel vm0, s5, v28;
	v22 =	vsel vm9, s28, v45;
	s28 =	sld [smem:$0x7DF]  }
0x2af: {  	s6 =	ssub.s32 s12, s30;
	v47 =	vsel vm1, s14, v28;
	s5 =	sxor.u32 s19, s22;
	s22 =	sld [smem:$0x7E4]  }
0x2b0: {  	s8 =	sxor.u32 s16, s18;
	v27 =	vsel vm2, s13, v47;
	v26 =	vsel vm7, s11, v26;
	s14 =	ssub.s32 s5, s19;
	s19 =	sld [smem:$0x7E2]  }
0x2b1: {  	s9 =	ssub.s32 s8, s16;
	v27 =	vsel vm3, s6, v27;
	s4 =	sxor.u32 s24, s26;
	v26 =	vsel vm8, s17, v26;
	s17 =	sld [smem:$0x7EE]  }
0x2b2: {  	s12 =	spop (drf);
	v27 =	vsel vm4, s9, v27;
	s13 =	ssub.s32 s4, s24;
	s24 =	sld [smem:$0x7E6]  }
0x2b3: {  	s8 =	spop (drf);
	v27 =	vsel vm5, s14, v27;
	s14 =	rddreg [dreg:$0x11]  }
0x2b4: {  	s5 =	spop (drf);
	s30 =	sxor.u32 s28, s29;
	s29 =	sld [smem:$0x7E8]  }
0x2b5: {  	s4 =	spop (drf);
	s6 =	ssub.s32 s30, s28;
	s28 =	sld [smem:$0x7E7]  }
0x2b6: {  	s15 =	spop (drf);
	s11 =	sxor.u32 s19, s20;
	s30 =	sld [smem:$0x7E9]  }
0x2b7: {  	s9 =	ssub.s32 s11, s19;
	s11 =	sxor.u32 s23, s24;
	s19 =	sld [smem:$0x7EA]  }
0x2b8: {  	v22 =	vsel vm10, s31, v22;
	v26 =	vsel vm9, s10, v26;
	s26 =	spop (drf);
	s10 =	ssub.s32 s11, s23;
	s23 =	sld [smem:$0x7EB]  }
0x2b9: {  	v22 =	vsel vm11, s22, v22;
	v26 =	vsel vm10, s2, v26;
	s22 =	spop (drf);
	s11 =	sxor.u32 s28, s29;
	s31 =	sxor.u32 s30, s26  }
0x2ba: {  	v22 =	vsel vm12, s21, v22;
	v26 =	vsel vm11, s7, v26;
	s20 =	ssub.s32 s11, s28;
	s21 =	ssub.s32 s31, s30;
	s28 =	spop (drf)  }
0x2bb: {  	v27 =	vsel vm6, s13, v27;
	v26 =	vsel vm12, s3, v26;
	v22 =	vsel vm13, s19, v22;
	s31 =	spop (v2sf);
	s11 =	sld [smem:$0x7ED];
	s24 =	sxor.u32 s23, s15  }
0x2bc: {  	v27 =	vsel vm7, s6, v27;
	v26 =	vsel vm13, s1, v26;
	v22 =	vsel vm14, s25, v22;
	s25 =	sld [smem:$0x7EC];
	s15 =	spop (drf);
	s1 =	sshra.s32 s31, $0x1F  }
0x2bd: {  	v27 =	vsel vm8, s9, v27;
	v48 =	vmov s21;
	s21 =	spop (v2sf);
	s29 =	ssub.s32 s24, s23;
	s18 =	sxor.u32 s17, s15  }
0x2be: {  	v27 =	vsel vm9, s10, v27;
	s19 =	sxor.u32 s1, s31;
	s23 =	spop (drf);
	s24 =	sld [smem:$0x7EF]  }
0x2bf: {  	v27 =	vsel vm10, s20, v27;
	s2 =	sshra.s32 s21, $0x1F;
	s20 =	ssub.s32 s18, s17;
	s17 =	sld [smem:$0x7F4]  }
0x2c0: {  	s13 =	sxor.u32 s11, s28;
	s28 =	sxor.u32 s2, s21;
	s21 =	sld [smem:$0x7F6]  }
0x2c1: {  	s26 =	sxor.u32 s25, s22;
	s16 =	ssub.s32 s13, s11;
	s13 =	sld [smem:$0x7F3]  }
0x2c2: {  	v21 =	vshll.u32 v21, $0x3;
	v28 =	vsel vm0, s29, v48;
	s29 =	spop (drf);
	s30 =	ssub.s32 s26, s25;
	s26 =	sld [smem:$0x7F0]  }
0x2c3: {  	v21 =	vand.u32 $0xFFFFFFC0, v21;
	s22 =	ssub.s32 s19, s1;
	s15 =	spop (drf);
	s19 =	sld [smem:$0x7F5]  }
0x2c4: {  	v21 =	vor.u32 v3, v21;
	v23 =	vadd.s32 v20, v23;
	s3 =	ssub.s32 s28, s2;
	(drf) =	srem.u32 s22, s24;
	s25 =	spop (v2sf);
	v28 =	vsel vm1, s30, v28  }
0x2c5: {  	v29 =	vshll.u32 v23, $0x3;
	v26 =	vsel vm14, s0, v26;
	s18 =	spop (drf);
	s30 =	sld [smem:$0x7F1];
	v28 =	vsel vm2, s16, v28;
	s0 =	sxor.u32 s26, s23  }
0x2c6: {  	v23 =	vshll.u32 v23, $0x2;
	v29 =	vand.u32 $0xFFFFFFC0, v29;
	s31 =	spop (v2sf);
	s22 =	sxor.u32 s21, s12;
	v28 =	vsel vm3, s20, v28;
	s0 =	ssub.s32 s0, s26  }
0x2c7: {  	v23 =	vand.u32 $0x1C, v23;
	v24 =	vadd.s32 v20, v24;
	s7 =	sshra.s32 s31, $0x1F;
	s10 =	ssub.s32 s22, s21;
	v28 =	vsel vm4, s0, v28;
	s0 =	sld [smem:$0x7F2]  }
0x2c8: {  	v23 =	vor.u32 v29, v23;
	v50 =	vshll.u32 v24, $0x3;
	v25 =	vadd.s32 v20, v25;
	s9 =	sxor.u32 s7, s31;
	s20 =	spop (drf);
	s31 =	sld [smem:$0x7FA]  }
0x2c9: {  	v24 =	vshll.u32 v24, $0x2;
	v51 =	vshll.u32 v25, $0x3;
	v25 =	vshll.u32 v25, $0x2;
	(drf) =	srem.u32 s3, s30;
	s3 =	sshra.s32 s25, $0x1F;
	s23 =	spop (drf)  }
0x2ca: {  	v23 =	vor.u32 $0x1, v23;
	v24 =	vand.u32 $0x1C, v24;
	v25 =	vand.u32 $0x1C, v25;
	s30 =	sld [smem:$0x7F9];
	s11 =	sxor.u32 s3, s25;
	s6 =	sxor.u32 s0, s29  }
0x2cb: {  	v30 =	vor.u32 s14, v1;
	v31 =	vor.u32 s14, v5;
	v53 =	vor.u32 s14, v6;
	s25 =	sld [smem:$0x7F7];
	s0 =	ssub.s32 s6, s0;
	s6 =	ssub.s32 s11, s3  }
0x2cc: {  	v54 =	vor.u32 s14, v7;
	v33 =	vor.u32 s14, v8;
	v56 =	vor.u32 s14, v9;
	s16 =	ssub.s32 s9, s7;
	s26 =	sld [smem:$0x7F8];
	(drf) =	srem.u32 s6, s13  }
0x2cd: {  	v59 =	vor.u32 s14, v10;
	v49 =	vand.u32 v4, v30;
	v30 =	vand.u32 $0xFFFFFFC0, v50;
	s24 =	spop (drf);
	s9 =	sxor.u32 s31, s20;
	(drf) =	srem.u32 s16, s17  }
0x2ce: {  	v24 =	vor.u32 v30, v24;
	v30 =	vand.u32 $0xFFFFFFC0, v51;
	v27 =	vsel vm11, s10, v27;
	s5 =	sxor.u32 s30, s5;
	s10 =	ssub.s32 s9, s31;
	s8 =	sxor.u32 s25, s8  }
0x2cf: {  	v60 =	vor.u32 s14, v11;
	v25 =	vor.u32 v30, v25;
	s5 =	ssub.s32 s5, s30;
	v28 =	vsel vm5, s0, v28;
	s0 =	sxor.u32 s19, s15;
	s15 =	sld [smem:$0x7FB]  }
0x2d0: {  	v24 =	vor.u32 $0x2, v24;
	v25 =	vor.u32 $0x3, v25;
	v26 =	vadd.s32 v20, v26;
	s6 =	sxor.u32 s26, s18;
	s0 =	ssub.s32 s0, s19;
	s19 =	sld [smem:$0x7FD]  }
0x2d1: {  	v34 =	vshll.u32 v26, $0x3;
	v26 =	vshll.u32 v26, $0x2;
	s28 =	spop (drf);
	s6 =	ssub.s32 s6, s26;
	s17 =	sld [smem:$0x7FC];
	v28 =	vsel vm6, s0, v28  }
0x2d2: {  	v22 =	vadd.s32 v20, v22;
	v34 =	vand.u32 $0xFFFFFFC0, v34;
	s8 =	ssub.s32 s8, s25;
	s20 =	sxor.u32 s1, s28;
	v28 =	vsel vm7, s6, v28;
	s16 =	sxor.u32 s15, s23  }
0x2d3: {  	v26 =	vand.u32 $0x1C, v26;
	v32 =	vshll.u32 v22, $0x3;
	s22 =	ssub.s32 s20, s1;
	v28 =	vsel vm8, s10, v28;
	s18 =	ssub.s32 s16, s15;
	s0 =	sxor.u32 s19, s24  }
0x2d4: {  	v22 =	vshll.u32 v22, $0x2;
	v26 =	vor.u32 v34, v26;
	s29 =	spop (drf);
	s4 =	sxor.u32 s17, s4;
	v28 =	vsel vm9, s18, v28;
	s0 =	ssub.s32 s0, s19  }
0x2d5: {  	v52 =	vand.u32 $0xFFFFFFC0, v32;
	v27 =	vsel vm12, s8, v27;
	s23 =	sxor.u32 s2, s29;
	s4 =	ssub.s32 s4, s17;
	v28 =	vsel vm10, s0, v28;
	s21 =	spop (drf)  }
0x2d6: {  	v22 =	vand.u32 $0x1C, v22;
	v27 =	vsel vm13, s5, v27;
	s24 =	ssub.s32 s23, s2;
	v28 =	vsel vm11, s22, v28;
	s25 =	sxor.u32 s3, s21;
	s26 =	spop (drf)  }
0x2d7: {  	v62 =	vor.u32 $0x21, v26;
	v27 =	vsel vm14, s4, v27;
	v28 =	vsel vm12, s24, v28;
	s28 =	ssub.s32 s25, s3;
	s3 =	simm.s32 $0x120;
	s29 =	sxor.u32 s7, s26  }
0x2d8: {  	v22 =	vor.u32 v52, v22;
	v27 =	vadd.s32 v20, v27;
	[tilespmem:v49+s3+$0x0] =	vst.idx.msk $0xffff, v21;
	v28 =	vsel vm13, s28, v28;
	s30 =	ssub.s32 s29, s7  }
0x2d9: {  	v22 =	vor.u32 $0x20, v22;
	v55 =	vshll.u32 v27, $0x3;
	[tilespmem:v31+s3+$0x0] =	vst.idx.msk $0xffff, v23;
	v28 =	vsel vm14, s30, v28  }
0x2da: {  	p1 =	sne.s32 s14, $0x380;
	v58 =	vshll.u32 v27, $0x2;
	v57 =	vand.u32 $0xFFFFFFC0, v55;
	[tilespmem:v53+s3+$0x0] =	vst.idx.msk $0xffff, v24;
	v20 =	vadd.s32 v20, v28  }
.Ltmp0:
0x2db: {  	v23 =	vand.u32 $0x1C, v58;
	[tilespmem:v54+s3+$0x0] =	vst.idx.msk $0xffff, v25;
	v61 =	vshll.u32 v20, $0x3;
	v20 =	vshll.u32 v20, $0x2;
	(pc) =	sbr.rel @p1 .LBB2_3-.Ltmp0, $4  }
0x2dc: {  	v23 =	vor.u32 v57, v23;
	[tilespmem:v33+s3+$0x0] =	vst.idx.msk $0xffff, v22;
	v25 =	vand.u32 $0xFFFFFFC0, v61;
	v20 =	vand.u32 $0x1C, v20  }
0x2dd: {  	v63 =	vor.u32 $0x22, v23;
	[tilespmem:v56+s3+$0x0] =	vst.idx.msk $0xffff, v62;
	v20 =	vor.u32 v25, v20  }
0x2de: {  	s31 =	rddreg [dreg:$0x12];
	[tilespmem:v59+s3+$0x0] =	vst.idx.msk $0xffff, v63;
	v20 =	vor.u32 $0x23, v20  }
0x2df: {  	s14 =	sadd.s32 $0x80, s14;
	s6 =	simm.s32 $0x0;
	s2 =	sadd.s32 $0x10, s31;
	[tilespmem:v60+s3+$0x0] =	vst.idx.msk $0xffff, v20  }
0x2e0: {  	s0 =	rddreg [dreg:$0x0];
	s1 =	simm.s32 $0x400;
	s2 =	simm.s32 $0x920  }
0x2e1: {  	[tilespmem:s2], [sflag:$0x1] =	stream.indirect.gather [hbm4b:s0+s1], $0x20, s3, s1, $0xb8;
	[tilespmem:$0x10920] =	vst v63  }
0x2e2: {  	s0 =	simm.s32 @!p0 $0x2  }
0x2e3: {  	_ =	swait.ge @!p0 [sflag:s0], $0x8000  }
0x2e4: {  	s1 =	rddreg [dreg:$0x5]  }
0x2e5: {  	s2 =	rddreg [dreg:$0x10]  }
0x2e6: {  	[sflag:s0] =	ssyncset.done @!p0 $0x0;
	s1 =	sadd.s32 @!p0 s2, s1  }
0x2e7: {  	[sflag:s0] =	ssyncadd.s32 @!p0 $0xFFFF8000;
	s1 =	sshll.u32 @!p0 s1, $0xC  }
0x2e8: {  	s0 =	sand.u32 @!p0 $0x1FFFF000, s1;
	s1 =	rddreg [dreg:$0x2]  }
0x2e9: {  	s2 =	simm.s32 @!p0 $0x8920;
	s0 =	sadd.s32 @!p0 s1, s0;
	s1 =	simm.s32 @!p0 $0x0  }
0x2ea: {  	[hbm4b:s0+s1] =	stream.linear.scatter @!p0 [tilespmem:s2], [sflag:$0x4], $0x8000, $0x38;
	[tilespmem:$0x10920] =	vst v63  }
0x2eb: {  	s14 =	simm.s32 $0x0;
	s0 =	rddreg [dreg:$0xf]  }
.LBB2_5:
0x2ec: {  	v20 =	vld.idx.msk [tilespmem:v2+s6+$0x0], $0xffff;
	_ =	sdelay $0x3  }
0x2ed: {  	v21 =	vor.u32 s0, v0  }
0x2ee: {  	vm15 =	vgt.s32 v20, v21  }
0x2ef: {  	v20 =	vsel vm15, $0x0, v2  }
0x2f0: {  	v22 =	vor.u32 $0x40, v20;
	_ =	sdelay $0x4  }
0x2f1: {  	v23 =	vld.idx.msk [tilespmem:v22+s6+$0x0], $0xffff;
	_ =	sdelay $0x4  }
0x2f2: {  	vm15 =	vgt.s32 v23, v21  }
0x2f3: {  	v20 =	vsel vm15, v20, v22  }
0x2f4: {  	v22 =	vor.u32 $0x20, v20;
	_ =	sdelay $0x4  }
0x2f5: {  	v31 =	vld.idx.msk [tilespmem:v22+s6+$0x0], $0xffff;
	_ =	sdelay $0x4  }
0x2f6: {  	vm15 =	vgt.s32 v31, v21  }
0x2f7: {  	v20 =	vsel vm15, v20, v22  }
0x2f8: {  	v22 =	vor.u32 $0x10, v20;
	_ =	sdelay $0x4  }
0x2f9: {  	v32 =	vld.idx.msk [tilespmem:v22+s6+$0x0], $0xffff;
	_ =	sdelay $0x4  }
0x2fa: {  	vm15 =	vgt.s32 v32, v21  }
0x2fb: {  	v20 =	vsel vm15, v20, v22  }
0x2fc: {  	v22 =	vadd.s32 $0x8, v20;
	_ =	sdelay $0x4  }
0x2fd: {  	v33 =	vld.idx.msk [tilespmem:v22+s6+$0x0], $0xffff;
	_ =	sdelay $0x4  }
0x2fe: {  	vm15 =	vgt.s32 v33, v21  }
0x2ff: {  	v20 =	vsel vm15, v20, v22  }
0x300: {  	v22 =	vadd.s32 $0x4, v20;
	_ =	sdelay $0x4  }
0x301: {  	v34 =	vld.idx.msk [tilespmem:v22+s6+$0x0], $0xffff;
	_ =	sdelay $0x4  }
0x302: {  	vm15 =	vgt.s32 v34, v21  }
0x303: {  	v20 =	vsel vm15, v20, v22  }
0x304: {  	v22 =	vadd.s32 $0x2, v20;
	_ =	sdelay $0x4  }
0x305: {  	v35 =	vld.idx.msk [tilespmem:v22+s6+$0x0], $0xffff;
	_ =	sdelay $0x4  }
0x306: {  	vm15 =	vgt.s32 v35, v21  }
0x307: {  	v20 =	vsel vm15, v20, v22  }
0x308: {  	v22 =	vadd.s32 $0x1, v20;
	_ =	sdelay $0x4  }
0x309: {  	v36 =	vld.idx.msk [tilespmem:v22+s6+$0x0], $0xffff;
	_ =	sdelay $0x4  }
0x30a: {  	vm15 =	vgt.s32 v36, v21  }
0x30b: {  	v20 =	vsel vm15, v20, v22  }
0x30c: {  	v22 =	vadd.s32 $0x1, v20;
	_ =	sdelay $0x3  }
0x30d: {  	v20 =	vld.idx.msk [tilespmem:v20+s6+$0x0], $0xffff  }
0x30e: {  	v22 =	vld.idx.msk [tilespmem:v22+s6+$0x0], $0xffff;
	_ =	sdelay $0x4  }
0x30f: {  	v38 =	vsub.s32 v21, v20;
	v37 =	vsub.s32 v22, v20  }
0x310: {  	v24 =	vadd.s32 $0x1, v38;
	(v2sf) =	vpush v37, $0x0  }
0x311: {  	(v2sf) =	vpush v24, $0x0;
	_ =	sdelay $0x1  }
0x312: {  	(v2sf) =	vpush v37, $0xF  }
0x313: {  	(v2sf) =	vpush v24, $0xF  }
0x314: {  	(v2sf) =	vpush v37, $0x1;
	_ =	sdelay $0x1  }
0x315: {  	(v2sf) =	vpush v24, $0x1  }
0x316: {  	(v2sf) =	vpush v37, $0x2;
	_ =	sdelay $0x1  }
0x317: {  	(v2sf) =	vpush v24, $0x2  }
0x318: {  	(v2sf) =	vpush v37, $0x3;
	_ =	sdelay $0x1  }
0x319: {  	(v2sf) =	vpush v24, $0x3;
	_ =	sdelay $0x1  }
0x31a: {  	s5 =	spop (v2sf);
	(v2sf) =	vpush v37, $0x4  }
0x31b: {  	[dreg:$0x13] =	wrdreg s14;
	s1 =	sshra.s32 s5, $0x1F;
	s2 =	spop (v2sf)  }
0x31c: {  	[dreg:$0xf] =	wrdreg s0;
	(v2sf) =	vpush v24, $0x4;
	s0 =	sxor.u32 s1, s5;
	s15 =	sshra.s32 s2, $0x1F  }
0x31d: {  	s7 =	spop (v2sf);
	(v2sf) =	vpush v37, $0x5;
	s23 =	ssub.s32 s0, s1;
	s6 =	sxor.u32 s15, s2  }
0x31e: {  	s8 =	sshra.s32 s7, $0x1F;
	s3 =	spop (v2sf);
	(v2sf) =	vpush v24, $0x5;
	s0 =	ssub.s32 s6, s15  }
0x31f: {  	s9 =	sxor.u32 s8, s7;
	s16 =	sshra.s32 s3, $0x1F;
	s11 =	spop (v2sf)  }
0x320: {  	(v2sf) =	vpush v37, $0x6;
	(drf) =	srem.u32 s0, s23;
	s24 =	ssub.s32 s9, s8;
	s10 =	sxor.u32 s16, s3  }
0x321: {  	s12 =	sshra.s32 s11, $0x1F;
	s13 =	spop (v2sf);
	(v2sf) =	vpush v24, $0x6;
	s0 =	ssub.s32 s10, s16  }
0x322: {  	s14 =	sxor.u32 s12, s11;
	s17 =	sshra.s32 s13, $0x1F;
	s19 =	spop (v2sf)  }
0x323: {  	(v2sf) =	vpush v37, $0x7;
	(drf) =	srem.u32 s0, s24;
	s25 =	ssub.s32 s14, s12;
	s18 =	sxor.u32 s17, s13  }
0x324: {  	s20 =	sshra.s32 s19, $0x1F;
	s21 =	spop (v2sf);
	(v2sf) =	vpush v24, $0x7;
	s0 =	ssub.s32 s18, s17  }
0x325: {  	s22 =	sxor.u32 s20, s19;
	s18 =	sshra.s32 s21, $0x1F;
	s28 =	spop (v2sf);
	(v2sf) =	vpush v37, $0x8  }
0x326: {  	(drf) =	srem.u32 s0, s25;
	s6 =	ssub.s32 s22, s20;
	s26 =	sxor.u32 s18, s21  }
0x327: {  	s29 =	sshra.s32 s28, $0x1F;
	s30 =	spop (v2sf);
	(v2sf) =	vpush v24, $0x8;
	s0 =	ssub.s32 s26, s18  }
0x328: {  	s31 =	sxor.u32 s29, s28;
	s4 =	sshra.s32 s30, $0x1F;
	(drf) =	srem.u32 s0, s6  }
0x329: {  	[smem:$0x652] =	sst s4;
	s1 =	sxor.u32 s4, s30;
	s2 =	spop (v2sf)  }
0x32a: {  	s5 =	ssub.s32 s31, s29;
	s0 =	ssub.s32 s1, s4;
	(v2sf) =	vpush v37, $0x9;
	s3 =	sshra.s32 s2, $0x1F  }
0x32b: {  	(drf) =	srem.u32 s0, s5;
	s4 =	spop (v2sf);
	(v2sf) =	vpush v24, $0x9;
	s7 =	sxor.u32 s3, s2  }
0x32c: {  	s20 =	sshra.s32 s4, $0x1F;
	s9 =	spop (v2sf);
	(v2sf) =	vpush v37, $0xA;
	s7 =	ssub.s32 s7, s3  }
0x32d: {  	s8 =	sxor.u32 s20, s4;
	s10 =	sshra.s32 s9, $0x1F;
	s11 =	spop (v2sf)  }
0x32e: {  	(v2sf) =	vpush v24, $0xA;
	s0 =	ssub.s32 s8, s20;
	s12 =	sxor.u32 s10, s9;
	s21 =	sshra.s32 s11, $0x1F  }
0x32f: {  	s14 =	spop (v2sf);
	(v2sf) =	vpush v37, $0xB;
	(drf) =	srem.u32 s0, s7;
	s4 =	ssub.s32 s12, s10  }
0x330: {  	s13 =	sxor.u32 s21, s11;
	s19 =	sshra.s32 s14, $0x1F;
	s8 =	spop (v2sf)  }
0x331: {  	(v2sf) =	vpush v24, $0xB;
	s0 =	ssub.s32 s13, s21;
	s26 =	sxor.u32 s19, s14;
	s22 =	sshra.s32 s8, $0x1F  }
0x332: {  	s29 =	spop (v2sf);
	(v2sf) =	vpush v37, $0xC;
	(drf) =	srem.u32 s0, s4;
	s3 =	ssub.s32 s26, s19  }
0x333: {  	s28 =	sxor.u32 s22, s8;
	s30 =	sshra.s32 s29, $0x1F;
	s31 =	spop (v2sf)  }
0x334: {  	(v2sf) =	vpush v24, $0xC;
	s0 =	ssub.s32 s28, s22;
	s9 =	sshra.s32 s31, $0x1F;
	s11 =	spop (v2sf)  }
0x335: {  	s1 =	sxor.u32 s30, s29;
	(v2sf) =	vpush v37, $0xD;
	(drf) =	srem.u32 s0, s3;
	[smem:$0x657] =	sst s9  }
0x336: {  	s2 =	ssub.s32 s1, s30;
	s10 =	sxor.u32 s9, s31;
	s13 =	spop (v2sf)  }
0x337: {  	s12 =	sshra.s32 s11, $0x1F;
	s0 =	ssub.s32 s10, s9;
	s28 =	sshra.s32 s13, $0x1F  }
0x338: {  	(v2sf) =	vpush v24, $0xD;
	s14 =	sxor.u32 s12, s11;
	(drf) =	srem.u32 s0, s2;
	s19 =	sxor.u32 s28, s13  }
0x339: {  	s1 =	ssub.s32 s14, s12;
	s0 =	ssub.s32 s19, s28;
	s26 =	spop (v2sf)  }
0x33a: {  	(drf) =	srem.u32 s0, s1;
	(v2sf) =	vpush v37, $0xE;
	s29 =	sshra.s32 s26, $0x1F;
	s10 =	spop (v2sf)  }
0x33b: {  	s31 =	sxor.u32 s29, s26;
	s30 =	sshra.s32 s10, $0x1F;
	s9 =	spop (v2sf)  }
0x33c: {  	v39 =	vadd.s32 $0x2, v38;
	(v2sf) =	vpush v24, $0xE;
	s29 =	ssub.s32 s31, s29;
	s8 =	sxor.u32 s30, s10;
	s10 =	sshra.s32 s9, $0x1F  }
0x33d: {  	(v2sf) =	vpush v39, $0x0;
	s12 =	spop (v2sf);
	s0 =	ssub.s32 s8, s30;
	s13 =	sxor.u32 s10, s9  }
0x33e: {  	s11 =	sshra.s32 s12, $0x1F;
	s19 =	spop (v2sf);
	(drf) =	srem.u32 s0, s29  }
0x33f: {  	[dreg:$0x14] =	wrdreg s11;
	s0 =	ssub.s32 s13, s10;
	s14 =	sxor.u32 s11, s12  }
0x340: {  	s26 =	sshra.s32 s19, $0x1F;
	s31 =	spop (v2sf);
	s8 =	ssub.s32 s14, s11  }
0x341: {  	(v2sf) =	vpush v39, $0xF;
	s9 =	sxor.u32 s26, s19;
	s13 =	sshra.s32 s31, $0x1F;
	s12 =	spop (v2sf)  }
0x342: {  	(drf) =	srem.u32 s8, s0;
	[dreg:$0x16] =	wrdreg s13;
	s14 =	ssub.s32 s9, s26  }
0x343: {  	(v2sf) =	vpush v39, $0x1;
	s11 =	sxor.u32 s13, s31;
	s19 =	sshra.s32 s12, $0x1F;
	s26 =	spop (v2sf)  }
0x344: {  	s8 =	ssub.s32 s11, s13;
	s9 =	sshra.s32 s26, $0x1F;
	s11 =	spop (v2sf)  }
0x345: {  	(v2sf) =	vpush v39, $0x2;
	s31 =	sxor.u32 s19, s12;
	(drf) =	srem.u32 s8, s14;
	[dreg:$0x18] =	wrdreg s9  }
0x346: {  	s12 =	ssub.s32 s31, s19;
	s10 =	sxor.u32 s9, s26;
	s19 =	sshra.s32 s11, $0x1F  }
0x347: {  	s26 =	spop (v2sf);
	s8 =	ssub.s32 s10, s9;
	s13 =	smov.u32 s12  }
0x348: {  	(v2sf) =	vpush v39, $0x3;
	s9 =	sxor.u32 s19, s11;
	s31 =	sshra.s32 s26, $0x1F;
	(drf) =	srem.u32 s8, s12  }
0x349: {  	[dreg:$0x1b] =	wrdreg s31;
	s10 =	sxor.u32 s31, s26;
	s11 =	spop (v2sf)  }
0x34a: {  	(v2sf) =	vpush v39, $0x4;
	s12 =	ssub.s32 s9, s19;
	s8 =	ssub.s32 s10, s31;
	s19 =	sshra.s32 s11, $0x1F  }
0x34b: {  	(v2sf) =	vpush v39, $0x5;
	(drf) =	srem.u32 s8, s12;
	s10 =	spop (v2sf);
	s26 =	sxor.u32 s19, s11  }
0x34c: {  	s9 =	sshra.s32 s10, $0x1F;
	s11 =	ssub.s32 s26, s19;
	s19 =	spop (v2sf)  }
0x34d: {  	[dreg:$0x1d] =	wrdreg s9;
	s26 =	spop (drf)  }
0x34e: {  	s10 =	sxor.u32 s9, s10;
	[smem:$0x64D] =	sst s26;
	s31 =	sshra.s32 s19, $0x1F  }
0x34f: {  	s8 =	ssub.s32 s10, s9;
	s26 =	spop (drf);
	[dreg:$0x1f] =	wrdreg s31  }
0x350: {  	(v2sf) =	vpush v39, $0x6;
	(drf) =	srem.u32 s8, s11;
	s9 =	sxor.u32 s31, s19;
	s19 =	spop (v2sf)  }
0x351: {  	[smem:$0x64E] =	sst s26;
	s8 =	ssub.s32 s9, s31;
	s31 =	sshra.s32 s19, $0x1F  }
0x352: {  	(v2sf) =	vpush v39, $0x7;
	s26 =	spop (v2sf);
	[smem:$0x660] =	sst s31;
	s19 =	sxor.u32 s31, s19  }
0x353: {  	(drf) =	srem.u32 s8, s23;
	s8 =	ssub.s32 s19, s31;
	s19 =	sshra.s32 s26, $0x1F  }
0x354: {  	s10 =	spop (v2sf);
	[smem:$0x662] =	sst s19;
	s26 =	sxor.u32 s19, s26  }
0x355: {  	(drf) =	srem.u32 s8, s24;
	s8 =	ssub.s32 s26, s19;
	s19 =	spop (drf)  }
0x356: {  	(v2sf) =	vpush v39, $0x8;
	s26 =	sshra.s32 s10, $0x1F;
	[smem:$0x64F] =	sst s19  }
0x357: {  	s9 =	spop (v2sf);
	[smem:$0x664] =	sst s26;
	s19 =	sxor.u32 s26, s10  }
0x358: {  	(drf) =	srem.u32 s8, s25;
	s8 =	ssub.s32 s19, s26;
	s26 =	spop (drf)  }
0x359: {  	(v2sf) =	vpush v39, $0x9;
	s10 =	spop (v2sf);
	s19 =	sshra.s32 s9, $0x1F;
	[smem:$0x650] =	sst s26  }
0x35a: {  	[smem:$0x666] =	sst s19;
	s26 =	sxor.u32 s19, s9;
	s9 =	spop (v2sf)  }
0x35b: {  	(v2sf) =	vpush v39, $0xA;
	(drf) =	srem.u32 s8, s6;
	s8 =	ssub.s32 s26, s19;
	s19 =	spop (drf)  }
0x35c: {  	s26 =	sshra.s32 s10, $0x1F;
	s31 =	sshra.s32 s9, $0x1F;
	[smem:$0x651] =	sst s19  }
0x35d: {  	[smem:$0x668] =	sst s26;
	(drf) =	srem.u32 s8, s5;
	s19 =	sxor.u32 s26, s10  }
0x35e: {  	(v2sf) =	vpush v39, $0xB;
	[smem:$0x66A] =	sst s31;
	s8 =	ssub.s32 s19, s26;
	s26 =	spop (drf)  }
0x35f: {  	s10 =	spop (v2sf);
	s19 =	sxor.u32 s31, s9;
	[smem:$0x653] =	sst s26  }
0x360: {  	(v2sf) =	vpush v39, $0xC;
	s9 =	sshra.s32 s10, $0x1F;
	(drf) =	srem.u32 s8, s7;
	s26 =	spop (drf)  }
0x361: {  	(v2sf) =	vpush v39, $0xD;
	s8 =	ssub.s32 s19, s31;
	[smem:$0x66C] =	sst s9;
	s19 =	spop (v2sf)  }
0x362: {  	s10 =	sxor.u32 s9, s10;
	[smem:$0x654] =	sst s26;
	s31 =	spop (drf)  }
0x363: {  	(drf) =	srem.u32 s8, s4;
	s8 =	ssub.s32 s10, s9;
	[smem:$0x655] =	sst s31  }
0x364: {  	s26 =	spop (drf);
	s31 =	sshra.s32 s19, $0x1F;
	(drf) =	srem.u32 s8, s3  }
0x365: {  	[smem:$0x656] =	sst s26;
	s9 =	sxor.u32 s31, s19;
	s19 =	spop (v2sf)  }
0x366: {  	(v2sf) =	vpush v39, $0xE;
	[smem:$0x66E] =	sst s31;
	s26 =	spop (drf)  }
0x367: {  	v40 =	vadd.s32 $0x4, v38;
	s8 =	ssub.s32 s9, s31;
	[smem:$0x658] =	sst s26;
	s31 =	sshra.s32 s19, $0x1F  }
0x368: {  	(v2sf) =	vpush v40, $0x0;
	s26 =	spop (v2sf);
	[smem:$0x670] =	sst s31;
	s19 =	sxor.u32 s31, s19  }
0x369: {  	(drf) =	srem.u32 s8, s2;
	s8 =	ssub.s32 s19, s31;
	s19 =	sshra.s32 s26, $0x1F  }
0x36a: {  	s10 =	spop (v2sf);
	[smem:$0x672] =	sst s19;
	s26 =	sxor.u32 s19, s26  }
0x36b: {  	(drf) =	srem.u32 s8, s1;
	s8 =	ssub.s32 s26, s19;
	s19 =	spop (drf)  }
0x36c: {  	(v2sf) =	vpush v40, $0xF;
	s26 =	sshra.s32 s10, $0x1F;
	[smem:$0x659] =	sst s19  }
0x36d: {  	s9 =	spop (v2sf);
	[smem:$0x674] =	sst s26;
	s19 =	sxor.u32 s26, s10  }
0x36e: {  	(drf) =	srem.u32 s8, s29;
	s8 =	ssub.s32 s19, s26;
	s26 =	spop (drf)  }
0x36f: {  	(v2sf) =	vpush v40, $0x1;
	s10 =	spop (v2sf);
	s19 =	sshra.s32 s9, $0x1F;
	[smem:$0x65A] =	sst s26  }
0x370: {  	[smem:$0x676] =	sst s19;
	s26 =	sxor.u32 s19, s9;
	s9 =	spop (v2sf)  }
0x371: {  	(v2sf) =	vpush v40, $0x2;
	(drf) =	srem.u32 s8, s0;
	s8 =	ssub.s32 s26, s19;
	s19 =	spop (drf)  }
0x372: {  	s26 =	sshra.s32 s10, $0x1F;
	s31 =	sshra.s32 s9, $0x1F;
	[smem:$0x65B] =	sst s19  }
0x373: {  	[smem:$0x678] =	sst s26;
	(drf) =	srem.u32 s8, s14;
	s19 =	sxor.u32 s26, s10  }
0x374: {  	(v2sf) =	vpush v40, $0x3;
	[smem:$0x67A] =	sst s31;
	s8 =	ssub.s32 s19, s26;
	s26 =	spop (drf)  }
0x375: {  	s10 =	spop (v2sf);
	s19 =	sxor.u32 s31, s9;
	[smem:$0x65C] =	sst s26  }
0x376: {  	(v2sf) =	vpush v40, $0x4;
	s9 =	sshra.s32 s10, $0x1F;
	(drf) =	srem.u32 s8, s13;
	s26 =	spop (drf)  }
0x377: {  	(v2sf) =	vpush v40, $0x5;
	s8 =	ssub.s32 s19, s31;
	[smem:$0x67C] =	sst s9;
	s19 =	spop (v2sf)  }
0x378: {  	s10 =	sxor.u32 s9, s10;
	[smem:$0x65D] =	sst s26;
	s31 =	spop (drf)  }
0x379: {  	(drf) =	srem.u32 s8, s12;
	s8 =	ssub.s32 s10, s9;
	[smem:$0x65E] =	sst s31  }
0x37a: {  	s26 =	spop (drf);
	s31 =	sshra.s32 s19, $0x1F;
	(drf) =	srem.u32 s8, s11  }
0x37b: {  	[smem:$0x65F] =	sst s26;
	s9 =	sxor.u32 s31, s19;
	s19 =	spop (v2sf)  }
0x37c: {  	(v2sf) =	vpush v40, $0x6;
	[smem:$0x67E] =	sst s31;
	s26 =	spop (drf)  }
0x37d: {  	s8 =	ssub.s32 s9, s31;
	[smem:$0x661] =	sst s26;
	s31 =	sshra.s32 s19, $0x1F  }
0x37e: {  	(v2sf) =	vpush v40, $0x7;
	s26 =	spop (v2sf);
	[smem:$0x680] =	sst s31;
	s19 =	sxor.u32 s31, s19  }
0x37f: {  	(drf) =	srem.u32 s8, s23;
	s8 =	ssub.s32 s19, s31;
	s19 =	sshra.s32 s26, $0x1F  }
0x380: {  	s10 =	spop (v2sf);
	[smem:$0x682] =	sst s19;
	s26 =	sxor.u32 s19, s26  }
0x381: {  	(drf) =	srem.u32 s8, s24;
	s8 =	ssub.s32 s26, s19;
	s19 =	spop (drf)  }
0x382: {  	(v2sf) =	vpush v40, $0x8;
	s26 =	sshra.s32 s10, $0x1F;
	[smem:$0x663] =	sst s19  }
0x383: {  	s9 =	spop (v2sf);
	[smem:$0x684] =	sst s26;
	s19 =	sxor.u32 s26, s10  }
0x384: {  	(drf) =	srem.u32 s8, s25;
	s8 =	ssub.s32 s19, s26;
	s26 =	spop (drf)  }
0x385: {  	(v2sf) =	vpush v40, $0x9;
	s10 =	spop (v2sf);
	s19 =	sshra.s32 s9, $0x1F;
	[smem:$0x665] =	sst s26  }
0x386: {  	[smem:$0x686] =	sst s19;
	s26 =	sxor.u32 s19, s9;
	s9 =	spop (v2sf)  }
0x387: {  	(v2sf) =	vpush v40, $0xA;
	(drf) =	srem.u32 s8, s6;
	s8 =	ssub.s32 s26, s19;
	s19 =	spop (drf)  }
0x388: {  	s26 =	sshra.s32 s10, $0x1F;
	s31 =	sshra.s32 s9, $0x1F;
	[smem:$0x667] =	sst s19  }
0x389: {  	[smem:$0x688] =	sst s26;
	(drf) =	srem.u32 s8, s5;
	s19 =	sxor.u32 s26, s10  }
0x38a: {  	(v2sf) =	vpush v40, $0xB;
	[smem:$0x68A] =	sst s31;
	s8 =	ssub.s32 s19, s26;
	s26 =	spop (drf)  }
0x38b: {  	s10 =	spop (v2sf);
	s19 =	sxor.u32 s31, s9;
	[smem:$0x669] =	sst s26  }
0x38c: {  	(v2sf) =	vpush v40, $0xC;
	s9 =	sshra.s32 s10, $0x1F;
	(drf) =	srem.u32 s8, s7;
	s26 =	spop (drf)  }
0x38d: {  	(v2sf) =	vpush v40, $0xD;
	s8 =	ssub.s32 s19, s31;
	[smem:$0x68C] =	sst s9;
	s19 =	spop (v2sf)  }
0x38e: {  	s10 =	sxor.u32 s9, s10;
	[smem:$0x66B] =	sst s26;
	s31 =	spop (drf)  }
0x38f: {  	(drf) =	srem.u32 s8, s4;
	s8 =	ssub.s32 s10, s9;
	[smem:$0x66D] =	sst s31  }
0x390: {  	s26 =	spop (drf);
	s31 =	sshra.s32 s19, $0x1F;
	(drf) =	srem.u32 s8, s3  }
0x391: {  	[smem:$0x66F] =	sst s26;
	s9 =	sxor.u32 s31, s19;
	s19 =	spop (v2sf)  }
0x392: {  	(v2sf) =	vpush v40, $0xE;
	[smem:$0x68E] =	sst s31;
	s26 =	spop (drf)  }
0x393: {  	v41 =	vadd.s32 $0x8, v38;
	s8 =	ssub.s32 s9, s31;
	[smem:$0x671] =	sst s26;
	s31 =	sshra.s32 s19, $0x1F  }
0x394: {  	(v2sf) =	vpush v41, $0x0;
	s26 =	spop (v2sf);
	[smem:$0x690] =	sst s31;
	s19 =	sxor.u32 s31, s19  }
0x395: {  	(drf) =	srem.u32 s8, s2;
	s8 =	ssub.s32 s19, s31;
	s19 =	sshra.s32 s26, $0x1F  }
0x396: {  	s10 =	spop (v2sf);
	[smem:$0x692] =	sst s19;
	s26 =	sxor.u32 s19, s26  }
0x397: {  	(drf) =	srem.u32 s8, s1;
	s8 =	ssub.s32 s26, s19;
	s19 =	spop (drf)  }
0x398: {  	(v2sf) =	vpush v41, $0xF;
	s26 =	sshra.s32 s10, $0x1F;
	[smem:$0x673] =	sst s19  }
0x399: {  	s9 =	spop (v2sf);
	[smem:$0x694] =	sst s26;
	s19 =	sxor.u32 s26, s10  }
0x39a: {  	(drf) =	srem.u32 s8, s29;
	s8 =	ssub.s32 s19, s26;
	s26 =	spop (drf)  }
0x39b: {  	(v2sf) =	vpush v41, $0x1;
	s10 =	spop (v2sf);
	s19 =	sshra.s32 s9, $0x1F;
	[smem:$0x675] =	sst s26  }
0x39c: {  	[smem:$0x696] =	sst s19;
	s26 =	sxor.u32 s19, s9;
	s9 =	spop (v2sf)  }
0x39d: {  	(v2sf) =	vpush v41, $0x2;
	(drf) =	srem.u32 s8, s0;
	s8 =	ssub.s32 s26, s19;
	s19 =	spop (drf)  }
0x39e: {  	s26 =	sshra.s32 s10, $0x1F;
	s31 =	sshra.s32 s9, $0x1F;
	[smem:$0x677] =	sst s19  }
0x39f: {  	(v2sf) =	vpush v41, $0x3;
	[smem:$0x698] =	sst s26;
	(drf) =	srem.u32 s8, s14;
	s19 =	sxor.u32 s26, s10  }
0x3a0: {  	[smem:$0x69A] =	sst s31;
	s8 =	ssub.s32 s19, s26;
	s26 =	spop (drf)  }
0x3a1: {  	(v2sf) =	vpush v41, $0x4;
	s10 =	spop (v2sf);
	s19 =	sxor.u32 s31, s9;
	[smem:$0x679] =	sst s26  }
0x3a2: {  	s9 =	sshra.s32 s10, $0x1F;
	(drf) =	srem.u32 s8, s13;
	s26 =	spop (drf)  }
0x3a3: {  	s8 =	ssub.s32 s19, s31;
	[smem:$0x69C] =	sst s9;
	s19 =	spop (v2sf)  }
0x3a4: {  	(v2sf) =	vpush v41, $0x5;
	s10 =	sxor.u32 s9, s10;
	[smem:$0x67B] =	sst s26;
	s31 =	spop (drf)  }
0x3a5: {  	(drf) =	srem.u32 s8, s12;
	s8 =	ssub.s32 s10, s9;
	[smem:$0x67D] =	sst s31  }
0x3a6: {  	(v2sf) =	vpush v41, $0x6;
	s26 =	spop (drf);
	s31 =	sshra.s32 s19, $0x1F;
	(drf) =	srem.u32 s8, s11  }
0x3a7: {  	[smem:$0x67F] =	sst s26;
	s9 =	sxor.u32 s31, s19;
	s19 =	spop (v2sf)  }
0x3a8: {  	(v2sf) =	vpush v41, $0x7;
	[smem:$0x69E] =	sst s31;
	s26 =	spop (drf)  }
0x3a9: {  	s8 =	ssub.s32 s9, s31;
	[smem:$0x681] =	sst s26;
	s31 =	sshra.s32 s19, $0x1F  }
0x3aa: {  	s26 =	spop (v2sf);
	[smem:$0x6A0] =	sst s31;
	s19 =	sxor.u32 s31, s19  }
0x3ab: {  	(drf) =	srem.u32 s8, s23;
	s8 =	ssub.s32 s19, s31;
	s19 =	sshra.s32 s26, $0x1F  }
0x3ac: {  	s10 =	spop (v2sf);
	[smem:$0x6A2] =	sst s19;
	s26 =	sxor.u32 s19, s26  }
0x3ad: {  	(v2sf) =	vpush v41, $0x8;
	(drf) =	srem.u32 s8, s24;
	s8 =	ssub.s32 s26, s19;
	s19 =	spop (drf)  }
0x3ae: {  	s9 =	spop (v2sf);
	[smem:$0x683] =	sst s19  }
0x3af: {  	s19 =	sshra.s32 s10, $0x1F;
	(drf) =	srem.u32 s8, s25;
	s31 =	spop (drf)  }
0x3b0: {  	[smem:$0x6A4] =	sst s19;
	s26 =	sxor.u32 s19, s10;
	s10 =	spop (v2sf)  }
0x3b1: {  	(v2sf) =	vpush v41, $0x9;
	[smem:$0x685] =	sst s31;
	s8 =	ssub.s32 s26, s19;
	s26 =	sshra.s32 s9, $0x1F  }
0x3b2: {  	s31 =	sshra.s32 s10, $0x1F;
	[smem:$0x6A6] =	sst s26;
	(drf) =	srem.u32 s8, s6  }
0x3b3: {  	(v2sf) =	vpush v41, $0xA;
	s19 =	sxor.u32 s26, s9;
	s9 =	spop (v2sf);
	[smem:$0x6A8] =	sst s31  }
0x3b4: {  	s8 =	ssub.s32 s19, s26;
	s26 =	spop (drf);
	s19 =	sshra.s32 s9, $0x1F  }
0x3b5: {  	[smem:$0x687] =	sst s26;
	s26 =	sxor.u32 s31, s10;
	s10 =	spop (v2sf)  }
0x3b6: {  	(v2sf) =	vpush v41, $0xB;
	(drf) =	srem.u32 s8, s5;
	s8 =	ssub.s32 s26, s31;
	s31 =	spop (drf)  }
0x3b7: {  	[smem:$0x6AA] =	sst s19;
	s26 =	sxor.u32 s19, s9;
	s9 =	spop (v2sf)  }
0x3b8: {  	(v2sf) =	vpush v41, $0xC;
	[smem:$0x689] =	sst s31;
	s31 =	spop (drf)  }
0x3b9: {  	(v2sf) =	vpush v41, $0xD;
	(drf) =	srem.u32 s8, s7;
	s8 =	ssub.s32 s26, s19;
	[smem:$0x68B] =	sst s31  }
0x3ba: {  	s26 =	spop (drf);
	s31 =	sshra.s32 s10, $0x1F;
	(drf) =	srem.u32 s8, s4  }
0x3bb: {  	[smem:$0x68D] =	sst s26;
	s10 =	sxor.u32 s31, s10;
	s26 =	spop (drf)  }
0x3bc: {  	(v2sf) =	vpush v41, $0xE;
	[smem:$0x6AC] =	sst s31;
	s19 =	spop (v2sf);
	s8 =	ssub.s32 s10, s31  }
0x3bd: {  	v42 =	vadd.s32 $0x10, v38;
	[smem:$0x68F] =	sst s26;
	s31 =	sshra.s32 s9, $0x1F;
	s26 =	spop (drf)  }
0x3be: {  	(v2sf) =	vpush v42, $0x0;
	[smem:$0x6AE] =	sst s31;
	(drf) =	srem.u32 s8, s3;
	s9 =	sxor.u32 s31, s9  }
0x3bf: {  	[smem:$0x691] =	sst s26;
	s8 =	ssub.s32 s9, s31;
	s31 =	sshra.s32 s19, $0x1F  }
0x3c0: {  	[smem:$0x6B1] =	sst s31;
	s9 =	sxor.u32 s31, s19;
	s19 =	spop (v2sf)  }
0x3c1: {  	(drf) =	srem.u32 s8, s2;
	s8 =	ssub.s32 s9, s31;
	s26 =	sshra.s32 s19, $0x1F  }
0x3c2: {  	(v2sf) =	vpush v42, $0xF;
	s10 =	spop (v2sf);
	[smem:$0x6B4] =	sst s26;
	s31 =	sxor.u32 s26, s19  }
0x3c3: {  	(drf) =	srem.u32 s8, s1;
	s8 =	ssub.s32 s31, s26;
	s26 =	spop (drf)  }
0x3c4: {  	s31 =	sshra.s32 s10, $0x1F;
	[smem:$0x693] =	sst s26  }
0x3c5: {  	s9 =	spop (v2sf);
	[smem:$0x6B6] =	sst s31;
	s26 =	sxor.u32 s31, s10  }
0x3c6: {  	(drf) =	srem.u32 s8, s29;
	s8 =	ssub.s32 s26, s31;
	s31 =	spop (drf)  }
0x3c7: {  	(v2sf) =	vpush v42, $0x1;
	s10 =	spop (v2sf);
	s26 =	sshra.s32 s9, $0x1F;
	[smem:$0x695] =	sst s31  }
0x3c8: {  	[smem:$0x6B9] =	sst s26;
	s31 =	sxor.u32 s26, s9;
	s9 =	spop (v2sf)  }
0x3c9: {  	(v2sf) =	vpush v42, $0x2;
	(drf) =	srem.u32 s8, s0;
	s8 =	ssub.s32 s31, s26;
	s26 =	spop (drf)  }
0x3ca: {  	s31 =	sshra.s32 s10, $0x1F;
	s19 =	sshra.s32 s9, $0x1F;
	[smem:$0x697] =	sst s26  }
0x3cb: {  	[smem:$0x6BC] =	sst s31;
	s26 =	sxor.u32 s31, s10;
	s10 =	spop (v2sf)  }
0x3cc: {  	(v2sf) =	vpush v42, $0x3;
	(drf) =	srem.u32 s8, s14;
	s8 =	ssub.s32 s26, s31;
	s31 =	spop (drf)  }
0x3cd: {  	[smem:$0x6BE] =	sst s19;
	s26 =	sxor.u32 s19, s9;
	s9 =	spop (v2sf)  }
0x3ce: {  	(v2sf) =	vpush v42, $0x4;
	[smem:$0x699] =	sst s31;
	s31 =	spop (drf)  }
0x3cf: {  	(v2sf) =	vpush v42, $0x5;
	(drf) =	srem.u32 s8, s13;
	s8 =	ssub.s32 s26, s19;
	[smem:$0x69B] =	sst s31  }
0x3d0: {  	s26 =	spop (drf);
	s31 =	sshra.s32 s10, $0x1F;
	(drf) =	srem.u32 s8, s12  }
0x3d1: {  	s19 =	spop (v2sf);
	[smem:$0x69D] =	sst s26;
	s10 =	sxor.u32 s31, s10  }
0x3d2: {  	(v2sf) =	vpush v42, $0x6;
	[smem:$0x6C1] =	sst s31;
	s26 =	spop (drf);
	s8 =	ssub.s32 s10, s31  }
0x3d3: {  	[smem:$0x69F] =	sst s26;
	s31 =	sshra.s32 s9, $0x1F;
	s26 =	spop (drf)  }
0x3d4: {  	(v2sf) =	vpush v42, $0x7;
	[smem:$0x6C5] =	sst s31;
	(drf) =	srem.u32 s8, s11;
	s9 =	sxor.u32 s31, s9  }
0x3d5: {  	[smem:$0x6A1] =	sst s26;
	s8 =	ssub.s32 s9, s31;
	s31 =	sshra.s32 s19, $0x1F  }
0x3d6: {  	(v2sf) =	vpush v42, $0x8;
	[smem:$0x6C7] =	sst s31;
	s9 =	sxor.u32 s31, s19;
	s19 =	spop (v2sf)  }
0x3d7: {  	(drf) =	srem.u32 s8, s23;
	s8 =	ssub.s32 s9, s31;
	s26 =	sshra.s32 s19, $0x1F  }
0x3d8: {  	s10 =	spop (v2sf);
	[smem:$0x6CA] =	sst s26;
	s31 =	sxor.u32 s26, s19  }
0x3d9: {  	(drf) =	srem.u32 s8, s24;
	s8 =	ssub.s32 s31, s26;
	s26 =	spop (drf)  }
0x3da: {  	s31 =	sshra.s32 s10, $0x1F;
	[smem:$0x6A3] =	sst s26  }
0x3db: {  	s9 =	spop (v2sf);
	[smem:$0x6CE] =	sst s31;
	s26 =	sxor.u32 s31, s10  }
0x3dc: {  	(drf) =	srem.u32 s8, s25;
	s8 =	ssub.s32 s26, s31;
	s31 =	spop (drf)  }
0x3dd: {  	s10 =	spop (v2sf);
	s26 =	sshra.s32 s9, $0x1F;
	[smem:$0x6A5] =	sst s31  }
0x3de: {  	[smem:$0x6D0] =	sst s26;
	s31 =	sxor.u32 s26, s9;
	s9 =	spop (v2sf)  }
0x3df: {  	(drf) =	srem.u32 s8, s6;
	s8 =	ssub.s32 s31, s26;
	s26 =	spop (drf)  }
0x3e0: {  	s31 =	sshra.s32 s10, $0x1F;
	s19 =	sshra.s32 s9, $0x1F;
	[smem:$0x6A7] =	sst s26  }
0x3e1: {  	(v2sf) =	vpush v42, $0x9;
	[smem:$0x6D4] =	sst s31;
	s26 =	sxor.u32 s31, s10;
	s10 =	spop (v2sf)  }
0x3e2: {  	(drf) =	srem.u32 s8, s5;
	s8 =	ssub.s32 s26, s31;
	s31 =	spop (drf)  }
0x3e3: {  	(v2sf) =	vpush v42, $0xA;
	[smem:$0x6D8] =	sst s19;
	s26 =	sxor.u32 s19, s9;
	s9 =	spop (v2sf)  }
0x3e4: {  	[smem:$0x6A9] =	sst s31;
	s31 =	spop (drf)  }
0x3e5: {  	(v2sf) =	vpush v42, $0xB;
	(drf) =	srem.u32 s8, s7;
	s8 =	ssub.s32 s26, s19;
	s19 =	spop (v2sf)  }
0x3e6: {  	(v2sf) =	vpush v42, $0xC;
	[smem:$0x6AB] =	sst s31;
	s26 =	spop (drf)  }
0x3e7: {  	(v2sf) =	vpush v42, $0xD;
	s31 =	sshra.s32 s10, $0x1F;
	(drf) =	srem.u32 s8, s4;
	[smem:$0x6AD] =	sst s26  }
0x3e8: {  	v43 =	vadd.s32 $0x20, v38;
	(v2sf) =	vpush v42, $0xE;
	[smem:$0x6DA] =	sst s31;
	s10 =	sxor.u32 s31, s10;
	s26 =	spop (drf)  }
0x3e9: {  	(v2sf) =	vpush v43, $0x0;
	s8 =	ssub.s32 s10, s31;
	[smem:$0x6AF] =	sst s26;
	s31 =	sshra.s32 s9, $0x1F  }
0x3ea: {  	(v2sf) =	vpush v43, $0xF;
	[smem:$0x6DE] =	sst s31;
	(drf) =	srem.u32 s8, s3  }
0x3eb: {  	s26 =	spop (drf);
	[smem:$0x718] =	sst s14  }
0x3ec: {  	[smem:$0x71A] =	sst s13  }
0x3ed: {  	[smem:$0x71C] =	sst s12  }
0x3ee: {  	s9 =	sxor.u32 s31, s9;
	[smem:$0x71D] =	sst s11  }
0x3ef: {  	s8 =	ssub.s32 s9, s31;
	s31 =	sshra.s32 s19, $0x1F;
	[smem:$0x6B2] =	sst s26  }
0x3f0: {  	[smem:$0x6E2] =	sst s31;
	s9 =	sxor.u32 s31, s19;
	s19 =	spop (v2sf)  }
0x3f1: {  	(drf) =	srem.u32 s8, s2;
	s8 =	ssub.s32 s9, s31;
	s26 =	sshra.s32 s19, $0x1F  }
0x3f2: {  	s10 =	spop (v2sf);
	[smem:$0x6E4] =	sst s26;
	s31 =	sxor.u32 s26, s19  }
0x3f3: {  	(drf) =	srem.u32 s8, s1;
	s8 =	ssub.s32 s31, s26;
	s26 =	spop (drf)  }
0x3f4: {  	s31 =	sshra.s32 s10, $0x1F;
	[smem:$0x6B5] =	sst s26  }
0x3f5: {  	s9 =	spop (v2sf);
	[smem:$0x6E7] =	sst s31;
	s26 =	sxor.u32 s31, s10  }
0x3f6: {  	(drf) =	srem.u32 s8, s29;
	s8 =	ssub.s32 s26, s31;
	s31 =	spop (drf)  }
0x3f7: {  	(v2sf) =	vpush v43, $0x1;
	s10 =	spop (v2sf);
	s26 =	sshra.s32 s9, $0x1F;
	[smem:$0x6B7] =	sst s31  }
0x3f8: {  	[smem:$0x6EA] =	sst s26;
	s31 =	sxor.u32 s26, s9;
	s9 =	spop (v2sf)  }
0x3f9: {  	(v2sf) =	vpush v43, $0x2;
	(drf) =	srem.u32 s8, s0;
	s8 =	ssub.s32 s31, s26;
	s26 =	spop (drf)  }
0x3fa: {  	s31 =	sshra.s32 s10, $0x1F;
	s19 =	sshra.s32 s9, $0x1F;
	[smem:$0x6BA] =	sst s26  }
0x3fb: {  	[smem:$0x6EC] =	sst s31;
	s26 =	sxor.u32 s31, s10;
	s10 =	spop (v2sf)  }
0x3fc: {  	(v2sf) =	vpush v43, $0x3;
	(drf) =	srem.u32 s8, s14;
	s8 =	ssub.s32 s26, s31;
	s31 =	spop (drf)  }
0x3fd: {  	[smem:$0x6F0] =	sst s19;
	s26 =	sxor.u32 s19, s9;
	s9 =	spop (v2sf)  }
0x3fe: {  	(v2sf) =	vpush v43, $0x4;
	[smem:$0x6BD] =	sst s31;
	s31 =	spop (drf)  }
0x3ff: {  	(v2sf) =	vpush v43, $0x5;
	(drf) =	srem.u32 s8, s13;
	s8 =	ssub.s32 s26, s19;
	s19 =	spop (v2sf)  }
0x400: {  	[smem:$0x6BF] =	sst s31;
	s26 =	spop (drf);
	s31 =	sshra.s32 s10, $0x1F  }
0x401: {  	(drf) =	srem.u32 s8, s12;
	[smem:$0x6C2] =	sst s26;
	s10 =	sxor.u32 s31, s10  }
0x402: {  	(v2sf) =	vpush v43, $0x6;
	[smem:$0x6F3] =	sst s31;
	s26 =	spop (drf);
	s8 =	ssub.s32 s10, s31  }
0x403: {  	[smem:$0x6C6] =	sst s26;
	s31 =	sshra.s32 s9, $0x1F;
	s26 =	spop (drf)  }
0x404: {  	(v2sf) =	vpush v43, $0x7;
	[smem:$0x6F5] =	sst s31;
	(drf) =	srem.u32 s8, s11;
	s9 =	sxor.u32 s31, s9  }
0x405: {  	[smem:$0x6C8] =	sst s26;
	s8 =	ssub.s32 s9, s31;
	s31 =	sshra.s32 s19, $0x1F  }
0x406: {  	(v2sf) =	vpush v43, $0x8;
	[smem:$0x6F7] =	sst s31;
	s9 =	sxor.u32 s31, s19;
	s19 =	spop (v2sf)  }
0x407: {  	(drf) =	srem.u32 s8, s23;
	s8 =	ssub.s32 s9, s31;
	s26 =	sshra.s32 s19, $0x1F  }
0x408: {  	s10 =	spop (v2sf);
	[smem:$0x6FB] =	sst s26;
	s31 =	sxor.u32 s26, s19  }
0x409: {  	(drf) =	srem.u32 s8, s24;
	s8 =	ssub.s32 s31, s26;
	s26 =	spop (drf)  }
0x40a: {  	s31 =	sshra.s32 s10, $0x1F;
	[smem:$0x6CB] =	sst s26  }
0x40b: {  	s9 =	spop (v2sf);
	[smem:$0x6FD] =	sst s31;
	s26 =	sxor.u32 s31, s10  }
0x40c: {  	(drf) =	srem.u32 s8, s25;
	s8 =	ssub.s32 s26, s31;
	s31 =	spop (drf)  }
0x40d: {  	(v2sf) =	vpush v43, $0x9;
	s10 =	spop (v2sf);
	s26 =	sshra.s32 s9, $0x1F;
	[smem:$0x6CF] =	sst s31  }
0x40e: {  	[smem:$0x6FF] =	sst s26;
	s31 =	sxor.u32 s26, s9;
	s9 =	spop (v2sf)  }
0x40f: {  	(v2sf) =	vpush v43, $0xA;
	(drf) =	srem.u32 s8, s6;
	s8 =	ssub.s32 s31, s26;
	s26 =	spop (drf)  }
0x410: {  	s31 =	sshra.s32 s10, $0x1F;
	s19 =	sshra.s32 s9, $0x1F;
	[smem:$0x6D1] =	sst s26  }
0x411: {  	[smem:$0x701] =	sst s31;
	s26 =	sxor.u32 s31, s10;
	s10 =	spop (v2sf)  }
0x412: {  	(v2sf) =	vpush v43, $0xB;
	(drf) =	srem.u32 s8, s5;
	s8 =	ssub.s32 s26, s31;
	s31 =	spop (drf)  }
0x413: {  	[smem:$0x703] =	sst s19;
	s26 =	sxor.u32 s19, s9;
	s9 =	spop (v2sf)  }
0x414: {  	[smem:$0x6D5] =	sst s31;
	s31 =	spop (drf)  }
0x415: {  	(v2sf) =	vpush v43, $0xC;
	(drf) =	srem.u32 s8, s7;
	s8 =	ssub.s32 s26, s19;
	s19 =	spop (v2sf)  }
0x416: {  	[smem:$0x6D9] =	sst s31;
	s26 =	spop (drf);
	s31 =	sshra.s32 s10, $0x1F  }
0x417: {  	(v2sf) =	vpush v43, $0xD;
	(drf) =	srem.u32 s8, s4;
	[smem:$0x6DB] =	sst s26;
	s10 =	sxor.u32 s31, s10  }
0x418: {  	(v2sf) =	vpush v43, $0xE;
	[smem:$0x705] =	sst s31;
	s26 =	spop (drf);
	s8 =	ssub.s32 s10, s31  }
0x419: {  	[smem:$0x6DF] =	sst s26;
	s31 =	sshra.s32 s9, $0x1F;
	s26 =	spop (drf)  }
0x41a: {  	[smem:$0x707] =	sst s31;
	(drf) =	srem.u32 s8, s3;
	s9 =	sxor.u32 s31, s9  }
0x41b: {  	[smem:$0x6E3] =	sst s26;
	s8 =	ssub.s32 s9, s31;
	s31 =	sshra.s32 s19, $0x1F  }
0x41c: {  	[smem:$0x709] =	sst s31;
	s9 =	sxor.u32 s31, s19;
	s19 =	spop (v2sf)  }
0x41d: {  	v22 =	vadd.s32 $0x40, v38;
	(drf) =	srem.u32 s8, s2;
	s8 =	ssub.s32 s9, s31;
	s26 =	sshra.s32 s19, $0x1F  }
0x41e: {  	(v2sf) =	vpush v22, $0x0;
	s10 =	spop (v2sf);
	[smem:$0x70B] =	sst s26;
	s31 =	sxor.u32 s26, s19  }
0x41f: {  	(drf) =	srem.u32 s8, s1;
	s8 =	ssub.s32 s31, s26;
	s26 =	spop (drf)  }
0x420: {  	s31 =	sshra.s32 s10, $0x1F;
	[smem:$0x6E5] =	sst s26  }
0x421: {  	(v2sf) =	vpush v22, $0xF;
	s9 =	spop (v2sf);
	[smem:$0x70F] =	sst s31;
	s26 =	sxor.u32 s31, s10  }
0x422: {  	(drf) =	srem.u32 s8, s29;
	s8 =	ssub.s32 s26, s31;
	s31 =	spop (drf)  }
0x423: {  	s26 =	sshra.s32 s9, $0x1F;
	[smem:$0x6E8] =	sst s31  }
0x424: {  	(v2sf) =	vpush v22, $0x1;
	s10 =	spop (v2sf);
	[smem:$0x71F] =	sst s26;
	s31 =	sxor.u32 s26, s9  }
0x425: {  	(drf) =	srem.u32 s8, s0;
	s8 =	ssub.s32 s31, s26;
	s26 =	spop (drf)  }
0x426: {  	(v2sf) =	vpush v22, $0x2;
	s9 =	spop (v2sf);
	s31 =	sshra.s32 s10, $0x1F;
	[smem:$0x6EB] =	sst s26  }
0x427: {  	(drf) =	srem.u32 s8, s14;
	s14 =	sxor.u32 s31, s10;
	s10 =	spop (v2sf)  }
0x428: {  	(v2sf) =	vpush v22, $0x3;
	[smem:$0x720] =	sst s31;
	s26 =	spop (drf)  }
0x429: {  	s8 =	ssub.s32 s14, s31;
	[smem:$0x6ED] =	sst s26;
	s31 =	sshra.s32 s9, $0x1F  }
0x42a: {  	s26 =	spop (drf);
	[smem:$0x722] =	sst s31  }
0x42b: {  	(v2sf) =	vpush v22, $0x4;
	(drf) =	srem.u32 s8, s13;
	s19 =	sxor.u32 s31, s9;
	[smem:$0x6F1] =	sst s26  }
0x42c: {  	s9 =	sshra.s32 s10, $0x1F;
	s8 =	ssub.s32 s19, s31;
	s31 =	spop (drf)  }
0x42d: {  	[smem:$0x725] =	sst s9;
	s19 =	spop (v2sf)  }
0x42e: {  	(v2sf) =	vpush v22, $0x5;
	s14 =	sxor.u32 s9, s10;
	[smem:$0x6F4] =	sst s31;
	s26 =	spop (drf)  }
0x42f: {  	(drf) =	srem.u32 s8, s12;
	s31 =	sshra.s32 s19, $0x1F;
	[smem:$0x6F6] =	sst s26  }
0x430: {  	s8 =	ssub.s32 s14, s9;
	s13 =	spop (v2sf);
	[smem:$0x711] =	sst s31  }
0x431: {  	(v2sf) =	vpush v22, $0x6;
	(drf) =	srem.u32 s8, s11;
	s12 =	sxor.u32 s31, s19;
	s14 =	spop (drf)  }
0x432: {  	s19 =	sshra.s32 s13, $0x1F;
	s8 =	ssub.s32 s12, s31;
	[smem:$0x6F8] =	sst s14  }
0x433: {  	[smem:$0x713] =	sst s19;
	s26 =	sxor.u32 s19, s13;
	s31 =	spop (v2sf)  }
0x434: {  	(drf) =	srem.u32 s8, s23;
	s8 =	ssub.s32 s26, s19;
	s19 =	spop (drf)  }
0x435: {  	s12 =	spop (v2sf);
	(drf) =	srem.u32 s8, s24  }
0x436: {  	s10 =	sshra.s32 s31, $0x1F;
	[smem:$0x6FC] =	sst s19;
	s26 =	spop (drf)  }
0x437: {  	[smem:$0x714] =	sst s10;
	s13 =	sxor.u32 s10, s31;
	s14 =	spop (v2sf)  }
0x438: {  	s23 =	sshra.s32 s12, $0x1F;
	[smem:$0x6FE] =	sst s26;
	s8 =	ssub.s32 s13, s10  }
0x439: {  	[smem:$0x716] =	sst s23;
	s24 =	sxor.u32 s23, s12;
	s31 =	sshra.s32 s14, $0x1F  }
0x43a: {  	(v2sf) =	vpush v22, $0x7;
	(drf) =	srem.u32 s8, s25;
	s25 =	spop (v2sf);
	s8 =	ssub.s32 s24, s23  }
0x43b: {  	(v2sf) =	vpush v22, $0x8;
	[smem:$0x717] =	sst s31;
	s12 =	sxor.u32 s31, s14;
	s14 =	spop (drf)  }
0x43c: {  	(drf) =	srem.u32 s8, s6;
	[smem:$0x700] =	sst s14;
	s19 =	sshra.s32 s25, $0x1F  }
0x43d: {  	s6 =	ssub.s32 s12, s31;
	s13 =	spop (v2sf);
	[smem:$0x719] =	sst s19  }
0x43e: {  	(drf) =	srem.u32 s6, s5;
	s23 =	sxor.u32 s19, s25;
	s25 =	spop (drf)  }
0x43f: {  	[smem:$0x702] =	sst s25;
	s26 =	sshra.s32 s13, $0x1F;
	s8 =	spop (drf)  }
0x440: {  	(v2sf) =	vpush v22, $0x9;
	s24 =	spop (v2sf);
	[smem:$0x71B] =	sst s26  }
0x441: {  	[smem:$0x704] =	sst s8;
	s9 =	spop (drf)  }
0x442: {  	(v2sf) =	vpush v22, $0xA;
	s5 =	ssub.s32 s23, s19;
	[smem:$0x706] =	sst s9;
	s10 =	sshra.s32 s24, $0x1F  }
0x443: {  	s31 =	sxor.u32 s26, s13;
	s13 =	spop (drf);
	[smem:$0x71E] =	sst s10  }
0x444: {  	(drf) =	srem.u32 s5, s7;
	s5 =	ssub.s32 s31, s26;
	[smem:$0x708] =	sst s13  }
0x445: {  	(drf) =	srem.u32 s5, s4;
	s13 =	sld [smem:$0x64D]  }
0x446: {  	s11 =	sxor.u32 s10, s24;
	s24 =	spop (drf);
	s5 =	sld [smem:$0x656]  }
0x447: {  	[smem:$0x70A] =	sst s24  }
0x448: {  	s4 =	ssub.s32 s11, s10;
	s10 =	spop (drf);
	s24 =	sld [smem:$0x652]  }
0x449: {  	s12 =	spop (v2sf);
	[smem:$0x70C] =	sst s10  }
0x44a: {  	s14 =	sshra.s32 s12, $0x1F;
	s23 =	spop (v2sf);
	s10 =	rddreg [dreg:$0x14]  }
0x44b: {  	[smem:$0x721] =	sst s14;
	s25 =	sshra.s32 s23, $0x1F  }
0x44c: {  	s19 =	sxor.u32 s14, s12;
	s12 =	spop (drf);
	[smem:$0x723] =	sst s25  }
0x44d: {  	[smem:$0x710] =	sst s12  }
0x44e: {  	(drf) =	srem.u32 s4, s3;
	s3 =	ssub.s32 s19, s14;
	s14 =	sld [smem:$0x64E]  }
0x44f: {  	s26 =	sxor.u32 s25, s23;
	s23 =	sld [smem:$0x651];
	s31 =	spop (v2sf)  }
0x450: {  	(drf) =	srem.u32 s3, s2;
	s3 =	sld [smem:$0x654];
	s4 =	sshra.s32 s31, $0x1F  }
0x451: {  	s6 =	spop (v2sf);
	[smem:$0x724] =	sst s4  }
0x452: {  	s7 =	sxor.u32 s4, s31;
	s8 =	sshra.s32 s6, $0x1F;
	s31 =	sld [smem:$0x653]  }
0x453: {  	s2 =	ssub.s32 s26, s25;
	[smem:$0x726] =	sst s8  }
0x454: {  	(drf) =	srem.u32 s2, s1;
	s1 =	ssub.s32 s7, s4;
	s4 =	sld [smem:$0x655]  }
0x455: {  	s9 =	sxor.u32 s8, s6;
	s6 =	sld [smem:$0x657]  }
0x456: {  	s11 =	ssub.s32 s9, s8;
	s8 =	sld [smem:$0x658]  }
0x457: {  	(drf) =	srem.u32 s1, s29;
	s9 =	sld [smem:$0x659]  }
0x458: {  	(drf) =	srem.u32 s11, s0;
	s11 =	sld [smem:$0x65A]  }
0x459: {  	s0 =	sxor.u32 s15, s13;
	s13 =	rddreg [dreg:$0x16]  }
0x45a: {  	s25 =	ssub.s32 s0, s15;
	s15 =	sld [smem:$0x64F]  }
0x45b: {  	s0 =	sxor.u32 s16, s14;
	s14 =	sld [smem:$0x65B]  }
0x45c: {  	s19 =	ssub.s32 s0, s16;
	s16 =	sld [smem:$0x65C]  }
0x45d: {  	v44 =	vmov s19;
	s19 =	sld [smem:$0x6A4]  }
0x45e: {  	s1 =	sxor.u32 s17, s15;
	s15 =	rddreg [dreg:$0x18]  }
0x45f: {  	v23 =	vsel vm0, s25, v44;
	s25 =	sld [smem:$0x6A6]  }
0x460: {  	s26 =	ssub.s32 s1, s17;
	s17 =	sld [smem:$0x650]  }
0x461: {  	s1 =	sxor.u32 s20, s31;
	s31 =	sld [smem:$0x662]  }
0x462: {  	s2 =	ssub.s32 s1, s20;
	s1 =	sxor.u32 s6, s5;
	s5 =	sld [smem:$0x666]  }
0x463: {  	v23 =	vsel vm1, s26, v23;
	s26 =	sld [smem:$0x6AF]  }
0x464: {  	[smem:$0x6B3] =	sst s2  }
0x465: {  	s2 =	sld [smem:$0x663]  }
0x466: {  	s7 =	ssub.s32 s1, s6;
	s6 =	sld [smem:$0x667]  }
0x467: {  	s1 =	sxor.u32 s10, s11;
	s11 =	sld [smem:$0x66C]  }
0x468: {  	[smem:$0x6C0] =	sst s7  }
0x469: {  	s0 =	sxor.u32 s18, s17;
	s17 =	rddreg [dreg:$0x1b]  }
0x46a: {  	s7 =	sld [smem:$0x668]  }
0x46b: {  	s12 =	ssub.s32 s1, s10;
	s10 =	sld [smem:$0x66B]  }
0x46c: {  	[smem:$0x6CC] =	sst s12  }
0x46d: {  	s29 =	ssub.s32 s0, s18;
	s18 =	sld [smem:$0x65D]  }
0x46e: {  	s0 =	sxor.u32 s24, s23;
	s23 =	rddreg [dreg:$0x1f]  }
0x46f: {  	s12 =	sld [smem:$0x66D]  }
0x470: {  	s0 =	ssub.s32 s0, s24;
	s24 =	sld [smem:$0x65F]  }
0x471: {  	[smem:$0x6B0] =	sst s0  }
0x472: {  	s0 =	sxor.u32 s21, s3;
	s3 =	sld [smem:$0x664]  }
0x473: {  	s0 =	ssub.s32 s0, s21;
	s21 =	rddreg [dreg:$0x1d]  }
0x474: {  	v23 =	vsel vm2, s29, v23;
	s29 =	sld [smem:$0x6B0]  }
0x475: {  	[smem:$0x6B8] =	sst s0  }
0x476: {  	s1 =	sxor.u32 s17, s18;
	s0 =	sxor.u32 s22, s4;
	s4 =	sld [smem:$0x665]  }
0x477: {  	s20 =	ssub.s32 s1, s17;
	s17 =	sld [smem:$0x66E]  }
0x478: {  	[smem:$0x6DC] =	sst s20  }
0x479: {  	s0 =	ssub.s32 s0, s22;
	s22 =	sld [smem:$0x65E]  }
0x47a: {  	[smem:$0x6BB] =	sst s0  }
0x47b: {  	s0 =	sxor.u32 s28, s8;
	s8 =	sld [smem:$0x669]  }
0x47c: {  	v23 =	vsel vm3, s29, v23;
	s29 =	sld [smem:$0x6B3]  }
0x47d: {  	s0 =	ssub.s32 s0, s28;
	s28 =	sld [smem:$0x660]  }
0x47e: {  	[smem:$0x6C3] =	sst s0;
	s0 =	sxor.u32 s30, s9  }
0x47f: {  	s9 =	sld [smem:$0x66A];
	s0 =	ssub.s32 s0, s30  }
0x480: {  	[smem:$0x6C9] =	sst s0;
	s0 =	sxor.u32 s13, s14  }
0x481: {  	s30 =	sld [smem:$0x661];
	s0 =	ssub.s32 s0, s13  }
0x482: {  	[smem:$0x6D2] =	sst s0;
	s0 =	sxor.u32 s15, s16  }
0x483: {  	v23 =	vsel vm4, s29, v23;
	s29 =	sld [smem:$0x6B8];
	s0 =	ssub.s32 s0, s15  }
0x484: {  	[smem:$0x6D6] =	sst s0  }
0x485: {  	s0 =	sxor.u32 s21, s22;
	s22 =	sld [smem:$0x670]  }
0x486: {  	s0 =	ssub.s32 s0, s21;
	s21 =	sld [smem:$0x66F]  }
0x487: {  	s1 =	sxor.u32 s28, s30;
	[smem:$0x6E0] =	sst s0  }
0x488: {  	s0 =	sxor.u32 s23, s24;
	s24 =	ssub.s32 s1, s28;
	s28 =	sld [smem:$0x672]  }
0x489: {  	s1 =	sxor.u32 s5, s6;
	s6 =	sld [smem:$0x674]  }
0x48a: {  	s20 =	ssub.s32 s0, s23;
	s0 =	sxor.u32 s31, s2;
	s23 =	sld [smem:$0x671]  }
0x48b: {  	s14 =	ssub.s32 s1, s5;
	s1 =	sxor.u32 s11, s12;
	s2 =	sld [smem:$0x680]  }
0x48c: {  	s30 =	ssub.s32 s0, s31;
	s0 =	sxor.u32 s3, s4;
	s4 =	sld [smem:$0x673]  }
0x48d: {  	s16 =	ssub.s32 s1, s11;
	s11 =	sld [smem:$0x679]  }
0x48e: {  	[smem:$0x6C4] =	sst s16  }
0x48f: {  	s13 =	ssub.s32 s0, s3;
	s0 =	sxor.u32 s7, s8;
	s8 =	sld [smem:$0x676]  }
0x490: {  	s16 =	sld [smem:$0x67A]  }
0x491: {  	v45 =	vmov s24;
	s3 =	sld [smem:$0x681]  }
0x492: {  	v24 =	vsel vm0, s20, v45;
	s15 =	ssub.s32 s0, s7;
	s7 =	sld [smem:$0x675]  }
0x493: {  	v24 =	vsel vm1, s30, v24;
	s0 =	sxor.u32 s9, s10;
	s10 =	sld [smem:$0x678]  }
0x494: {  	v24 =	vsel vm2, s13, v24;
	s13 =	sld [smem:$0x6B5]  }
0x495: {  	s18 =	ssub.s32 s0, s9;
	s9 =	sld [smem:$0x677]  }
0x496: {  	s0 =	sxor.u32 s17, s21;
	s21 =	sld [smem:$0x67C]  }
0x497: {  	s1 =	sxor.u32 s28, s4;
	s4 =	sld [smem:$0x682]  }
0x498: {  	v24 =	vsel vm3, s14, v24;
	s14 =	sld [smem:$0x6BA]  }
0x499: {  	s31 =	ssub.s32 s0, s17;
	s17 =	sld [smem:$0x67B]  }
0x49a: {  	s0 =	sxor.u32 s22, s23;
	s23 =	sld [smem:$0x67E]  }
0x49b: {  	s5 =	ssub.s32 s1, s28;
	s28 =	sld [smem:$0x67F]  }
0x49c: {  	v24 =	vsel vm4, s15, v24;
	s15 =	sld [smem:$0x6C0]  }
0x49d: {  	[smem:$0x6D3] =	sst s5  }
0x49e: {  	s0 =	ssub.s32 s0, s22;
	s22 =	sld [smem:$0x67D]  }
0x49f: {  	s5 =	sld [smem:$0x683]  }
0x4a0: {  	s1 =	sxor.u32 s10, s11;
	s11 =	sld [smem:$0x686]  }
0x4a1: {  	[smem:$0x6CD] =	sst s0  }
0x4a2: {  	s0 =	sxor.u32 s6, s7;
	s12 =	ssub.s32 s1, s10;
	s7 =	sld [smem:$0x684]  }
0x4a3: {  	[smem:$0x6E1] =	sst s12  }
0x4a4: {  	s0 =	ssub.s32 s0, s6;
	s1 =	sxor.u32 s23, s28;
	s28 =	sld [smem:$0x68A]  }
0x4a5: {  	[smem:$0x6D7] =	sst s0;
	s0 =	sxor.u32 s8, s9;
	s9 =	ssub.s32 s1, s23  }
0x4a6: {  	s1 =	sxor.u32 s2, s3;
	s0 =	ssub.s32 s0, s8;
	s8 =	sld [smem:$0x685]  }
0x4a7: {  	s6 =	ssub.s32 s1, s2;
	s1 =	sxor.u32 s4, s5;
	[smem:$0x6DD] =	sst s0  }
0x4a8: {  	s12 =	ssub.s32 s1, s4;
	s1 =	sld [smem:$0x6A0]  }
0x4a9: {  	s0 =	sxor.u32 s16, s17;
	v25 =	vmov s6;
	s6 =	sld [smem:$0x6B6]  }
0x4aa: {  	s0 =	ssub.s32 s0, s16;
	s16 =	sld [smem:$0x687]  }
0x4ab: {  	[smem:$0x6E6] =	sst s0  }
0x4ac: {  	v25 =	vsel vm0, s9, v25;
	s0 =	sxor.u32 s21, s22;
	s22 =	sld [smem:$0x689]  }
0x4ad: {  	v25 =	vsel vm1, s12, v25;
	s12 =	sld [smem:$0x6BD]  }
0x4ae: {  	s10 =	sxor.u32 s7, s8;
	s0 =	ssub.s32 s0, s21;
	s21 =	sld [smem:$0x688]  }
0x4af: {  	s3 =	ssub.s32 s10, s7;
	s7 =	sld [smem:$0x68B]  }
0x4b0: {  	s10 =	sld [smem:$0x68C];
	s17 =	sxor.u32 s11, s16  }
0x4b1: {  	s4 =	ssub.s32 s17, s11;
	s11 =	sld [smem:$0x68D]  }
0x4b2: {  	s17 =	sld [smem:$0x68E];
	s23 =	sxor.u32 s21, s22  }
0x4b3: {  	s5 =	ssub.s32 s23, s21;
	s21 =	sld [smem:$0x68F]  }
0x4b4: {  	s8 =	sxor.u32 s28, s7;
	s23 =	sld [smem:$0x690]  }
0x4b5: {  	s7 =	ssub.s32 s8, s28;
	s28 =	sld [smem:$0x691];
	s16 =	sxor.u32 s10, s11  }
0x4b6: {  	s8 =	ssub.s32 s16, s10;
	s16 =	sld [smem:$0x692]  }
0x4b7: {  	s22 =	sxor.u32 s17, s21;
	s21 =	sld [smem:$0x693]  }
0x4b8: {  	s11 =	sld [smem:$0x695]  }
0x4b9: {  	s2 =	sxor.u32 s23, s28;
	s28 =	sld [smem:$0x697];
	s10 =	ssub.s32 s22, s17  }
0x4ba: {  	s17 =	ssub.s32 s2, s23;
	s23 =	sld [smem:$0x694];
	s22 =	sxor.u32 s16, s21  }
0x4bb: {  	s21 =	ssub.s32 s22, s16;
	s22 =	sld [smem:$0x696]  }
0x4bc: {  	[smem:$0x6EE] =	sst s0  }
0x4bd: {  	v25 =	vsel vm2, s3, v25;
	s3 =	sld [smem:$0x6C2]  }
0x4be: {  	s16 =	sxor.u32 s23, s11;
	s2 =	sxor.u32 s22, s28;
	s28 =	sld [smem:$0x699]  }
0x4bf: {  	v25 =	vsel vm3, s4, v25;
	s23 =	ssub.s32 s16, s23;
	s16 =	ssub.s32 s2, s22;
	s22 =	sld [smem:$0x698]  }
0x4c0: {  	v25 =	vsel vm4, s5, v25;
	s5 =	sld [smem:$0x6CD]  }
0x4c1: {  	s11 =	sld [smem:$0x69B]  }
0x4c2: {  	s2 =	sxor.u32 s22, s28;
	s28 =	sld [smem:$0x69D]  }
0x4c3: {  	s0 =	ssub.s32 s2, s22;
	s22 =	sld [smem:$0x69C]  }
0x4c4: {  	[smem:$0x6EF] =	sst s0  }
0x4c5: {  	v25 =	vsel vm5, s7, v25;
	s0 =	sld [smem:$0x69A]  }
0x4c6: {  	v25 =	vsel vm6, s8, v25;
	s8 =	sld [smem:$0x6D5]  }
0x4c7: {  	[smem:$0x6E9] =	sst s16  }
0x4c8: {  	s2 =	sxor.u32 s22, s28;
	s28 =	sld [smem:$0x69F];
	s16 =	sxor.u32 s0, s11  }
0x4c9: {  	v25 =	vsel vm7, s10, v25;
	s0 =	ssub.s32 s16, s0;
	s16 =	ssub.s32 s2, s22;
	s22 =	sld [smem:$0x69E]  }
0x4ca: {  	v25 =	vsel vm8, s17, v25;
	s17 =	sld [smem:$0x6E4]  }
0x4cb: {  	v25 =	vsel vm9, s21, v25;
	s21 =	sld [smem:$0x6E7]  }
0x4cc: {  	[smem:$0x6F9] =	sst s16;
	s2 =	sxor.u32 s22, s28  }
0x4cd: {  	s16 =	ssub.s32 s2, s22;
	s22 =	sld [smem:$0x6A2]  }
0x4ce: {  	s2 =	sld [smem:$0x6A3]  }
0x4cf: {  	s28 =	sld [smem:$0x6A5]  }
0x4d0: {  	s11 =	sld [smem:$0x6A1]  }
0x4d1: {  	[smem:$0x6F2] =	sst s0;
	s0 =	sxor.u32 s22, s2  }
0x4d2: {  	s2 =	sld [smem:$0x6A7];
	s22 =	ssub.s32 s0, s22;
	s0 =	sxor.u32 s19, s28  }
0x4d3: {  	s28 =	ssub.s32 s0, s19;
	s0 =	sld [smem:$0x6A8]  }
0x4d4: {  	s11 =	sxor.u32 s1, s11;
	s19 =	sld [smem:$0x6A9]  }
0x4d5: {  	v25 =	vsel vm10, s23, v25;
	s23 =	sld [smem:$0x6E8];
	s11 =	ssub.s32 s11, s1;
	s2 =	sxor.u32 s25, s2  }
0x4d6: {  	v26 =	vmov s11;
	s24 =	ssub.s32 s2, s25;
	s2 =	sld [smem:$0x6AA]  }
0x4d7: {  	v26 =	vsel vm0, s16, v26;
	s1 =	sxor.u32 s0, s19;
	s19 =	sld [smem:$0x6AB]  }
0x4d8: {  	v26 =	vsel vm1, s22, v26;
	s22 =	sld [smem:$0x6F0];
	s0 =	ssub.s32 s1, s0  }
0x4d9: {  	[smem:$0x6FA] =	sst s0  }
0x4da: {  	s0 =	sxor.u32 s2, s19;
	s19 =	sld [smem:$0x6AE]  }
0x4db: {  	s25 =	sld [smem:$0x6AD]  }
0x4dc: {  	s20 =	ssub.s32 s0, s2;
	s2 =	sld [smem:$0x6AC]  }
0x4dd: {  	s1 =	sxor.u32 s19, s26;
	s26 =	sld [smem:$0x6B2]  }
0x4de: {  	s30 =	ssub.s32 s1, s19;
	s19 =	sld [smem:$0x6B1]  }
0x4df: {  	v26 =	vsel vm2, s28, v26;
	s28 =	sld [smem:$0x6F9];
	s0 =	sxor.u32 s2, s25  }
0x4e0: {  	s25 =	ssub.s32 s0, s2;
	s2 =	sld [smem:$0x6B4]  }
0x4e1: {  	v26 =	vsel vm3, s24, v26;
	s24 =	sld [smem:$0x6F8];
	s0 =	sxor.u32 s19, s26  }
0x4e2: {  	s26 =	ssub.s32 s0, s19;
	s19 =	sld [smem:$0x6B7]  }
0x4e3: {  	s0 =	sxor.u32 s2, s13;
	s13 =	sld [smem:$0x6B9]  }
0x4e4: {  	v23 =	vsel vm5, s29, v23;
	s29 =	ssub.s32 s0, s2;
	s2 =	sld [smem:$0x6CB]  }
0x4e5: {  	s1 =	sxor.u32 s6, s19;
	s19 =	sld [smem:$0x6BB]  }
0x4e6: {  	s0 =	sxor.u32 s13, s14;
	s14 =	sld [smem:$0x6BF]  }
0x4e7: {  	s9 =	ssub.s32 s1, s6;
	s6 =	sld [smem:$0x6BC]  }
0x4e8: {  	s0 =	ssub.s32 s0, s13;
	s13 =	sld [smem:$0x6BE]  }
0x4e9: {  	[smem:$0x70D] =	sst s9  }
0x4ea: {  	[smem:$0x70E] =	sst s0  }
0x4eb: {  	s9 =	sld [smem:$0x6C4]  }
0x4ec: {  	v23 =	vsel vm6, s19, v23;
	s19 =	sld [smem:$0x6C1]  }
0x4ed: {  	s1 =	sxor.u32 s13, s14;
	s14 =	sld [smem:$0x6C6]  }
0x4ee: {  	s0 =	sxor.u32 s6, s12;
	v23 =	vsel vm7, s15, v23;
	s15 =	sld [smem:$0x6C7]  }
0x4ef: {  	s12 =	ssub.s32 s0, s6;
	s6 =	sld [smem:$0x6C3]  }
0x4f0: {  	v24 =	vsel vm5, s18, v24;
	s18 =	ssub.s32 s1, s13;
	s13 =	sld [smem:$0x6C5]  }
0x4f1: {  	v24 =	vsel vm6, s9, v24;
	s9 =	sld [smem:$0x6CE]  }
0x4f2: {  	[smem:$0x712] =	sst s18  }
0x4f3: {  	s18 =	sld [smem:$0x6C8]  }
0x4f4: {  	v24 =	vsel vm7, s31, v24;
	s31 =	sld [smem:$0x6CA]  }
0x4f5: {  	s0 =	sxor.u32 s19, s3;
	s3 =	sld [smem:$0x6CC]  }
0x4f6: {  	s0 =	ssub.s32 s0, s19;
	s19 =	sld [smem:$0x6C9]  }
0x4f7: {  	v24 =	vsel vm8, s5, v24;
	s5 =	sld [smem:$0x6D4]  }
0x4f8: {  	[smem:$0x715] =	sst s0  }
0x4f9: {  	s0 =	sxor.u32 s13, s14;
	s14 =	sld [smem:$0x6CF]  }
0x4fa: {  	s1 =	sxor.u32 s15, s18;
	s18 =	sld [smem:$0x6D1]  }
0x4fb: {  	v23 =	vsel vm8, s6, v23;
	s6 =	ssub.s32 s1, s15;
	s15 =	sld [smem:$0x6D0]  }
0x4fc: {  	s4 =	ssub.s32 s0, s13;
	s0 =	sxor.u32 s31, s2;
	v23 =	vsel vm9, s19, v23;
	s19 =	sld [smem:$0x6D2]  }
0x4fd: {  	s13 =	ssub.s32 s0, s31;
	s31 =	sld [smem:$0x6D3];
	s0 =	sxor.u32 s9, s14  }
0x4fe: {  	s14 =	ssub.s32 s0, s9;
	s9 =	sld [smem:$0x6D6]  }
0x4ff: {  	s0 =	sxor.u32 s5, s8;
	s8 =	sld [smem:$0x6DB]  }
0x500: {  	v23 =	vsel vm10, s3, v23;
	s1 =	sxor.u32 s15, s18;
	s18 =	sld [smem:$0x6D8]  }
0x501: {  	v23 =	vsel vm11, s19, v23;
	s19 =	sld [smem:$0x6D9]  }
0x502: {  	v24 =	vsel vm9, s31, v24;
	s31 =	sld [smem:$0x6DA]  }
0x503: {  	s10 =	ssub.s32 s0, s5;
	s5 =	sld [smem:$0x6E1]  }
0x504: {  	s7 =	ssub.s32 s1, s15;
	s15 =	sld [smem:$0x6D7]  }
0x505: {  	v23 =	vsel vm12, s9, v23;
	s9 =	sld [smem:$0x6DC]  }
0x506: {  	s0 =	sxor.u32 s18, s19;
	s19 =	sld [smem:$0x6DF]  }
0x507: {  	v24 =	vsel vm10, s15, v24;
	s15 =	sld [smem:$0x6DD]  }
0x508: {  	s1 =	sxor.u32 s31, s8;
	s8 =	ssub.s32 s0, s18;
	s18 =	sld [smem:$0x6DE]  }
0x509: {  	s1 =	ssub.s32 s1, s31;
	s31 =	sld [smem:$0x6E0]  }
0x50a: {  	v23 =	vsel vm13, s9, v23;
	s9 =	sld [smem:$0x6E2]  }
0x50b: {  	v24 =	vsel vm11, s15, v24;
	s15 =	sld [smem:$0x6E3]  }
0x50c: {  	s0 =	sxor.u32 s18, s19;
	s19 =	sld [smem:$0x6E6]  }
0x50d: {  	v23 =	vsel vm14, s31, v23;
	s31 =	sld [smem:$0x6E9]  }
0x50e: {  	s0 =	ssub.s32 s0, s18;
	s18 =	sld [smem:$0x6E5]  }
0x50f: {  	s2 =	sxor.u32 s9, s15;
	s15 =	sld [smem:$0x6EA]  }
0x510: {  	v24 =	vsel vm12, s5, v24;
	v25 =	vsel vm11, s31, v25;
	s31 =	sld [smem:$0x6EC]  }
0x511: {  	v24 =	vsel vm13, s19, v24;
	s19 =	sld [smem:$0x6EE]  }
0x512: {  	s3 =	sxor.u32 s17, s18;
	s18 =	sld [smem:$0x6ED]  }
0x513: {  	s11 =	ssub.s32 s3, s17;
	s3 =	sxor.u32 s21, s23;
	s23 =	sld [smem:$0x6EB]  }
0x514: {  	s3 =	ssub.s32 s3, s21;
	s21 =	sld [smem:$0x6EF]  }
0x515: {  	v24 =	vsel vm14, s19, v24;
	s19 =	sld [smem:$0x6F4]  }
0x516: {  	s16 =	sxor.u32 s31, s18;
	s18 =	sld [smem:$0x6F3]  }
0x517: {  	s2 =	ssub.s32 s2, s9;
	s5 =	sxor.u32 s15, s23;
	s23 =	sld [smem:$0x6F1]  }
0x518: {  	s9 =	ssub.s32 s5, s15;
	s5 =	ssub.s32 s16, s31;
	s31 =	sld [smem:$0x6F2]  }
0x519: {  	v25 =	vsel vm12, s21, v25;
	s21 =	sld [smem:$0x6F5]  }
0x51a: {  	s15 =	sxor.u32 s22, s23;
	s23 =	sld [smem:$0x6F7]  }
0x51b: {  	v27 =	vmov s6;
	s6 =	ssub.s32 s15, s22;
	s22 =	sld [smem:$0x6F6]  }
0x51c: {  	v25 =	vsel vm13, s31, v25;
	s31 =	sld [smem:$0x6FA]  }
0x51d: {  	s15 =	sxor.u32 s18, s19;
	s19 =	sld [smem:$0x6FB]  }
0x51e: {  	v25 =	vsel vm14, s28, v25;
	s28 =	sld [smem:$0x6FF]  }
0x51f: {  	s16 =	sxor.u32 s21, s22;
	s22 =	sld [smem:$0x6FD]  }
0x520: {  	v26 =	vsel vm4, s31, v26;
	s31 =	sld [smem:$0x700]  }
0x521: {  	v27 =	vsel vm0, s4, v27;
	s4 =	ssub.s32 s15, s18;
	s15 =	ssub.s32 s16, s21;
	s21 =	sld [smem:$0x6FC]  }
0x522: {  	s16 =	sxor.u32 s23, s24;
	v26 =	vsel vm5, s20, v26;
	s20 =	sld [smem:$0x702]  }
0x523: {  	(v2sf) =	vpush v22, $0xB;
	v27 =	vsel vm1, s13, v27;
	s13 =	ssub.s32 s16, s23;
	s23 =	sld [smem:$0x6FE];
	v26 =	vsel vm6, s25, v26  }
0x524: {  	(v2sf) =	vpush v22, $0xC;
	v46 =	vsel vm7, s30, v26;
	s30 =	sld [smem:$0x708]  }
0x525: {  	(v2sf) =	vpush v22, $0xD;
	s16 =	sxor.u32 s19, s21;
	s21 =	sld [smem:$0x703]  }
0x526: {  	(v2sf) =	vpush v22, $0xE;
	v22 =	vsel vm8, s26, v46;
	s26 =	sld [smem:$0x70D]  }
0x527: {  	v27 =	vsel vm2, s14, v27;
	s24 =	ssub.s32 s16, s19;
	s19 =	sld [smem:$0x701]  }
0x528: {  	v27 =	vsel vm3, s7, v27;
	s17 =	sxor.u32 s22, s23;
	s23 =	sld [smem:$0x705]  }
0x529: {  	v27 =	vsel vm4, s10, v27;
	v28 =	vmov s13;
	v22 =	vsel vm9, s29, v22;
	s29 =	sld [smem:$0x70E]  }
0x52a: {  	v47 =	vsel vm5, s8, v27;
	v28 =	vsel vm0, s15, v28;
	s16 =	ssub.s32 s17, s22;
	s22 =	sld [smem:$0x704]  }
0x52b: {  	v26 =	vsel vm6, s1, v47;
	s17 =	sxor.u32 s28, s31;
	v48 =	vsel vm1, s24, v28;
	s24 =	sld [smem:$0x706]  }
0x52c: {  	v26 =	vsel vm7, s0, v26;
	s13 =	ssub.s32 s17, s28;
	s28 =	sld [smem:$0x707];
	s7 =	sxor.u32 s19, s20  }
0x52d: {  	v26 =	vsel vm8, s2, v26;
	s10 =	ssub.s32 s7, s19;
	s19 =	sld [smem:$0x709]  }
0x52e: {  	v26 =	vsel vm9, s11, v26;
	s17 =	sxor.u32 s21, s22;
	s25 =	sxor.u32 s23, s24;
	s24 =	sld [smem:$0x70C]  }
0x52f: {  	v26 =	vsel vm10, s3, v26;
	s15 =	ssub.s32 s17, s21;
	s21 =	sld [smem:$0x70A]  }
0x530: {  	v26 =	vsel vm11, s9, v26;
	s14 =	ssub.s32 s25, s23;
	s23 =	sld [smem:$0x70B]  }
0x531: {  	v26 =	vsel vm12, s5, v26;
	s31 =	sxor.u32 s28, s30;
	s30 =	sld [smem:$0x70F]  }
0x532: {  	v27 =	vsel vm2, s16, v48;
	s7 =	spop (drf);
	v26 =	vsel vm13, s6, v26;
	s6 =	sld [smem:$0x716]  }
0x533: {  	v27 =	vsel vm3, s13, v27;
	s8 =	spop (drf);
	s17 =	sld [smem:$0x717]  }
0x534: {  	v27 =	vsel vm4, s10, v27;
	s16 =	ssub.s32 s31, s28;
	s1 =	spop (drf);
	s31 =	sld [smem:$0x710]  }
0x535: {  	v27 =	vsel vm5, s15, v27;
	s15 =	sld [smem:$0x711];
	s0 =	spop (drf)  }
0x536: {  	v27 =	vsel vm6, s14, v27;
	s14 =	rddreg [dreg:$0x13];
	s22 =	sxor.u32 s19, s21;
	s25 =	sxor.u32 s23, s24  }
0x537: {  	s28 =	spop (drf);
	s2 =	ssub.s32 s22, s19;
	s22 =	sld [smem:$0x712]  }
0x538: {  	s10 =	ssub.s32 s25, s23;
	s19 =	spop (drf);
	s23 =	sld [smem:$0x713]  }
0x539: {  	s11 =	sxor.u32 s30, s31;
	s25 =	sld [smem:$0x714];
	s31 =	spop (v2sf)  }
0x53a: {  	s13 =	sxor.u32 s15, s28;
	s28 =	sld [smem:$0x715];
	s21 =	spop (drf)  }
0x53b: {  	v22 =	vsel vm10, s26, v22;
	s11 =	ssub.s32 s11, s30;
	s20 =	ssub.s32 s13, s15;
	s26 =	spop (drf)  }
0x53c: {  	v27 =	vsel vm7, s16, v27;
	s24 =	sxor.u32 s23, s19;
	s3 =	sxor.u32 s25, s21;
	s16 =	spop (drf)  }
0x53d: {  	s15 =	sxor.u32 s6, s26;
	s21 =	spop (v2sf);
	s26 =	sld [smem:$0x719]  }
0x53e: {  	v22 =	vsel vm11, s29, v22;
	s29 =	ssub.s32 s24, s23;
	s30 =	ssub.s32 s3, s25;
	s3 =	sshra.s32 s31, $0x1F  }
0x53f: {  	v27 =	vsel vm8, s2, v27;
	s2 =	ssub.s32 s15, s6;
	s18 =	sxor.u32 s17, s16;
	s23 =	spop (drf)  }
0x540: {  	v22 =	vsel vm12, s12, v22;
	v26 =	vsel vm14, s4, v26;
	s24 =	sld [smem:$0x718];
	s4 =	sshra.s32 s21, $0x1F;
	s25 =	spop (v2sf)  }
0x541: {  	v22 =	vsel vm13, s22, v22;
	s15 =	sld [smem:$0x71C];
	s19 =	sxor.u32 s3, s31;
	s9 =	sxor.u32 s4, s21  }
0x542: {  	v21 =	vshll.u32 v21, $0x3;
	v22 =	vsel vm14, s28, v22;
	v49 =	vmov s29;
	s28 =	spop (drf);
	s5 =	sshra.s32 s25, $0x1F;
	s21 =	sld [smem:$0x71F]  }
0x543: {  	v21 =	vand.u32 $0xFFFFFFC0, v21;
	s31 =	spop (v2sf);
	v28 =	vsel vm0, s20, v49;
	s20 =	ssub.s32 s18, s17;
	s17 =	sld [smem:$0x71D]  }
0x544: {  	v21 =	vor.u32 v3, v21;
	v23 =	vadd.s32 v20, v23;
	s22 =	ssub.s32 s19, s3;
	s29 =	ssub.s32 s9, s4;
	s19 =	sld [smem:$0x71E];
	v28 =	vsel vm1, s30, v28  }
0x545: {  	v29 =	vshll.u32 v23, $0x3;
	v23 =	vshll.u32 v23, $0x2;
	s13 =	sxor.u32 s5, s25;
	s25 =	sld [smem:$0x721];
	v28 =	vsel vm2, s2, v28;
	s2 =	sxor.u32 s26, s23  }
0x546: {  	v29 =	vand.u32 $0xFFFFFFC0, v29;
	v23 =	vand.u32 $0x1C, v23;
	s16 =	spop (drf);
	s30 =	sld [smem:$0x71A];
	v28 =	vsel vm3, s20, v28;
	s2 =	ssub.s32 s2, s26  }
0x547: {  	v23 =	vor.u32 v29, v23;
	v24 =	vadd.s32 v20, v24;
	s6 =	sshra.s32 s31, $0x1F;
	(drf) =	srem.u32 s22, s24;
	v28 =	vsel vm4, s2, v28;
	s2 =	sld [smem:$0x71B]  }
0x548: {  	v23 =	vor.u32 $0x1, v23;
	v30 =	vshll.u32 v24, $0x3;
	v27 =	vsel vm9, s10, v27;
	s10 =	ssub.s32 s13, s5;
	s9 =	sxor.u32 s6, s31;
	s18 =	spop (drf)  }
0x549: {  	v24 =	vshll.u32 v24, $0x2;
	v30 =	vand.u32 $0xFFFFFFC0, v30;
	v25 =	vadd.s32 v20, v25;
	s24 =	sld [smem:$0x720];
	s9 =	ssub.s32 s9, s6;
	s7 =	sxor.u32 s21, s7  }
0x54a: {  	v24 =	vand.u32 $0x1C, v24;
	v51 =	vshll.u32 v25, $0x3;
	v25 =	vshll.u32 v25, $0x2;
	s20 =	spop (drf);
	s7 =	ssub.s32 s7, s21;
	s12 =	sxor.u32 s2, s28  }
0x54b: {  	v24 =	vor.u32 v30, v24;
	v30 =	vand.u32 $0xFFFFFFC0, v51;
	v25 =	vand.u32 $0x1C, v25;
	(drf) =	srem.u32 s29, s30;
	s29 =	sld [smem:$0x722];
	s2 =	ssub.s32 s12, s2  }
0x54c: {  	v24 =	vor.u32 $0x2, v24;
	v25 =	vor.u32 v30, v25;
	s30 =	sld [smem:$0x723];
	(drf) =	srem.u32 s10, s15;
	v28 =	vsel vm5, s2, v28;
	s2 =	sxor.u32 s19, s16  }
0x54d: {  	v25 =	vor.u32 $0x3, v25;
	v26 =	vadd.s32 v20, v26;
	v50 =	vor.u32 s14, v12;
	(drf) =	srem.u32 s9, s17;
	s9 =	sxor.u32 s25, s18;
	s2 =	ssub.s32 s2, s19  }
0x54e: {  	v31 =	vor.u32 s14, v13;
	v53 =	vor.u32 s14, v14;
	s22 =	spop (drf);
	s15 =	sld [smem:$0x725];
	s9 =	ssub.s32 s9, s25;
	v28 =	vsel vm6, s2, v28  }
0x54f: {  	v54 =	vor.u32 s14, v15;
	v33 =	vor.u32 s14, v16;
	s8 =	sxor.u32 s24, s8;
	s23 =	spop (drf);
	v28 =	vsel vm7, s9, v28;
	s9 =	sld [smem:$0x724]  }
0x550: {  	v34 =	vshll.u32 v26, $0x3;
	v26 =	vshll.u32 v26, $0x2;
	v56 =	vor.u32 s14, v17;
	s8 =	ssub.s32 s8, s24;
	s17 =	sld [smem:$0x726];
	s1 =	sxor.u32 s29, s1  }
0x551: {  	v59 =	vor.u32 s14, v18;
	v34 =	vand.u32 $0xFFFFFFC0, v34;
	v26 =	vand.u32 $0x1C, v26;
	s10 =	sxor.u32 s30, s20;
	s1 =	ssub.s32 s1, s29;
	s0 =	sxor.u32 s15, s0  }
0x552: {  	v60 =	vor.u32 s14, v19;
	v26 =	vor.u32 v34, v26;
	v27 =	vsel vm10, s11, v27;
	s31 =	ssub.s32 s10, s30;
	s0 =	ssub.s32 s0, s15;
	s11 =	sxor.u32 s9, s22  }
0x553: {  	v62 =	vor.u32 $0x21, v26;
	v22 =	vadd.s32 v20, v22;
	s26 =	spop (drf);
	s2 =	sxor.u32 s17, s23;
	v28 =	vsel vm8, s31, v28;
	s16 =	ssub.s32 s11, s9  }
0x554: {  	v32 =	vshll.u32 v22, $0x3;
	v27 =	vsel vm11, s7, v27;
	s19 =	sxor.u32 s3, s26;
	s18 =	ssub.s32 s2, s17;
	s28 =	spop (drf);
	v28 =	vsel vm9, s16, v28  }
0x555: {  	v22 =	vshll.u32 v22, $0x2;
	v27 =	vsel vm12, s8, v27;
	s21 =	ssub.s32 s19, s3;
	s20 =	spop (drf);
	s23 =	sxor.u32 s4, s28;
	v28 =	vsel vm10, s18, v28  }
0x556: {  	v52 =	vand.u32 $0xFFFFFFC0, v32;
	v27 =	vsel vm13, s1, v27;
	s24 =	ssub.s32 s23, s4;
	s25 =	sxor.u32 s5, s20;
	s26 =	spop (drf);
	v28 =	vsel vm11, s21, v28  }
0x557: {  	v22 =	vand.u32 $0x1C, v22;
	v27 =	vsel vm14, s0, v27;
	s22 =	simm.s32 $0x120;
	s28 =	ssub.s32 s25, s5;
	s29 =	sxor.u32 s6, s26;
	v28 =	vsel vm12, s24, v28  }
0x558: {  	v22 =	vor.u32 v52, v22;
	v27 =	vadd.s32 v20, v27;
	[tilespmem:v50+s22+$0x0] =	vst.idx.msk $0xffff, v21;
	s30 =	ssub.s32 s29, s6;
	v28 =	vsel vm13, s28, v28  }
0x559: {  	v22 =	vor.u32 $0x20, v22;
	v55 =	vshll.u32 v27, $0x3;
	[tilespmem:v31+s22+$0x0] =	vst.idx.msk $0xffff, v23;
	v28 =	vsel vm14, s30, v28  }
0x55a: {  	p1 =	sne.s32 s14, $0x380;
	v58 =	vshll.u32 v27, $0x2;
	v57 =	vand.u32 $0xFFFFFFC0, v55;
	[tilespmem:v53+s22+$0x0] =	vst.idx.msk $0xffff, v24;
	v20 =	vadd.s32 v20, v28  }
.Ltmp1:
0x55b: {  	v23 =	vand.u32 $0x1C, v58;
	[tilespmem:v54+s22+$0x0] =	vst.idx.msk $0xffff, v25;
	v61 =	vshll.u32 v20, $0x3;
	v20 =	vshll.u32 v20, $0x2;
	(pc) =	sbr.rel @p1 .LBB2_5-.Ltmp1, $4  }
0x55c: {  	v23 =	vor.u32 v57, v23;
	[tilespmem:v33+s22+$0x0] =	vst.idx.msk $0xffff, v22;
	v25 =	vand.u32 $0xFFFFFFC0, v61;
	v20 =	vand.u32 $0x1C, v20  }
0x55d: {  	v63 =	vor.u32 $0x22, v23;
	[tilespmem:v56+s22+$0x0] =	vst.idx.msk $0xffff, v62;
	v20 =	vor.u32 v25, v20  }
0x55e: {  	s31 =	rddreg [dreg:$0xf];
	[tilespmem:v59+s22+$0x0] =	vst.idx.msk $0xffff, v63;
	v20 =	vor.u32 $0x23, v20  }
0x55f: {  	s14 =	sadd.s32 $0x80, s14;
	s0 =	sadd.s32 $0x10, s31;
	s6 =	simm.s32 $0x0;
	[tilespmem:v60+s22+$0x0] =	vst.idx.msk $0xffff, v20  }
0x560: {  	s0 =	simm.s32 @!p0 $0x4  }
0x561: {  	_ =	swait.ge @!p0 [sflag:s0], $0x8000  }
0x562: {  	[sflag:s0] =	ssyncset.done @!p0 $0x0  }
0x563: {  	s1 =	simm.s32 $0x400;
	s2 =	simm.s32 $0x520;
	[sflag:s0] =	ssyncadd.s32 @!p0 $0xFFFF8000  }
0x564: {  	s3 =	simm.s32 $0x8920;
	s25 =	simm.s32 $0x1;
	s0 =	rddreg [dreg:$0x0]  }
0x565: {  	[tilespmem:s3], [sflag:$0x2] =	stream.indirect.gather [hbm4b:s0+s1], $0x20, s2, s1, $0xb8;
	[tilespmem:$0x10920] =	vst v63  }
0x566: {  	_ =	swait.ge [sflag:s25], $0x8000  }
0x567: {  	s29 =	rddreg [dreg:$0xd]  }
0x568: {  	s3 =	sadd.s32 $0x1, s29  }
0x569: {  	[sflag:s25] =	ssyncset.done $0x0;
	s26 =	rddreg [dreg:$0xe];
	p0 =	sne.s32 s3, $0x4  }
.Ltmp2:
0x56a: {  	s30 =	rddreg [dreg:$0xc];
	[sflag:s25] =	ssyncadd.s32 $0xFFFF8000;
	(pc) =	sbr.rel @p0 .LBB2_2-.Ltmp2, $4  }
0x56b: {  	s0 =	sshll.u32 s26, $0xC;
	s1 =	rddreg [dreg:$0x2]  }
0x56c: {  	s28 =	simm.s32 $0x920;
	s31 =	rddreg [dreg:$0xb];
	s0 =	sadd.s32 s1, s0  }
0x56d: {  	[hbm4b:s0+s6] =	stream.linear.scatter [tilespmem:s28], [sflag:$0x3], $0x8000, $0x38;
	[tilespmem:$0x10920] =	vst v63  }
0x56e: {  	s2 =	sadd.s32 $0x100, s30;
	s0 =	sadd.s32 $0x2, s31  }
0x56f: {  	s0 =	simm.s32 $0x2  }
0x570: {  	_ =	swait.ge [sflag:s0], $0x8000  }
0x571: {  	s1 =	simm.s32 $0x8920;
	[sflag:s0] =	ssyncset.done $0x0  }
0x572: {  	s29 =	simm.s32 $0x3;
	s28 =	rddreg [dreg:$0x6];
	[sflag:s0] =	ssyncadd.s32 $0xFFFF8000  }
0x573: {  	[hbm4b:s28+s6] =	stream.linear.scatter [tilespmem:s1], [sflag:$0x4], $0x8000, $0x38;
	[tilespmem:$0x10920] =	vst v63  }
0x574: {  	_ =	swait.ge [sflag:s29], $0x8000  }
0x575: {  	[sflag:s29] =	ssyncset.done $0x0  }
0x576: {  	s30 =	simm.s32 $0x4;
	[sflag:s29] =	ssyncadd.s32 $0xFFFF8000  }
0x577: {  	_ =	swait.ge [sflag:s30], $0x8000  }
0x578: {  	s2 =	rddreg [dreg:$0xa]  }
0x579: {  	s31 =	rddreg [dreg:$0x7];
	s2 =	sadd.s32 $0x1, s2  }
0x57a: {  	p0 =	sne.s32 s2, s31  }
.Ltmp3:
0x57b: {  	_ = 	snop;
	(pc) =	sbr.rel @p0 .LBB2_1-.Ltmp3, $3  }
0x57c: {  	_ =	sdelay $0x1  }
0x57d: {  	[sflag:s30] =	ssyncset.done $0x0  }
0x57e: {  	[sflag:s30] =	ssyncadd.s32 $0xFFFF8000  }
0x57f: {  	_ =	sfence.sel $0x180000  }
0x580: {  	[bflag:$0x0] =	sbarrier.arrive $0xFFFF  }
0x581: {  	_ =	strace $0x90000047  }
0x582: {  	s0 =	stileid.u32;
	[bflag:$0x2] =	sbarrier.arrive $0xFFFF  }
0x583: {  	p0 =	sne.s32 s0, $0x0;
	s0 =	rddreg [dreg:$0x3]  }
0x584: {  	s0 =	sadd.s32 @!p0 $0x100000, s0  }
0x585: {  	[sflag:s0] =	ssyncadd.tile.s32 @!p0 $0x1;
	_ =	shalt  }
.Lfunc_end2:
_tile_overlayer_lowered:
.L_overlay_start_2:
0x586: {  	(tag) =	ssettag $0x2  }
0x587: {  	s0 =	rddreg [dreg:$0x0];
	s2 =	stileid.u32  }
0x588: {  	s1 =	rddreg [dreg:$0x1];
	p0 =	sne.s32 s2, $0x0  }
0x589: {  	s3 =	rddreg [dreg:$0x2];
	[bflag:$0x3] =	sbarrier.arrive $0xFFFF;
	s2 =	simm.s32 @!p0 $0x1C05  }
0x58a: {  	[timem:s3], [sflag:s2] =	dma.local @!p0 [hbm:s0], s1  }
0x58b: {  	s0 =	simm.s32 @!p0 $0x5  }
0x58c: {  	_ =	swait.ge @!p0 [sflag:s0], s1  }
0x58d: {  	s1 =	ssub.s32 @!p0 $0x0, s1;
	[sflag:s0] =	ssyncset.done @!p0 $0x0  }
0x58e: {  	[sflag:s0] =	ssyncadd.s32 @!p0 s1  }
0x58f: {  	[bflag:$0x3] =	sbarrier.arrive $0xFFFF  }
0x590: {  	_ =	shalt  }

</sc_bundles>
